<compile_context>
chip_gen: v7x
topology: tpu7x:2x2x1
jax: 0.10.2.dev20260603
libtpu: 0.0.44.dev20260713+nightly
codegen_flags: <defaults>
</compile_context>

<pallas_src>
import dataclasses

import jax
import jax.numpy as jnp
import numpy as np
from jax import lax
from jax.experimental import pallas as pl
from jax.experimental.pallas import tpu as pltpu
from jax.experimental.pallas import tpu_sc as plsc

N = 2048
CUT2 = 25.0
EPS2 = 1e-10
MAX_EDGES = 120000
NW = 32
ROWS_W = N // NW
LANES = 16
CAP_ROWS = 96
CAP = CAP_ROWS * 128
TRASH = MAX_EDGES + 448
PAD_TOTAL = 120832
SLICE_W = PAD_TOTAL // NW
BLKR = 8
NBLK = ROWS_W // BLKR
SCAP = 2080


def _kmap_body(fr_ref, ft_ref, cr_ref, ct_ref, sc_ref, kmap_ref, cnt_ref):
  fr = fr_ref[...]
  sct = sc_ref[...]

  frel0 = ft_ref[0:1, :] - fr[:, 0:1]
  frel1 = ft_ref[1:2, :] - fr[:, 1:2]
  frel2 = ft_ref[2:3, :] - fr[:, 2:3]
  s0 = jnp.round(frel0)
  s1 = jnp.round(frel1)
  s2 = jnp.round(frel2)
  kf = (1.0 - s0) * 9.0 + (1.0 - s1) * 3.0 + (1.0 - s2)
  ki = kf.astype(jnp.int32)

  cr = cr_ref[...]
  b0 = ct_ref[0:1, :] - cr[:, 0:1]
  b1 = ct_ref[1:2, :] - cr[:, 1:2]
  b2 = ct_ref[2:3, :] - cr[:, 2:3]

  def lane_take(col):
    tab = jnp.broadcast_to(col.reshape(1, 27), (ROWS_W, 27))
    return jnp.take_along_axis(tab, ki, axis=1)

  sc0 = lane_take(sct[:, 0])
  sc1 = lane_take(sct[:, 1])
  sc2 = lane_take(sct[:, 2])

  v0 = b0 + sc0
  v1 = b1 + sc1
  v2 = b2 + sc2
  q0 = v0 * v0
  q1 = v1 * v1
  q2 = v2 * v2
  d2 = (q0 + q1) + q2
  edge = (d2 <= CUT2) & (d2 > EPS2)
  kidx = jnp.where(edge, ki, -1)
  kmap_ref[...] = kidx

  kiota = lax.broadcasted_iota(jnp.int32, (1, 1, 32), 2)
  acc = jnp.zeros((1, 1, 32), jnp.int32)
  for k in range(27):
    ck = jnp.sum(jnp.where(kidx == k, 1, 0))
    acc = jnp.where(kiota == k, ck, acc)
  cnt_ref[...] = acc


def _kmap_call(frac, frac_t, cart, cart_t, shift_cart):
  grid = N // ROWS_W
  return pl.pallas_call(
      _kmap_body,
      grid=(grid,),
      in_specs=[
          pl.BlockSpec((ROWS_W, 3), lambda b: (b, 0)),
          pl.BlockSpec((3, N), lambda b: (0, 0)),
          pl.BlockSpec((ROWS_W, 3), lambda b: (b, 0)),
          pl.BlockSpec((3, N), lambda b: (0, 0)),
          pl.BlockSpec((27, 3), lambda b: (0, 0)),
      ],
      out_specs=[
          pl.BlockSpec((ROWS_W, N), lambda b: (b, 0)),
          pl.BlockSpec((1, 1, 32), lambda b: (b, 0, 0)),
      ],
      out_shape=[
          jax.ShapeDtypeStruct((N, N), jnp.int32),
          jax.ShapeDtypeStruct((NW, 1, 32), jnp.int32),
      ],
  )(frac, frac_t, cart, cart_t, shift_cart)


def _incl_cumsum_rows(c, n):
  sh = 1
  while sh < n:
    z = jnp.zeros((sh, c.shape[1]), c.dtype)
    c = c + jnp.concatenate([z, c[: n - sh, :]], axis=0)
    sh *= 2
  return c


def _incl_cumsum_lanes(c, n):
  sh = 1
  while sh < n:
    z = jnp.zeros((c.shape[0], sh), c.dtype)
    c = c + jnp.concatenate([z, c[:, : n - sh]], axis=1)
    sh *= 2
  return c


def _offsets_body(cnt_ref, offs_ref, nev_ref):
  c = cnt_ref[...].reshape(NW, 32)
  colsum = jnp.sum(c, axis=0).reshape(1, 32)
  prefk = _incl_cumsum_lanes(colsum, 32) - colsum
  rowp = _incl_cumsum_rows(c, NW) - c
  offs_ref[...] = prefk + rowp
  total = jnp.sum(colsum)
  nev_ref[...] = jnp.full((8, 128), total, jnp.int32)


def _offsets_call(counts):
  return pl.pallas_call(
      _offsets_body,
      out_shape=[
          jax.ShapeDtypeStruct((NW, 32), jnp.int32),
          jax.ShapeDtypeStruct((8, 128), jnp.int32),
      ],
  )(counts)


def _sc_mesh():
  return plsc.VectorSubcoreMesh(core_axis_name="c", subcore_axis_name="s")


def _sc_params():
  cp = pltpu.CompilerParams()
  if "needs_layout_passes" in pltpu.CompilerParams.__dataclass_fields__:
    cp = dataclasses.replace(cp, needs_layout_passes=False)
  return cp


def _scatter_kernel(kmap_hbm, offs_hbm, nev_hbm, packed_hbm,
                    rowbuf, rowbuf2, cur, nevbuf, stage, didx, lpack,
                    sem0, sem1, dsem):
  wid = lax.axis_index("s") * 2 + lax.axis_index("c")
  base_row = wid * ROWS_W
  iota = lax.iota(jnp.int32, LANES)
  ones = jnp.ones((LANES,), jnp.int32)
  zeros = jnp.zeros((LANES,), jnp.int32)

  pltpu.sync_copy(offs_hbm.at[pl.ds(wid * 32, 32)], cur)
  pltpu.sync_copy(nev_hbm.at[pl.ds(0, LANES)], nevbuf)

  trash = jnp.full((LANES,), TRASH, jnp.int32)

  @pl.loop(0, CAP_ROWS)
  def _init(r):
    @pl.loop(0, 128 // LANES)
    def _init2(q):
      didx[r, pl.ds(q * LANES, LANES)] = trash

  def append(n, dest, values, mask):
    csm = jnp.cumsum(jnp.where(mask, 1, 0))
    pos = n + csm - 1
    mask = mask & (pos < CAP)
    pr = lax.shift_right_logical(pos, 7)
    pc = pos & 127
    destw = jnp.where(dest < MAX_EDGES, dest, TRASH)
    plsc.store_scatter(didx.at[:], [pr, pc], destw, mask=mask)
    plsc.store_scatter(lpack.at[:], [pr, pc], values, mask=mask)
    return n + jnp.sum(jnp.where(mask, 1, 0))

  del ones

  def blk_dma(ib, buf, sem):
    return pltpu.async_copy(
        kmap_hbm.at[pl.ds((base_row + ib * BLKR) * N, BLKR * N)], buf, sem)

  def blk_wait(ib, buf, sem):
    pltpu.make_async_copy(
        kmap_hbm.at[pl.ds((base_row + ib * BLKR) * N, BLKR * N)], buf,
        sem).wait()

  def process(rbuf, blk_row, n):
    def rb(r, n):
      i_g = blk_row + r
      ibase = i_g << 11

      @plsc.parallel_loop(0, N // LANES, unroll=8, carry=zeros)
      def m_vec(jv, m_vec):
        kvec = rbuf[pl.ds(r * N + jv * LANES, LANES)]
        mask = kvec >= 0
        kcl = kvec & 31
        packed = (kcl << 22) | ibase | (jv * LANES + iota)
        csm = jnp.cumsum(jnp.where(mask, 1, 0))
        pos = m_vec + csm - 1
        mask = mask & (pos < SCAP - LANES)
        plsc.store_scatter(stage.at[:], [pos], packed, mask=mask)
        return m_vec + plsc.all_reduce_population_count(mask)
      m_s = lax.reduce_max(m_vec, axes=(0,))

      def flush(b, n):
        packed = stage[pl.ds(b * LANES, LANES)]
        fmask = (b * LANES + iota) < m_s
        kcl = lax.shift_right_logical(packed, 22) & 31
        r_in, lastm = plsc.scan_count(kcl, fmask)
        curv = plsc.load_gather(cur.at[:], [kcl])
        dest = curv + r_in - 1
        n2 = append(n, dest, packed, fmask)
        plsc.store_scatter(cur.at[:], [kcl], dest + 1,
                           mask=fmask & lastm)
        return n2

      return lax.fori_loop(0, (m_s + LANES - 1) // LANES, flush, n)

    return lax.fori_loop(0, BLKR, rb, n)

  blk_dma(0, rowbuf, sem0)

  def pair_body(t, n):
    b0 = 2 * t
    blk_wait(b0, rowbuf, sem0)
    blk_dma(b0 + 1, rowbuf2, sem1)
    n = process(rowbuf, base_row + b0 * BLKR, n)

    def prefetch(x):
      blk_dma(b0 + 2, rowbuf, sem0)
      return x

    lax.cond(t < NBLK // 2 - 1, prefetch, lambda x: x, 0)
    blk_wait(b0 + 1, rowbuf2, sem1)
    return process(rowbuf2, base_row + (b0 + 1) * BLKR, n)

  n = lax.fori_loop(0, NBLK // 2, pair_body, jnp.int32(0))

  nch = lax.shift_right_logical(n + 127, 7)

  def fire(ci, x):
    pltpu.async_copy(lpack.at[ci], packed_hbm.at[didx.at[ci]], dsem)
    return x

  lax.fori_loop(0, nch, fire, 0)

  def drain(ci, x):
    pltpu.make_async_copy(lpack.at[ci], packed_hbm.at[didx.at[ci]],
                          dsem).wait()
    return x

  lax.fori_loop(0, nch, drain, 0)


def _scatter_call(kmap, offs, nev):
  kern = pl.kernel(
      _scatter_kernel,
      out_type=jax.ShapeDtypeStruct((PAD_TOTAL,), jnp.int32),
      mesh=_sc_mesh(),
      compiler_params=_sc_params(),
      scratch_types=[
          pltpu.VMEM((BLKR * N,), jnp.int32),
          pltpu.VMEM((BLKR * N,), jnp.int32),
          pltpu.VMEM((32,), jnp.int32),
          pltpu.VMEM((LANES,), jnp.int32),
          pltpu.VMEM((SCAP,), jnp.int32),
          pltpu.VMEM((CAP_ROWS, 128), jnp.int32),
          pltpu.VMEM((CAP_ROWS, 128), jnp.int32),
          pltpu.SemaphoreType.DMA,
          pltpu.SemaphoreType.DMA,
          pltpu.SemaphoreType.DMA,
      ],
  )
  return kern(kmap, offs, nev)


def _expand_kernel(packed_hbm, nev_hbm, cart_t_hbm, shift_t_hbm,
                   src_hbm, dst_hbm, sid_hbm, vx_hbm, vy_hbm, vz_hbm,
                   pbuf, nevbuf, osrc, odst, osid, ovx, ovy, ovz,
                   cx, cy, cz, scx, scy, scz):
  wid = lax.axis_index("s") * 2 + lax.axis_index("c")
  base = wid * SLICE_W
  pltpu.sync_copy(packed_hbm.at[pl.ds(base, SLICE_W)], pbuf)
  pltpu.sync_copy(nev_hbm.at[pl.ds(0, LANES)], nevbuf)
  pltpu.sync_copy(cart_t_hbm.at[pl.ds(0, N)], cx)
  pltpu.sync_copy(cart_t_hbm.at[pl.ds(N, N)], cy)
  pltpu.sync_copy(cart_t_hbm.at[pl.ds(2 * N, N)], cz)
  pltpu.sync_copy(shift_t_hbm.at[pl.ds(0, 32)], scx)
  pltpu.sync_copy(shift_t_hbm.at[pl.ds(32, 32)], scy)
  pltpu.sync_copy(shift_t_hbm.at[pl.ds(64, 32)], scz)

  nev_vec = nevbuf[...]
  iota = lax.iota(jnp.int32, LANES)

  @pl.loop(0, SLICE_W // LANES)
  def _(v):
    sl = pl.ds(v * LANES, LANES)
    gpos = base + v * LANES + iota
    p = jnp.where(gpos < nev_vec, pbuf[sl], 0)
    k = lax.shift_right_logical(p, 22) & 31
    i = lax.shift_right_logical(p, 11) & (N - 1)
    j = p & (N - 1)
    osrc[sl] = i
    odst[sl] = j
    osid[sl] = k
    ovx[sl] = (plsc.load_gather(cx.at[:], [j])
               - plsc.load_gather(cx.at[:], [i])) + plsc.load_gather(
                   scx.at[:], [k])
    ovy[sl] = (plsc.load_gather(cy.at[:], [j])
               - plsc.load_gather(cy.at[:], [i])) + plsc.load_gather(
                   scy.at[:], [k])
    ovz[sl] = (plsc.load_gather(cz.at[:], [j])
               - plsc.load_gather(cz.at[:], [i])) + plsc.load_gather(
                   scz.at[:], [k])

  out_sl = pl.ds(base, SLICE_W)
  pltpu.sync_copy(osrc, src_hbm.at[out_sl])
  pltpu.sync_copy(odst, dst_hbm.at[out_sl])
  pltpu.sync_copy(osid, sid_hbm.at[out_sl])
  pltpu.sync_copy(ovx, vx_hbm.at[out_sl])
  pltpu.sync_copy(ovy, vy_hbm.at[out_sl])
  pltpu.sync_copy(ovz, vz_hbm.at[out_sl])


def _expand_call(packed, nev, cart_t, shift_t):
  kern = pl.kernel(
      _expand_kernel,
      out_type=[jax.ShapeDtypeStruct((PAD_TOTAL,), jnp.int32)] * 3
      + [jax.ShapeDtypeStruct((PAD_TOTAL,), jnp.float32)] * 3,
      mesh=_sc_mesh(),
      compiler_params=_sc_params(),
      scratch_types=[
          pltpu.VMEM((SLICE_W,), jnp.int32),
          pltpu.VMEM((LANES,), jnp.int32),
          pltpu.VMEM((SLICE_W,), jnp.int32),
          pltpu.VMEM((SLICE_W,), jnp.int32),
          pltpu.VMEM((SLICE_W,), jnp.int32),
          pltpu.VMEM((SLICE_W,), jnp.float32),
          pltpu.VMEM((SLICE_W,), jnp.float32),
          pltpu.VMEM((SLICE_W,), jnp.float32),
          pltpu.VMEM((N,), jnp.float32),
          pltpu.VMEM((N,), jnp.float32),
          pltpu.VMEM((N,), jnp.float32),
          pltpu.VMEM((32,), jnp.float32),
          pltpu.VMEM((32,), jnp.float32),
          pltpu.VMEM((32,), jnp.float32),
      ],
  )
  return kern(packed, nev, cart_t, shift_t)


def _dist_body(vx_ref, vy_ref, vz_ref, d_ref):
  vx = vx_ref[...]
  vy = vy_ref[...]
  vz = vz_ref[...]
  q = (vx * vx + vy * vy) + vz * vz
  d_ref[...] = jnp.sqrt(q + 1e-12)


def _dist_call(vx, vy, vz):
  return pl.pallas_call(
      _dist_body,
      out_shape=jax.ShapeDtypeStruct((8, PAD_TOTAL // 8), jnp.float32),
  )(vx, vy, vz)


def kernel(frac_coords, lattice):
  frac = frac_coords.astype(jnp.float32)
  cart = frac @ lattice
  g = np.array([-1.0, 0.0, 1.0])
  shifts = np.stack(np.meshgrid(g, g, g, indexing="ij"), axis=-1).reshape(-1, 3)
  shifts = jnp.asarray(shifts, dtype=jnp.float32)
  shift_cart = shifts @ lattice

  frac_t = frac.T
  cart_t = cart.T
  shift_pad = jnp.concatenate(
      [shift_cart, jnp.zeros((5, 3), jnp.float32)], axis=0)
  shift_t = shift_pad.T

  kmap, counts = _kmap_call(frac, frac_t, cart, cart_t, shift_cart)
  offs, nev = _offsets_call(counts)
  packed = _scatter_call(kmap.reshape(-1), offs.reshape(-1), nev.reshape(-1))
  src, dst, sidx, vx, vy, vz = _expand_call(packed, nev.reshape(-1),
                                            cart_t.reshape(-1),
                                            shift_t.reshape(-1))
  dist = _dist_call(vx.reshape(8, -1), vy.reshape(8, -1),
                    vz.reshape(8, -1)).reshape(-1)
  vec = jnp.stack([vx, vy, vz], axis=-1)
  n_edges = nev[0, 0]
  return (src[:MAX_EDGES], dst[:MAX_EDGES], vec[:MAX_EDGES],
          dist[:MAX_EDGES], n_edges)

# --- scband reference (transcript-rebuilt; emitter-appended) ---
"""Pipeline reference for scband-periodic-radius-graph-2121713845179 (READ-ONLY COPY).

The authoritative reference and input builder live on the scoring server;
editing this copy changes nothing except your own understanding.
"""

import jax, jax.numpy as jnp
import numpy as np

CUTOFF = 5.0
MAX_EDGES = 120000

def _shifts():
    g = np.array([-1.0, 0.0, 1.0])
    s = np.stack(np.meshgrid(g, g, g, indexing='ij'), axis=-1).reshape(-1, 3)
    return jnp.asarray(s, dtype=jnp.float32)

def setup_inputs(seed: int = 0) -> dict:
    key = jax.random.key(seed)
    k1, k2 = jax.random.split(key)
    n = 2048
    frac_coords = jax.random.uniform(k1, (n, 3), dtype=jnp.float32)
    lattice = 34.0 * jnp.eye(3, dtype=jnp.float32) + 0.5 * jax.random.uniform(k2, (3, 3), dtype=jnp.float32)
    return {"frac_coords": frac_coords, "lattice": lattice}

def reference(frac_coords, lattice):
    # Periodic radius graph: for every atom pair (i, j) and every periodic image
    # shift s in {-1,0,1}^3, emit an edge if |r_j + s@L - r_i| <= cutoff.
    r2 = CUTOFF * CUTOFF
    cart = frac_coords @ lattice                       # [N, 3] cartesian positions
    shifts = _shifts()                                 # [27, 3] fractional image offsets
    shift_cart = shifts @ lattice                      # [27, 3] cartesian image offsets
    masks = []
    for k in range(shift_cart.shape[0]):
        diff = cart[None, :, :] - cart[:, None, :] + shift_cart[k]  # [N, N, 3] (dst - src + shift)
        d2 = jnp.sum(diff * diff, axis=-1)                           # [N, N]
        masks.append((d2 <= r2) & (d2 > 1e-10))                      # exclude self-edge at zero shift
    mask = jnp.stack(masks, axis=0)                   # [27, N, N]
    sidx, src, dst = jnp.nonzero(mask, size=MAX_EDGES, fill_value=0)
    vec = cart[dst] - cart[src] + shift_cart[sidx]    # [MAX_EDGES, 3] edge displacement vectors
    dist = jnp.sqrt(jnp.sum(vec * vec, axis=-1) + 1e-12)
    n_edges = jnp.sum(mask)
    return src, dst, vec, dist, n_edges

if __name__ == "__main__":
    import jax
    _d = setup_inputs()
    print(jax.jit(kernel)(*tuple(_d.values())))

</pallas_src>

<mosaic_0001>
#map = affine_map<(d0, d1) -> (0)>
module attributes {stable_mosaic.version = 14 : i64} {
  func.func @_expand_kernel(%arg0: i32, %arg1: i32, %arg2: memref<120832xi32, #tpu.memory_space<hbm>>, %arg3: memref<1024xi32, #tpu.memory_space<hbm>>, %arg4: memref<6144xf32, #tpu.memory_space<hbm>>, %arg5: memref<96xf32, #tpu.memory_space<hbm>>, %arg6: memref<120832xi32, #tpu.memory_space<hbm>>, %arg7: memref<120832xi32, #tpu.memory_space<hbm>>, %arg8: memref<120832xi32, #tpu.memory_space<hbm>>, %arg9: memref<120832xf32, #tpu.memory_space<hbm>>, %arg10: memref<120832xf32, #tpu.memory_space<hbm>>, %arg11: memref<120832xf32, #tpu.memory_space<hbm>>, %arg12: memref<3776xi32, #tpu.memory_space<vmem>>, %arg13: memref<16xi32, #tpu.memory_space<vmem>>, %arg14: memref<3776xi32, #tpu.memory_space<vmem>>, %arg15: memref<3776xi32, #tpu.memory_space<vmem>>, %arg16: memref<3776xi32, #tpu.memory_space<vmem>>, %arg17: memref<3776xf32, #tpu.memory_space<vmem>>, %arg18: memref<3776xf32, #tpu.memory_space<vmem>>, %arg19: memref<3776xf32, #tpu.memory_space<vmem>>, %arg20: memref<2048xf32, #tpu.memory_space<vmem>>, %arg21: memref<2048xf32, #tpu.memory_space<vmem>>, %arg22: memref<2048xf32, #tpu.memory_space<vmem>>, %arg23: memref<32xf32, #tpu.memory_space<vmem>>, %arg24: memref<32xf32, #tpu.memory_space<vmem>>, %arg25: memref<32xf32, #tpu.memory_space<vmem>>) attributes {dimension_semantics = [#tpu.dimension_semantics<core_parallel>, #tpu.dimension_semantics<subcore_parallel>], iteration_bounds = array<i64: 2, 16>, scalar_prefetch = 0 : i64, scratch_operands = 14 : i64, tpu.core_type = #tpu.core_type<sc_vector_subcore>, window_params = [{transform_indices = #map}, {transform_indices = #map}, {transform_indices = #map}, {transform_indices = #map}, {transform_indices = #map}, {transform_indices = #map}, {transform_indices = #map}, {transform_indices = #map}, {transform_indices = #map}, {transform_indices = #map}]} {
    %mul3A = arith.constant 2 : i32
    %mul3A_0 = arith.muli %arg1, %mul3A : i32
    %add3A = arith.addi %mul3A_0, %arg0 : i32
    %mul3A_1 = arith.constant 3776 : i32
    %mul3A_2 = arith.muli %add3A, %mul3A_1 : i32
    "tpu.region"() ({
      %run_scoped3A = tpu.sem_alloc : memref<!tpu.dma_semaphore, #tpu.memory_space<semaphore_mem>>
      %dma_start3A = tpu.memref_slice %arg2[%mul3A_2] : memref<120832xi32, #tpu.memory_space<hbm>> -> memref<3776xi32, #tpu.memory_space<hbm>>
      %dma_start3A_8 = tpu.memref_slice %arg2[%mul3A_2] : memref<120832xi32, #tpu.memory_space<hbm>> -> memref<3776xi32, #tpu.memory_space<hbm>>
      tpu.enqueue_dma source(%dma_start3A_8 : memref<3776xi32, #tpu.memory_space<hbm>>) target(%arg12 : memref<3776xi32, #tpu.memory_space<vmem>>) target_semaphore(%run_scoped3A : memref<!tpu.dma_semaphore, #tpu.memory_space<semaphore_mem>>)
      %dma_wait3A = tpu.memref_slice %arg2[%mul3A_2] : memref<120832xi32, #tpu.memory_space<hbm>> -> memref<3776xi32, #tpu.memory_space<hbm>>
      %dma_wait3A_9 = tpu.memref_slice %arg2[%mul3A_2] : memref<120832xi32, #tpu.memory_space<hbm>> -> memref<3776xi32, #tpu.memory_space<hbm>>
      tpu.wait_dma2 semaphore(%run_scoped3A : memref<!tpu.dma_semaphore, #tpu.memory_space<semaphore_mem>>) src(%dma_wait3A_9 : memref<3776xi32, #tpu.memory_space<hbm>>) dst(%arg12 : memref<3776xi32, #tpu.memory_space<vmem>>)
      tpu.yield
    }) : () -> ()
    "tpu.region"() ({
      %run_scoped3A = tpu.sem_alloc : memref<!tpu.dma_semaphore, #tpu.memory_space<semaphore_mem>>
      %dma_start3A = arith.constant 0 : i32
      %dma_start3A_8 = tpu.memref_slice %arg3[%dma_start3A] : memref<1024xi32, #tpu.memory_space<hbm>> -> memref<16xi32, #tpu.memory_space<hbm>>
      %dma_start3A_9 = arith.constant 0 : i32
      %dma_start3A_10 = tpu.memref_slice %arg3[%dma_start3A_9] : memref<1024xi32, #tpu.memory_space<hbm>> -> memref<16xi32, #tpu.memory_space<hbm>>
      tpu.enqueue_dma source(%dma_start3A_10 : memref<16xi32, #tpu.memory_space<hbm>>) target(%arg13 : memref<16xi32, #tpu.memory_space<vmem>>) target_semaphore(%run_scoped3A : memref<!tpu.dma_semaphore, #tpu.memory_space<semaphore_mem>>)
      %dma_wait3A = arith.constant 0 : i32
      %dma_wait3A_11 = tpu.memref_slice %arg3[%dma_wait3A] : memref<1024xi32, #tpu.memory_space<hbm>> -> memref<16xi32, #tpu.memory_space<hbm>>
      %dma_wait3A_12 = arith.constant 0 : i32
      %dma_wait3A_13 = tpu.memref_slice %arg3[%dma_wait3A_12] : memref<1024xi32, #tpu.memory_space<hbm>> -> memref<16xi32, #tpu.memory_space<hbm>>
      tpu.wait_dma2 semaphore(%run_scoped3A : memref<!tpu.dma_semaphore, #tpu.memory_space<semaphore_mem>>) src(%dma_wait3A_13 : memref<16xi32, #tpu.memory_space<hbm>>) dst(%arg13 : memref<16xi32, #tpu.memory_space<vmem>>)
      tpu.yield
    }) : () -> ()
    "tpu.region"() ({
      %run_scoped3A = tpu.sem_alloc : memref<!tpu.dma_semaphore, #tpu.memory_space<semaphore_mem>>
      %dma_start3A = arith.constant 0 : i32
      %dma_start3A_8 = tpu.memref_slice %arg4[%dma_start3A] : memref<6144xf32, #tpu.memory_space<hbm>> -> memref<2048xf32, #tpu.memory_space<hbm>>
      %dma_start3A_9 = arith.constant 0 : i32
      %dma_start3A_10 = tpu.memref_slice %arg4[%dma_start3A_9] : memref<6144xf32, #tpu.memory_space<hbm>> -> memref<2048xf32, #tpu.memory_space<hbm>>
      tpu.enqueue_dma source(%dma_start3A_10 : memref<2048xf32, #tpu.memory_space<hbm>>) target(%arg20 : memref<2048xf32, #tpu.memory_space<vmem>>) target_semaphore(%run_scoped3A : memref<!tpu.dma_semaphore, #tpu.memory_space<semaphore_mem>>)
      %dma_wait3A = arith.constant 0 : i32
      %dma_wait3A_11 = tpu.memref_slice %arg4[%dma_wait3A] : memref<6144xf32, #tpu.memory_space<hbm>> -> memref<2048xf32, #tpu.memory_space<hbm>>
      %dma_wait3A_12 = arith.constant 0 : i32
      %dma_wait3A_13 = tpu.memref_slice %arg4[%dma_wait3A_12] : memref<6144xf32, #tpu.memory_space<hbm>> -> memref<2048xf32, #tpu.memory_space<hbm>>
      tpu.wait_dma2 semaphore(%run_scoped3A : memref<!tpu.dma_semaphore, #tpu.memory_space<semaphore_mem>>) src(%dma_wait3A_13 : memref<2048xf32, #tpu.memory_space<hbm>>) dst(%arg20 : memref<2048xf32, #tpu.memory_space<vmem>>)
      tpu.yield
    }) : () -> ()
    "tpu.region"() ({
      %run_scoped3A = tpu.sem_alloc : memref<!tpu.dma_semaphore, #tpu.memory_space<semaphore_mem>>
      %dma_start3A = arith.constant 2048 : i32
      %dma_start3A_8 = tpu.memref_slice %arg4[%dma_start3A] : memref<6144xf32, #tpu.memory_space<hbm>> -> memref<2048xf32, #tpu.memory_space<hbm>>
      %dma_start3A_9 = arith.constant 2048 : i32
      %dma_start3A_10 = tpu.memref_slice %arg4[%dma_start3A_9] : memref<6144xf32, #tpu.memory_space<hbm>> -> memref<2048xf32, #tpu.memory_space<hbm>>
      tpu.enqueue_dma source(%dma_start3A_10 : memref<2048xf32, #tpu.memory_space<hbm>>) target(%arg21 : memref<2048xf32, #tpu.memory_space<vmem>>) target_semaphore(%run_scoped3A : memref<!tpu.dma_semaphore, #tpu.memory_space<semaphore_mem>>)
      %dma_wait3A = arith.constant 2048 : i32
      %dma_wait3A_11 = tpu.memref_slice %arg4[%dma_wait3A] : memref<6144xf32, #tpu.memory_space<hbm>> -> memref<2048xf32, #tpu.memory_space<hbm>>
      %dma_wait3A_12 = arith.constant 2048 : i32
      %dma_wait3A_13 = tpu.memref_slice %arg4[%dma_wait3A_12] : memref<6144xf32, #tpu.memory_space<hbm>> -> memref<2048xf32, #tpu.memory_space<hbm>>
      tpu.wait_dma2 semaphore(%run_scoped3A : memref<!tpu.dma_semaphore, #tpu.memory_space<semaphore_mem>>) src(%dma_wait3A_13 : memref<2048xf32, #tpu.memory_space<hbm>>) dst(%arg21 : memref<2048xf32, #tpu.memory_space<vmem>>)
      tpu.yield
    }) : () -> ()
    "tpu.region"() ({
      %run_scoped3A = tpu.sem_alloc : memref<!tpu.dma_semaphore, #tpu.memory_space<semaphore_mem>>
      %dma_start3A = arith.constant 4096 : i32
      %dma_start3A_8 = tpu.memref_slice %arg4[%dma_start3A] : memref<6144xf32, #tpu.memory_space<hbm>> -> memref<2048xf32, #tpu.memory_space<hbm>>
      %dma_start3A_9 = arith.constant 4096 : i32
      %dma_start3A_10 = tpu.memref_slice %arg4[%dma_start3A_9] : memref<6144xf32, #tpu.memory_space<hbm>> -> memref<2048xf32, #tpu.memory_space<hbm>>
      tpu.enqueue_dma source(%dma_start3A_10 : memref<2048xf32, #tpu.memory_space<hbm>>) target(%arg22 : memref<2048xf32, #tpu.memory_space<vmem>>) target_semaphore(%run_scoped3A : memref<!tpu.dma_semaphore, #tpu.memory_space<semaphore_mem>>)
      %dma_wait3A = arith.constant 4096 : i32
      %dma_wait3A_11 = tpu.memref_slice %arg4[%dma_wait3A] : memref<6144xf32, #tpu.memory_space<hbm>> -> memref<2048xf32, #tpu.memory_space<hbm>>
      %dma_wait3A_12 = arith.constant 4096 : i32
      %dma_wait3A_13 = tpu.memref_slice %arg4[%dma_wait3A_12] : memref<6144xf32, #tpu.memory_space<hbm>> -> memref<2048xf32, #tpu.memory_space<hbm>>
      tpu.wait_dma2 semaphore(%run_scoped3A : memref<!tpu.dma_semaphore, #tpu.memory_space<semaphore_mem>>) src(%dma_wait3A_13 : memref<2048xf32, #tpu.memory_space<hbm>>) dst(%arg22 : memref<2048xf32, #tpu.memory_space<vmem>>)
      tpu.yield
    }) : () -> ()
    "tpu.region"() ({
      %run_scoped3A = tpu.sem_alloc : memref<!tpu.dma_semaphore, #tpu.memory_space<semaphore_mem>>
      %dma_start3A = arith.constant 0 : i32
      %dma_start3A_8 = tpu.memref_slice %arg5[%dma_start3A] : memref<96xf32, #tpu.memory_space<hbm>> -> memref<32xf32, #tpu.memory_space<hbm>>
      %dma_start3A_9 = arith.constant 0 : i32
      %dma_start3A_10 = tpu.memref_slice %arg5[%dma_start3A_9] : memref<96xf32, #tpu.memory_space<hbm>> -> memref<32xf32, #tpu.memory_space<hbm>>
      tpu.enqueue_dma source(%dma_start3A_10 : memref<32xf32, #tpu.memory_space<hbm>>) target(%arg23 : memref<32xf32, #tpu.memory_space<vmem>>) target_semaphore(%run_scoped3A : memref<!tpu.dma_semaphore, #tpu.memory_space<semaphore_mem>>)
      %dma_wait3A = arith.constant 0 : i32
      %dma_wait3A_11 = tpu.memref_slice %arg5[%dma_wait3A] : memref<96xf32, #tpu.memory_space<hbm>> -> memref<32xf32, #tpu.memory_space<hbm>>
      %dma_wait3A_12 = arith.constant 0 : i32
      %dma_wait3A_13 = tpu.memref_slice %arg5[%dma_wait3A_12] : memref<96xf32, #tpu.memory_space<hbm>> -> memref<32xf32, #tpu.memory_space<hbm>>
      tpu.wait_dma2 semaphore(%run_scoped3A : memref<!tpu.dma_semaphore, #tpu.memory_space<semaphore_mem>>) src(%dma_wait3A_13 : memref<32xf32, #tpu.memory_space<hbm>>) dst(%arg23 : memref<32xf32, #tpu.memory_space<vmem>>)
      tpu.yield
    }) : () -> ()
    "tpu.region"() ({
      %run_scoped3A = tpu.sem_alloc : memref<!tpu.dma_semaphore, #tpu.memory_space<semaphore_mem>>
      %dma_start3A = arith.constant 32 : i32
      %dma_start3A_8 = tpu.memref_slice %arg5[%dma_start3A] : memref<96xf32, #tpu.memory_space<hbm>> -> memref<32xf32, #tpu.memory_space<hbm>>
      %dma_start3A_9 = arith.constant 32 : i32
      %dma_start3A_10 = tpu.memref_slice %arg5[%dma_start3A_9] : memref<96xf32, #tpu.memory_space<hbm>> -> memref<32xf32, #tpu.memory_space<hbm>>
      tpu.enqueue_dma source(%dma_start3A_10 : memref<32xf32, #tpu.memory_space<hbm>>) target(%arg24 : memref<32xf32, #tpu.memory_space<vmem>>) target_semaphore(%run_scoped3A : memref<!tpu.dma_semaphore, #tpu.memory_space<semaphore_mem>>)
      %dma_wait3A = arith.constant 32 : i32
      %dma_wait3A_11 = tpu.memref_slice %arg5[%dma_wait3A] : memref<96xf32, #tpu.memory_space<hbm>> -> memref<32xf32, #tpu.memory_space<hbm>>
      %dma_wait3A_12 = arith.constant 32 : i32
      %dma_wait3A_13 = tpu.memref_slice %arg5[%dma_wait3A_12] : memref<96xf32, #tpu.memory_space<hbm>> -> memref<32xf32, #tpu.memory_space<hbm>>
      tpu.wait_dma2 semaphore(%run_scoped3A : memref<!tpu.dma_semaphore, #tpu.memory_space<semaphore_mem>>) src(%dma_wait3A_13 : memref<32xf32, #tpu.memory_space<hbm>>) dst(%arg24 : memref<32xf32, #tpu.memory_space<vmem>>)
      tpu.yield
    }) : () -> ()
    "tpu.region"() ({
      %run_scoped3A = tpu.sem_alloc : memref<!tpu.dma_semaphore, #tpu.memory_space<semaphore_mem>>
      %dma_start3A = arith.constant 64 : i32
      %dma_start3A_8 = tpu.memref_slice %arg5[%dma_start3A] : memref<96xf32, #tpu.memory_space<hbm>> -> memref<32xf32, #tpu.memory_space<hbm>>
      %dma_start3A_9 = arith.constant 64 : i32
      %dma_start3A_10 = tpu.memref_slice %arg5[%dma_start3A_9] : memref<96xf32, #tpu.memory_space<hbm>> -> memref<32xf32, #tpu.memory_space<hbm>>
      tpu.enqueue_dma source(%dma_start3A_10 : memref<32xf32, #tpu.memory_space<hbm>>) target(%arg25 : memref<32xf32, #tpu.memory_space<vmem>>) target_semaphore(%run_scoped3A : memref<!tpu.dma_semaphore, #tpu.memory_space<semaphore_mem>>)
      %dma_wait3A = arith.constant 64 : i32
      %dma_wait3A_11 = tpu.memref_slice %arg5[%dma_wait3A] : memref<96xf32, #tpu.memory_space<hbm>> -> memref<32xf32, #tpu.memory_space<hbm>>
      %dma_wait3A_12 = arith.constant 64 : i32
      %dma_wait3A_13 = tpu.memref_slice %arg5[%dma_wait3A_12] : memref<96xf32, #tpu.memory_space<hbm>> -> memref<32xf32, #tpu.memory_space<hbm>>
      tpu.wait_dma2 semaphore(%run_scoped3A : memref<!tpu.dma_semaphore, #tpu.memory_space<semaphore_mem>>) src(%dma_wait3A_13 : memref<32xf32, #tpu.memory_space<hbm>>) dst(%arg25 : memref<32xf32, #tpu.memory_space<vmem>>)
      tpu.yield
    }) : () -> ()
    %get3A = arith.constant 0 : index
    %get3A_3 = tpu.vector_load %arg13[%get3A] {strides = array<i32>} : memref<16xi32, #tpu.memory_space<vmem>>, vector<16xi32>,
    %iota3A = tpu.iota {dimensions = array<i32: 0>} : vector<16xi32>
    %scan3A = arith.constant 0 : i32
    %scan3A_4 = arith.constant 236 : i32
    %scan3A_5 = arith.addi %scan3A, %scan3A_4 : i32
    %scan3A_6 = arith.constant 1 : i32
    scf.for %scan3A_8 = %scan3A to %scan3A_5 step %scan3A_6  : i32 {
      %mul3A_9 = arith.constant 1 : i32
      %mul3A_10 = arith.muli %scan3A_8, %mul3A_9 : i32
      %add3A_11 = arith.constant 0 : i32
      %add3A_12 = arith.addi %add3A_11, %mul3A_10 : i32
      %mul3A_13 = arith.constant 16 : i32
      %mul3A_14 = arith.muli %add3A_12, %mul3A_13 : i32
      %mul3A_15 = arith.constant 16 : i32
      %mul3A_16 = arith.muli %add3A_12, %mul3A_15 : i32
      %add3A_17 = arith.addi %mul3A_2, %mul3A_16 : i32
      %add3A_18 = vector.broadcast %add3A_17 : i32 to vector<16xi32>
      %add3A_19 = arith.addi %add3A_18, %iota3A : vector<16xi32>
      %lt3A = arith.cmpi slt, %add3A_19, %get3A_3 : vector<16xi32>
      %get3A_20 = arith.index_cast %mul3A_14 : i32 to index
      %get3A_21 = tpu.vector_load %arg12[%get3A_20] {strides = array<i32>} : memref<3776xi32, #tpu.memory_space<vmem>>, vector<16xi32>,
      %jit3A = arith.constant 0 : i32
      %broadcast_in_dim3A = vector.broadcast %jit3A : i32 to vector<16xi32>
      %select_n3A = arith.select %lt3A, %get3A_21, %broadcast_in_dim3A : vector<16xi1>, vector<16xi32>
      %shift_right_logical3A = arith.constant 22 : i32
      %shift_right_logical3A_22 = vector.broadcast %shift_right_logical3A : i32 to vector<16xi32>
      %shift_right_logical3A_23 = arith.shrui %select_n3A, %shift_right_logical3A_22 : vector<16xi32>
      %and3A = arith.constant 31 : i32
      %and3A_24 = vector.broadcast %and3A : i32 to vector<16xi32>
      %and3A_25 = arith.andi %shift_right_logical3A_23, %and3A_24 : vector<16xi32>
      %shift_right_logical3A_26 = arith.constant 11 : i32
      %shift_right_logical3A_27 = vector.broadcast %shift_right_logical3A_26 : i32 to vector<16xi32>
      %shift_right_logical3A_28 = arith.shrui %select_n3A, %shift_right_logical3A_27 : vector<16xi32>
      %and3A_29 = arith.constant 2047 : i32
      %and3A_30 = vector.broadcast %and3A_29 : i32 to vector<16xi32>
      %and3A_31 = arith.andi %shift_right_logical3A_28, %and3A_30 : vector<16xi32>
      %and3A_32 = arith.constant 2047 : i32
      %and3A_33 = vector.broadcast %and3A_32 : i32 to vector<16xi32>
      %and3A_34 = arith.andi %select_n3A, %and3A_33 : vector<16xi32>
      %swap3A = arith.index_cast %mul3A_14 : i32 to index
      %swap3A_35 = tpu.vector_load %arg14[%swap3A] {strides = array<i32>} : memref<3776xi32, #tpu.memory_space<vmem>>, vector<16xi32>,
      tpu.vector_store %arg14[%swap3A], %and3A_31 {strides = array<i32>} : memref<3776xi32, #tpu.memory_space<vmem>>, vector<16xi32>,
      %swap3A_36 = arith.index_cast %mul3A_14 : i32 to index
      %swap3A_37 = tpu.vector_load %arg15[%swap3A_36] {strides = array<i32>} : memref<3776xi32, #tpu.memory_space<vmem>>, vector<16xi32>,
      tpu.vector_store %arg15[%swap3A_36], %and3A_34 {strides = array<i32>} : memref<3776xi32, #tpu.memory_space<vmem>>, vector<16xi32>,
      %swap3A_38 = arith.index_cast %mul3A_14 : i32 to index
      %swap3A_39 = tpu.vector_load %arg16[%swap3A_38] {strides = array<i32>} : memref<3776xi32, #tpu.memory_space<vmem>>, vector<16xi32>,
      tpu.vector_store %arg16[%swap3A_38], %and3A_25 {strides = array<i32>} : memref<3776xi32, #tpu.memory_space<vmem>>, vector<16xi32>,
      %gather3A = arith.constant 0 : i32
      %gather3A_40 = tpu.memref_slice %arg20[%gather3A] : memref<2048xf32, #tpu.memory_space<vmem>> -> memref<2048xf32, #tpu.memory_space<vmem>>
      %gather3A_41 = tpu.vector_load_idx %gather3A_40[%and3A_34] : memref<2048xf32, #tpu.memory_space<vmem>>[vector<16xi32>], vector<16xf32>,
      %gather3A_42 = arith.constant 0 : i32
      %gather3A_43 = tpu.memref_slice %arg20[%gather3A_42] : memref<2048xf32, #tpu.memory_space<vmem>> -> memref<2048xf32, #tpu.memory_space<vmem>>
      %gather3A_44 = tpu.vector_load_idx %gather3A_43[%and3A_31] : memref<2048xf32, #tpu.memory_space<vmem>>[vector<16xi32>], vector<16xf32>,
      %sub3A = arith.subf %gather3A_41, %gather3A_44 : vector<16xf32>
      %gather3A_45 = arith.constant 0 : i32
      %gather3A_46 = tpu.memref_slice %arg23[%gather3A_45] : memref<32xf32, #tpu.memory_space<vmem>> -> memref<32xf32, #tpu.memory_space<vmem>>
      %gather3A_47 = tpu.vector_load_idx %gather3A_46[%and3A_25] : memref<32xf32, #tpu.memory_space<vmem>>[vector<16xi32>], vector<16xf32>,
      %add3A_48 = arith.addf %sub3A, %gather3A_47 : vector<16xf32>
      %swap3A_49 = arith.index_cast %mul3A_14 : i32 to index
      %swap3A_50 = tpu.vector_load %arg17[%swap3A_49] {strides = array<i32>} : memref<3776xf32, #tpu.memory_space<vmem>>, vector<16xf32>,
      tpu.vector_store %arg17[%swap3A_49], %add3A_48 {strides = array<i32>} : memref<3776xf32, #tpu.memory_space<vmem>>, vector<16xf32>,
      %gather3A_51 = arith.constant 0 : i32
      %gather3A_52 = tpu.memref_slice %arg21[%gather3A_51] : memref<2048xf32, #tpu.memory_space<vmem>> -> memref<2048xf32, #tpu.memory_space<vmem>>
      %gather3A_53 = tpu.vector_load_idx %gather3A_52[%and3A_34] : memref<2048xf32, #tpu.memory_space<vmem>>[vector<16xi32>], vector<16xf32>,
      %gather3A_54 = arith.constant 0 : i32
      %gather3A_55 = tpu.memref_slice %arg21[%gather3A_54] : memref<2048xf32, #tpu.memory_space<vmem>> -> memref<2048xf32, #tpu.memory_space<vmem>>
      %gather3A_56 = tpu.vector_load_idx %gather3A_55[%and3A_31] : memref<2048xf32, #tpu.memory_space<vmem>>[vector<16xi32>], vector<16xf32>,
      %sub3A_57 = arith.subf %gather3A_53, %gather3A_56 : vector<16xf32>
      %gather3A_58 = arith.constant 0 : i32
      %gather3A_59 = tpu.memref_slice %arg24[%gather3A_58] : memref<32xf32, #tpu.memory_space<vmem>> -> memref<32xf32, #tpu.memory_space<vmem>>
      %gather3A_60 = tpu.vector_load_idx %gather3A_59[%and3A_25] : memref<32xf32, #tpu.memory_space<vmem>>[vector<16xi32>], vector<16xf32>,
      %add3A_61 = arith.addf %sub3A_57, %gather3A_60 : vector<16xf32>
      %swap3A_62 = arith.index_cast %mul3A_14 : i32 to index
      %swap3A_63 = tpu.vector_load %arg18[%swap3A_62] {strides = array<i32>} : memref<3776xf32, #tpu.memory_space<vmem>>, vector<16xf32>,
      tpu.vector_store %arg18[%swap3A_62], %add3A_61 {strides = array<i32>} : memref<3776xf32, #tpu.memory_space<vmem>>, vector<16xf32>,
      %gather3A_64 = arith.constant 0 : i32
      %gather3A_65 = tpu.memref_slice %arg22[%gather3A_64] : memref<2048xf32, #tpu.memory_space<vmem>> -> memref<2048xf32, #tpu.memory_space<vmem>>
      %gather3A_66 = tpu.vector_load_idx %gather3A_65[%and3A_34] : memref<2048xf32, #tpu.memory_space<vmem>>[vector<16xi32>], vector<16xf32>,
      %gather3A_67 = arith.constant 0 : i32
      %gather3A_68 = tpu.memref_slice %arg22[%gather3A_67] : memref<2048xf32, #tpu.memory_space<vmem>> -> memref<2048xf32, #tpu.memory_space<vmem>>
      %gather3A_69 = tpu.vector_load_idx %gather3A_68[%and3A_31] : memref<2048xf32, #tpu.memory_space<vmem>>[vector<16xi32>], vector<16xf32>,
      %sub3A_70 = arith.subf %gather3A_66, %gather3A_69 : vector<16xf32>
      %gather3A_71 = arith.constant 0 : i32
      %gather3A_72 = tpu.memref_slice %arg25[%gather3A_71] : memref<32xf32, #tpu.memory_space<vmem>> -> memref<32xf32, #tpu.memory_space<vmem>>
      %gather3A_73 = tpu.vector_load_idx %gather3A_72[%and3A_25] : memref<32xf32, #tpu.memory_space<vmem>>[vector<16xi32>], vector<16xf32>,
      %add3A_74 = arith.addf %sub3A_70, %gather3A_73 : vector<16xf32>
      %swap3A_75 = arith.index_cast %mul3A_14 : i32 to index
      %swap3A_76 = tpu.vector_load %arg19[%swap3A_75] {strides = array<i32>} : memref<3776xf32, #tpu.memory_space<vmem>>, vector<16xf32>,
      tpu.vector_store %arg19[%swap3A_75], %add3A_74 {strides = array<i32>} : memref<3776xf32, #tpu.memory_space<vmem>>, vector<16xf32>,
    }
    %scan3A_7 = arith.constant 236 : i32
    "tpu.region"() ({
      %run_scoped3A = tpu.sem_alloc : memref<!tpu.dma_semaphore, #tpu.memory_space<semaphore_mem>>
      %dma_start3A = tpu.memref_slice %arg6[%mul3A_2] : memref<120832xi32, #tpu.memory_space<hbm>> -> memref<3776xi32, #tpu.memory_space<hbm>>
      %dma_start3A_8 = tpu.memref_slice %arg6[%mul3A_2] : memref<120832xi32, #tpu.memory_space<hbm>> -> memref<3776xi32, #tpu.memory_space<hbm>>
      tpu.enqueue_dma source(%arg14 : memref<3776xi32, #tpu.memory_space<vmem>>) target(%dma_start3A_8 : memref<3776xi32, #tpu.memory_space<hbm>>) target_semaphore(%run_scoped3A : memref<!tpu.dma_semaphore, #tpu.memory_space<semaphore_mem>>)
      %dma_wait3A = tpu.memref_slice %arg6[%mul3A_2] : memref<120832xi32, #tpu.memory_space<hbm>> -> memref<3776xi32, #tpu.memory_space<hbm>>
      %dma_wait3A_9 = tpu.memref_slice %arg6[%mul3A_2] : memref<120832xi32, #tpu.memory_space<hbm>> -> memref<3776xi32, #tpu.memory_space<hbm>>
      tpu.wait_dma2 semaphore(%run_scoped3A : memref<!tpu.dma_semaphore, #tpu.memory_space<semaphore_mem>>) src(%arg14 : memref<3776xi32, #tpu.memory_space<vmem>>) dst(%dma_wait3A_9 : memref<3776xi32, #tpu.memory_space<hbm>>)
      tpu.yield
    }) : () -> ()
    "tpu.region"() ({
      %run_scoped3A = tpu.sem_alloc : memref<!tpu.dma_semaphore, #tpu.memory_space<semaphore_mem>>
      %dma_start3A = tpu.memref_slice %arg7[%mul3A_2] : memref<120832xi32, #tpu.memory_space<hbm>> -> memref<3776xi32, #tpu.memory_space<hbm>>
      %dma_start3A_8 = tpu.memref_slice %arg7[%mul3A_2] : memref<120832xi32, #tpu.memory_space<hbm>> -> memref<3776xi32, #tpu.memory_space<hbm>>
      tpu.enqueue_dma source(%arg15 : memref<3776xi32, #tpu.memory_space<vmem>>) target(%dma_start3A_8 : memref<3776xi32, #tpu.memory_space<hbm>>) target_semaphore(%run_scoped3A : memref<!tpu.dma_semaphore, #tpu.memory_space<semaphore_mem>>)
      %dma_wait3A = tpu.memref_slice %arg7[%mul3A_2] : memref<120832xi32, #tpu.memory_space<hbm>> -> memref<3776xi32, #tpu.memory_space<hbm>>
      %dma_wait3A_9 = tpu.memref_slice %arg7[%mul3A_2] : memref<120832xi32, #tpu.memory_space<hbm>> -> memref<3776xi32, #tpu.memory_space<hbm>>
      tpu.wait_dma2 semaphore(%run_scoped3A : memref<!tpu.dma_semaphore, #tpu.memory_space<semaphore_mem>>) src(%arg15 : memref<3776xi32, #tpu.memory_space<vmem>>) dst(%dma_wait3A_9 : memref<3776xi32, #tpu.memory_space<hbm>>)
      tpu.yield
    }) : () -> ()
    "tpu.region"() ({
      %run_scoped3A = tpu.sem_alloc : memref<!tpu.dma_semaphore, #tpu.memory_space<semaphore_mem>>
      %dma_start3A = tpu.memref_slice %arg8[%mul3A_2] : memref<120832xi32, #tpu.memory_space<hbm>> -> memref<3776xi32, #tpu.memory_space<hbm>>
      %dma_start3A_8 = tpu.memref_slice %arg8[%mul3A_2] : memref<120832xi32, #tpu.memory_space<hbm>> -> memref<3776xi32, #tpu.memory_space<hbm>>
      tpu.enqueue_dma source(%arg16 : memref<3776xi32, #tpu.memory_space<vmem>>) target(%dma_start3A_8 : memref<3776xi32, #tpu.memory_space<hbm>>) target_semaphore(%run_scoped3A : memref<!tpu.dma_semaphore, #tpu.memory_space<semaphore_mem>>)
      %dma_wait3A = tpu.memref_slice %arg8[%mul3A_2] : memref<120832xi32, #tpu.memory_space<hbm>> -> memref<3776xi32, #tpu.memory_space<hbm>>
      %dma_wait3A_9 = tpu.memref_slice %arg8[%mul3A_2] : memref<120832xi32, #tpu.memory_space<hbm>> -> memref<3776xi32, #tpu.memory_space<hbm>>
      tpu.wait_dma2 semaphore(%run_scoped3A : memref<!tpu.dma_semaphore, #tpu.memory_space<semaphore_mem>>) src(%arg16 : memref<3776xi32, #tpu.memory_space<vmem>>) dst(%dma_wait3A_9 : memref<3776xi32, #tpu.memory_space<hbm>>)
      tpu.yield
    }) : () -> ()
    "tpu.region"() ({
      %run_scoped3A = tpu.sem_alloc : memref<!tpu.dma_semaphore, #tpu.memory_space<semaphore_mem>>
      %dma_start3A = tpu.memref_slice %arg9[%mul3A_2] : memref<120832xf32, #tpu.memory_space<hbm>> -> memref<3776xf32, #tpu.memory_space<hbm>>
      %dma_start3A_8 = tpu.memref_slice %arg9[%mul3A_2] : memref<120832xf32, #tpu.memory_space<hbm>> -> memref<3776xf32, #tpu.memory_space<hbm>>
      tpu.enqueue_dma source(%arg17 : memref<3776xf32, #tpu.memory_space<vmem>>) target(%dma_start3A_8 : memref<3776xf32, #tpu.memory_space<hbm>>) target_semaphore(%run_scoped3A : memref<!tpu.dma_semaphore, #tpu.memory_space<semaphore_mem>>)
      %dma_wait3A = tpu.memref_slice %arg9[%mul3A_2] : memref<120832xf32, #tpu.memory_space<hbm>> -> memref<3776xf32, #tpu.memory_space<hbm>>
      %dma_wait3A_9 = tpu.memref_slice %arg9[%mul3A_2] : memref<120832xf32, #tpu.memory_space<hbm>> -> memref<3776xf32, #tpu.memory_space<hbm>>
      tpu.wait_dma2 semaphore(%run_scoped3A : memref<!tpu.dma_semaphore, #tpu.memory_space<semaphore_mem>>) src(%arg17 : memref<3776xf32, #tpu.memory_space<vmem>>) dst(%dma_wait3A_9 : memref<3776xf32, #tpu.memory_space<hbm>>)
      tpu.yield
    }) : () -> ()
    "tpu.region"() ({
      %run_scoped3A = tpu.sem_alloc : memref<!tpu.dma_semaphore, #tpu.memory_space<semaphore_mem>>
      %dma_start3A = tpu.memref_slice %arg10[%mul3A_2] : memref<120832xf32, #tpu.memory_space<hbm>> -> memref<3776xf32, #tpu.memory_space<hbm>>
      %dma_start3A_8 = tpu.memref_slice %arg10[%mul3A_2] : memref<120832xf32, #tpu.memory_space<hbm>> -> memref<3776xf32, #tpu.memory_space<hbm>>
      tpu.enqueue_dma source(%arg18 : memref<3776xf32, #tpu.memory_space<vmem>>) target(%dma_start3A_8 : memref<3776xf32, #tpu.memory_space<hbm>>) target_semaphore(%run_scoped3A : memref<!tpu.dma_semaphore, #tpu.memory_space<semaphore_mem>>)
      %dma_wait3A = tpu.memref_slice %arg10[%mul3A_2] : memref<120832xf32, #tpu.memory_space<hbm>> -> memref<3776xf32, #tpu.memory_space<hbm>>
      %dma_wait3A_9 = tpu.memref_slice %arg10[%mul3A_2] : memref<120832xf32, #tpu.memory_space<hbm>> -> memref<3776xf32, #tpu.memory_space<hbm>>
      tpu.wait_dma2 semaphore(%run_scoped3A : memref<!tpu.dma_semaphore, #tpu.memory_space<semaphore_mem>>) src(%arg18 : memref<3776xf32, #tpu.memory_space<vmem>>) dst(%dma_wait3A_9 : memref<3776xf32, #tpu.memory_space<hbm>>)
      tpu.yield
    }) : () -> ()
    "tpu.region"() ({
      %run_scoped3A = tpu.sem_alloc : memref<!tpu.dma_semaphore, #tpu.memory_space<semaphore_mem>>
      %dma_start3A = tpu.memref_slice %arg11[%mul3A_2] : memref<120832xf32, #tpu.memory_space<hbm>> -> memref<3776xf32, #tpu.memory_space<hbm>>
      %dma_start3A_8 = tpu.memref_slice %arg11[%mul3A_2] : memref<120832xf32, #tpu.memory_space<hbm>> -> memref<3776xf32, #tpu.memory_space<hbm>>
      tpu.enqueue_dma source(%arg19 : memref<3776xf32, #tpu.memory_space<vmem>>) target(%dma_start3A_8 : memref<3776xf32, #tpu.memory_space<hbm>>) target_semaphore(%run_scoped3A : memref<!tpu.dma_semaphore, #tpu.memory_space<semaphore_mem>>)
      %dma_wait3A = tpu.memref_slice %arg11[%mul3A_2] : memref<120832xf32, #tpu.memory_space<hbm>> -> memref<3776xf32, #tpu.memory_space<hbm>>
      %dma_wait3A_9 = tpu.memref_slice %arg11[%mul3A_2] : memref<120832xf32, #tpu.memory_space<hbm>> -> memref<3776xf32, #tpu.memory_space<hbm>>
      tpu.wait_dma2 semaphore(%run_scoped3A : memref<!tpu.dma_semaphore, #tpu.memory_space<semaphore_mem>>) src(%arg19 : memref<3776xf32, #tpu.memory_space<vmem>>) dst(%dma_wait3A_9 : memref<3776xf32, #tpu.memory_space<hbm>>)
      tpu.yield
    }) : () -> ()
    return
  }
}

#map = affine_map<(d0, d1) -> (0)>
module attributes {stable_mosaic.version = 14 : i64} {
  func.func @_scatter_kernel(%arg0: i32, %arg1: i32, %arg2: memref<4194304xi32, #tpu.memory_space<hbm>>, %arg3: memref<1024xi32, #tpu.memory_space<hbm>>, %arg4: memref<1024xi32, #tpu.memory_space<hbm>>, %arg5: memref<120832xi32, #tpu.memory_space<hbm>>, %arg6: memref<16384xi32, #tpu.memory_space<vmem>>, %arg7: memref<16384xi32, #tpu.memory_space<vmem>>, %arg8: memref<32xi32, #tpu.memory_space<vmem>>, %arg9: memref<16xi32, #tpu.memory_space<vmem>>, %arg10: memref<2080xi32, #tpu.memory_space<vmem>>, %arg11: memref<96x128xi32, #tpu.memory_space<vmem>>, %arg12: memref<96x128xi32, #tpu.memory_space<vmem>>, %arg13: memref<!tpu.dma_semaphore, #tpu.memory_space<semaphore_mem>>, %arg14: memref<!tpu.dma_semaphore, #tpu.memory_space<semaphore_mem>>, %arg15: memref<!tpu.dma_semaphore, #tpu.memory_space<semaphore_mem>>) attributes {dimension_semantics = [#tpu.dimension_semantics<core_parallel>, #tpu.dimension_semantics<subcore_parallel>], iteration_bounds = array<i64: 2, 16>, scalar_prefetch = 0 : i64, scratch_operands = 10 : i64, tpu.core_type = #tpu.core_type<sc_vector_subcore>, window_params = [{transform_indices = #map}, {transform_indices = #map}, {transform_indices = #map}, {transform_indices = #map}]} {
    %mul3A = arith.constant 2 : i32
    %mul3A_0 = arith.muli %arg1, %mul3A : i32
    %add3A = arith.addi %mul3A_0, %arg0 : i32
    %mul3A_1 = arith.constant 64 : i32
    %mul3A_2 = arith.muli %add3A, %mul3A_1 : i32
    %iota3A = tpu.iota {dimensions = array<i32: 0>} : vector<16xi32>
    %broadcast_in_dim3A = arith.constant 1 : i32
    %broadcast_in_dim3A_3 = vector.broadcast %broadcast_in_dim3A : i32 to vector<16xi32>
    %broadcast_in_dim3A_4 = arith.constant 0 : i32
    %broadcast_in_dim3A_5 = vector.broadcast %broadcast_in_dim3A_4 : i32 to vector<16xi32>
    %mul3A_6 = arith.constant 32 : i32
    %mul3A_7 = arith.muli %add3A, %mul3A_6 : i32
    "tpu.region"() ({
      %run_scoped3A = tpu.sem_alloc : memref<!tpu.dma_semaphore, #tpu.memory_space<semaphore_mem>>
      %dma_start3A_48 = tpu.memref_slice %arg3[%mul3A_7] : memref<1024xi32, #tpu.memory_space<hbm>> -> memref<32xi32, #tpu.memory_space<hbm>>
      %dma_start3A_49 = tpu.memref_slice %arg3[%mul3A_7] : memref<1024xi32, #tpu.memory_space<hbm>> -> memref<32xi32, #tpu.memory_space<hbm>>
      tpu.enqueue_dma source(%dma_start3A_49 : memref<32xi32, #tpu.memory_space<hbm>>) target(%arg8 : memref<32xi32, #tpu.memory_space<vmem>>) target_semaphore(%run_scoped3A : memref<!tpu.dma_semaphore, #tpu.memory_space<semaphore_mem>>)
      %dma_wait3A = tpu.memref_slice %arg3[%mul3A_7] : memref<1024xi32, #tpu.memory_space<hbm>> -> memref<32xi32, #tpu.memory_space<hbm>>
      %dma_wait3A_50 = tpu.memref_slice %arg3[%mul3A_7] : memref<1024xi32, #tpu.memory_space<hbm>> -> memref<32xi32, #tpu.memory_space<hbm>>
      tpu.wait_dma2 semaphore(%run_scoped3A : memref<!tpu.dma_semaphore, #tpu.memory_space<semaphore_mem>>) src(%dma_wait3A_50 : memref<32xi32, #tpu.memory_space<hbm>>) dst(%arg8 : memref<32xi32, #tpu.memory_space<vmem>>)
      tpu.yield
    }) : () -> ()
    "tpu.region"() ({
      %run_scoped3A = tpu.sem_alloc : memref<!tpu.dma_semaphore, #tpu.memory_space<semaphore_mem>>
      %dma_start3A_48 = arith.constant 0 : i32
      %dma_start3A_49 = tpu.memref_slice %arg4[%dma_start3A_48] : memref<1024xi32, #tpu.memory_space<hbm>> -> memref<16xi32, #tpu.memory_space<hbm>>
      %dma_start3A_50 = arith.constant 0 : i32
      %dma_start3A_51 = tpu.memref_slice %arg4[%dma_start3A_50] : memref<1024xi32, #tpu.memory_space<hbm>> -> memref<16xi32, #tpu.memory_space<hbm>>
      tpu.enqueue_dma source(%dma_start3A_51 : memref<16xi32, #tpu.memory_space<hbm>>) target(%arg9 : memref<16xi32, #tpu.memory_space<vmem>>) target_semaphore(%run_scoped3A : memref<!tpu.dma_semaphore, #tpu.memory_space<semaphore_mem>>)
      %dma_wait3A = arith.constant 0 : i32
      %dma_wait3A_52 = tpu.memref_slice %arg4[%dma_wait3A] : memref<1024xi32, #tpu.memory_space<hbm>> -> memref<16xi32, #tpu.memory_space<hbm>>
      %dma_wait3A_53 = arith.constant 0 : i32
      %dma_wait3A_54 = tpu.memref_slice %arg4[%dma_wait3A_53] : memref<1024xi32, #tpu.memory_space<hbm>> -> memref<16xi32, #tpu.memory_space<hbm>>
      tpu.wait_dma2 semaphore(%run_scoped3A : memref<!tpu.dma_semaphore, #tpu.memory_space<semaphore_mem>>) src(%dma_wait3A_54 : memref<16xi32, #tpu.memory_space<hbm>>) dst(%arg9 : memref<16xi32, #tpu.memory_space<vmem>>)
      tpu.yield
    }) : () -> ()
    %broadcast_in_dim3A_8 = arith.constant 120448 : i32
    %broadcast_in_dim3A_9 = vector.broadcast %broadcast_in_dim3A_8 : i32 to vector<16xi32>
    %scan3A = arith.constant 0 : i32
    %scan3A_10 = arith.constant 96 : i32
    %scan3A_11 = arith.addi %scan3A, %scan3A_10 : i32
    %scan3A_12 = arith.constant 1 : i32
    scf.for %scan3A_48 = %scan3A to %scan3A_11 step %scan3A_12  : i32 {
      %mul3A_49 = arith.constant 1 : i32
      %mul3A_50 = arith.muli %scan3A_48, %mul3A_49 : i32
      %add3A_51 = arith.constant 0 : i32
      %add3A_52 = arith.addi %add3A_51, %mul3A_50 : i32
      %scan3A_53 = arith.constant 0 : i32
      %scan3A_54 = arith.constant 8 : i32
      %scan3A_55 = arith.addi %scan3A_53, %scan3A_54 : i32
      %scan3A_56 = arith.constant 1 : i32
      scf.for %scan3A_58 = %scan3A_53 to %scan3A_55 step %scan3A_56  : i32 {
        %mul3A_59 = arith.constant 1 : i32
        %mul3A_60 = arith.muli %scan3A_58, %mul3A_59 : i32
        %add3A_61 = arith.constant 0 : i32
        %add3A_62 = arith.addi %add3A_61, %mul3A_60 : i32
        %mul3A_63 = arith.constant 16 : i32
        %mul3A_64 = arith.muli %add3A_62, %mul3A_63 : i32
        %swap3A = arith.index_cast %add3A_52 : i32 to index
        %swap3A_65 = arith.index_cast %mul3A_64 : i32 to index
        %swap3A_66 = tpu.vector_load %arg11[%swap3A, %swap3A_65] {strides = array<i32>} : memref<96x128xi32, #tpu.memory_space<vmem>>, vector<16xi32>,
        tpu.vector_store %arg11[%swap3A, %swap3A_65], %broadcast_in_dim3A_9 {strides = array<i32>} : memref<96x128xi32, #tpu.memory_space<vmem>>, vector<16xi32>,
      }
      %scan3A_57 = arith.constant 8 : i32
    }
    %scan3A_13 = arith.constant 96 : i32
    %add3A_14 = arith.constant 0 : i32
    %add3A_15 = arith.addi %mul3A_2, %add3A_14 : i32
    %mul3A_16 = arith.constant 2048 : i32
    %mul3A_17 = arith.muli %add3A_15, %mul3A_16 : i32
    %dma_start3A = tpu.memref_slice %arg2[%mul3A_17] : memref<4194304xi32, #tpu.memory_space<hbm>> -> memref<16384xi32, #tpu.memory_space<hbm>>
    %dma_start3A_18 = tpu.memref_slice %arg2[%mul3A_17] : memref<4194304xi32, #tpu.memory_space<hbm>> -> memref<16384xi32, #tpu.memory_space<hbm>>
    tpu.enqueue_dma source(%dma_start3A_18 : memref<16384xi32, #tpu.memory_space<hbm>>) target(%arg6 : memref<16384xi32, #tpu.memory_space<vmem>>) target_semaphore(%arg13 : memref<!tpu.dma_semaphore, #tpu.memory_space<semaphore_mem>>)
    %scan3A_19 = arith.constant 0 : i32
    %scan3A_20 = arith.constant 0 : i32
    %scan3A_21 = arith.constant 4 : i32
    %scan3A_22 = arith.addi %scan3A_20, %scan3A_21 : i32
    %scan3A_23 = arith.constant 1 : i32
    %scan3A_24 = scf.for %scan3A_48 = %scan3A_20 to %scan3A_22 step %scan3A_23 iter_args(%scan3A_49 = %scan3A_19) -> (i32)  : i32 {
      %mul3A_50 = arith.constant 2 : i32
      %mul3A_51 = arith.muli %mul3A_50, %scan3A_48 : i32
      %mul3A_52 = arith.constant 8 : i32
      %mul3A_53 = arith.muli %mul3A_51, %mul3A_52 : i32
      %add3A_54 = arith.addi %mul3A_2, %mul3A_53 : i32
      %mul3A_55 = arith.constant 2048 : i32
      %mul3A_56 = arith.muli %add3A_54, %mul3A_55 : i32
      %dma_wait3A = tpu.memref_slice %arg2[%mul3A_56] : memref<4194304xi32, #tpu.memory_space<hbm>> -> memref<16384xi32, #tpu.memory_space<hbm>>
      %dma_wait3A_57 = tpu.memref_slice %arg2[%mul3A_56] : memref<4194304xi32, #tpu.memory_space<hbm>> -> memref<16384xi32, #tpu.memory_space<hbm>>
      tpu.wait_dma2 semaphore(%arg13 : memref<!tpu.dma_semaphore, #tpu.memory_space<semaphore_mem>>) src(%dma_wait3A_57 : memref<16384xi32, #tpu.memory_space<hbm>>) dst(%arg6 : memref<16384xi32, #tpu.memory_space<vmem>>)
      %add3A_58 = arith.constant 1 : i32
      %add3A_59 = arith.addi %mul3A_51, %add3A_58 : i32
      %mul3A_60 = arith.constant 8 : i32
      %mul3A_61 = arith.muli %add3A_59, %mul3A_60 : i32
      %add3A_62 = arith.addi %mul3A_2, %mul3A_61 : i32
      %mul3A_63 = arith.constant 2048 : i32
      %mul3A_64 = arith.muli %add3A_62, %mul3A_63 : i32
      %dma_start3A_65 = tpu.memref_slice %arg2[%mul3A_64] : memref<4194304xi32, #tpu.memory_space<hbm>> -> memref<16384xi32, #tpu.memory_space<hbm>>
      %dma_start3A_66 = tpu.memref_slice %arg2[%mul3A_64] : memref<4194304xi32, #tpu.memory_space<hbm>> -> memref<16384xi32, #tpu.memory_space<hbm>>
      tpu.enqueue_dma source(%dma_start3A_66 : memref<16384xi32, #tpu.memory_space<hbm>>) target(%arg7 : memref<16384xi32, #tpu.memory_space<vmem>>) target_semaphore(%arg14 : memref<!tpu.dma_semaphore, #tpu.memory_space<semaphore_mem>>)
      %mul3A_67 = arith.constant 8 : i32
      %mul3A_68 = arith.muli %mul3A_51, %mul3A_67 : i32
      %add3A_69 = arith.addi %mul3A_2, %mul3A_68 : i32
      %scan3A_70 = arith.constant 0 : i32
      %scan3A_71 = arith.constant 8 : i32
      %scan3A_72 = arith.addi %scan3A_70, %scan3A_71 : i32
      %scan3A_73 = arith.constant 1 : i32
      %scan3A_74 = scf.for %scan3A_99 = %scan3A_70 to %scan3A_72 step %scan3A_73 iter_args(%scan3A_100 = %scan3A_49) -> (i32)  : i32 {
        %add3A_101 = arith.addi %add3A_69, %scan3A_99 : i32
        %shift_left3A = arith.constant 11 : i32
        %shift_left3A_102 = arith.shli %add3A_101, %shift_left3A : i32
        %parallel_loop3A = arith.constant 0 : i32
        %parallel_loop3A_103 = arith.constant 128 : i32
        %parallel_loop3A_104 = arith.constant 1 : i32
        %parallel_loop3A_105 = scf.for %parallel_loop3A_144 = %parallel_loop3A to %parallel_loop3A_103 step %parallel_loop3A_104 iter_args(%parallel_loop3A_145 = %broadcast_in_dim3A_5) -> (vector<16xi32>)  : i32 {
          %parallel_loop3A_146 = arith.constant 2048 : i32
          %parallel_loop3A_147 = arith.muli %scan3A_99, %parallel_loop3A_146 : i32
          %parallel_loop3A_148 = arith.constant 16 : i32
          %parallel_loop3A_149 = arith.muli %parallel_loop3A_144, %parallel_loop3A_148 : i32
          %parallel_loop3A_150 = arith.addi %parallel_loop3A_147, %parallel_loop3A_149 : i32
          %parallel_loop3A_151 = arith.index_cast %parallel_loop3A_150 : i32 to index
          %parallel_loop3A_152 = tpu.vector_load %arg6[%parallel_loop3A_151] {strides = array<i32>} : memref<16384xi32, #tpu.memory_space<vmem>>, vector<16xi32>,
          %parallel_loop3A_153 = arith.constant 0 : i32
          %parallel_loop3A_154 = vector.broadcast %parallel_loop3A_153 : i32 to vector<16xi32>
          %parallel_loop3A_155 = arith.cmpi sge, %parallel_loop3A_152, %parallel_loop3A_154 : vector<16xi32>
          %parallel_loop3A_156 = arith.constant 31 : i32
          %parallel_loop3A_157 = vector.broadcast %parallel_loop3A_156 : i32 to vector<16xi32>
          %parallel_loop3A_158 = arith.andi %parallel_loop3A_152, %parallel_loop3A_157 : vector<16xi32>
          %parallel_loop3A_159 = arith.constant 22 : i32
          %parallel_loop3A_160 = vector.broadcast %parallel_loop3A_159 : i32 to vector<16xi32>
          %parallel_loop3A_161 = arith.shli %parallel_loop3A_158, %parallel_loop3A_160 : vector<16xi32>
          %parallel_loop3A_162 = vector.broadcast %shift_left3A_102 : i32 to vector<16xi32>
          %parallel_loop3A_163 = arith.ori %parallel_loop3A_161, %parallel_loop3A_162 : vector<16xi32>
          %parallel_loop3A_164 = arith.constant 16 : i32
          %parallel_loop3A_165 = arith.muli %parallel_loop3A_144, %parallel_loop3A_164 : i32
          %parallel_loop3A_166 = vector.broadcast %parallel_loop3A_165 : i32 to vector<16xi32>
          %parallel_loop3A_167 = arith.addi %parallel_loop3A_166, %iota3A : vector<16xi32>
          %parallel_loop3A_168 = arith.ori %parallel_loop3A_163, %parallel_loop3A_167 : vector<16xi32>
          %parallel_loop3A_169 = arith.constant 1 : i32
          %parallel_loop3A_170 = arith.constant 0 : i32
          %parallel_loop3A_171 = vector.broadcast %parallel_loop3A_169 : i32 to vector<16xi32>
          %parallel_loop3A_172 = vector.broadcast %parallel_loop3A_170 : i32 to vector<16xi32>
          %parallel_loop3A_173 = arith.select %parallel_loop3A_155, %parallel_loop3A_171, %parallel_loop3A_172 : vector<16xi1>, vector<16xi32>
          %parallel_loop3A_174 = arith.constant true
          %parallel_loop3A_175 = vector.broadcast %parallel_loop3A_174 : i1 to vector<16xi1>
          %parallel_loop3A_176 = tpu.scan <sum>, %parallel_loop3A_173 masked %parallel_loop3A_175 : vector<16xi32>, vector<16xi1> -> vector<16xi32>
          %parallel_loop3A_177 = arith.addi %parallel_loop3A_145, %parallel_loop3A_176 : vector<16xi32>
          %parallel_loop3A_178 = arith.constant 1 : i32
          %parallel_loop3A_179 = vector.broadcast %parallel_loop3A_178 : i32 to vector<16xi32>
          %parallel_loop3A_180 = arith.subi %parallel_loop3A_177, %parallel_loop3A_179 : vector<16xi32>
          %parallel_loop3A_181 = arith.constant 2064 : i32
          %parallel_loop3A_182 = vector.broadcast %parallel_loop3A_181 : i32 to vector<16xi32>
          %parallel_loop3A_183 = arith.cmpi slt, %parallel_loop3A_180, %parallel_loop3A_182 : vector<16xi32>
          %parallel_loop3A_184 = arith.andi %parallel_loop3A_155, %parallel_loop3A_183 : vector<16xi1>
          %parallel_loop3A_185 = arith.constant 0 : i32
          %parallel_loop3A_186 = tpu.memref_slice %arg10[%parallel_loop3A_185] : memref<2080xi32, #tpu.memory_space<vmem>> -> memref<2080xi32, #tpu.memory_space<vmem>>
          tpu.vector_store_idx %parallel_loop3A_186[%parallel_loop3A_180], %parallel_loop3A_168 masked %parallel_loop3A_184 : memref<2080xi32, #tpu.memory_space<vmem>>[vector<16xi32>], vector<16xi32>, vector<16xi1>
          %parallel_loop3A_187 = tpu.all_reduce %parallel_loop3A_184 {dim = 0 : i64, kind = #tpu.reduction_kind<sum>} : vector<16xi1> -> vector<16xi32>
          %parallel_loop3A_188 = arith.addi %parallel_loop3A_145, %parallel_loop3A_187 : vector<16xi32>
          scf.yield %parallel_loop3A_188 : vector<16xi32>
        } {sc.loop_unroll_factor = 8 : i64, sc.parallel_access}
        %reduce_max3A = arith.constant true
        %reduce_max3A_106 = vector.broadcast %reduce_max3A : i1 to vector<16xi1>
        %reduce_max3A_107 = arith.constant -2147483648 : i32
        %reduce_max3A_108 = vector.broadcast %reduce_max3A_107 : i32 to vector<16xi32>
        %reduce_max3A_109 = arith.xori %parallel_loop3A_105, %reduce_max3A_108 : vector<16xi32>
        %reduce_max3A_110 = tpu.scan <max>, %reduce_max3A_109 masked %reduce_max3A_106 : vector<16xi32>, vector<16xi1> -> vector<16xi32>
        %reduce_max3A_111 = arith.xori %reduce_max3A_110, %reduce_max3A_108 : vector<16xi32>
        %reduce_max3A_112 = vector.extract %reduce_max3A_111[15] : i32 from vector<16xi32>
        %add3A_113 = arith.constant 16 : i32
        %add3A_114 = arith.addi %reduce_max3A_112, %add3A_113 : i32
        %sub3A = arith.constant 1 : i32
        %sub3A_115 = arith.subi %add3A_114, %sub3A : i32
        %jit3A = arith.constant 16 : i32
        %div3A = arith.divsi %sub3A_115, %jit3A : i32
        %sign3A = arith.constant 0 : i32
        %sign3A_116 = arith.cmpi sgt, %sub3A_115, %sign3A : i32
        %sign3A_117 = arith.extui %sign3A_116 : i1 to i32
        %sign3A_118 = arith.constant 0 : i32
        %sign3A_119 = arith.cmpi slt, %sub3A_115, %sign3A_118 : i32
        %sign3A_120 = arith.extui %sign3A_119 : i1 to i32
        %sign3A_121 = arith.subi %sign3A_117, %sign3A_120 : i32
        %sign3A_122 = arith.constant 0 : i32
        %sign3A_123 = arith.cmpi sgt, %jit3A, %sign3A_122 : i32
        %sign3A_124 = arith.extui %sign3A_123 : i1 to i32
        %sign3A_125 = arith.constant 0 : i32
        %sign3A_126 = arith.cmpi slt, %jit3A, %sign3A_125 : i32
        %sign3A_127 = arith.extui %sign3A_126 : i1 to i32
        %sign3A_128 = arith.subi %sign3A_124, %sign3A_127 : i32
        %ne3A = arith.cmpi ne, %sign3A_121, %sign3A_128 : i32
        %rem3A = arith.remsi %sub3A_115, %jit3A : i32
        %ne3A_129 = arith.constant 0 : i32
        %ne3A_130 = arith.cmpi ne, %rem3A, %ne3A_129 : i32
        %and3A = arith.andi %ne3A, %ne3A_130 : i1
        %sub3A_131 = arith.constant 1 : i32
        %sub3A_132 = arith.subi %div3A, %sub3A_131 : i32
        %select_n3A = arith.select %and3A, %sub3A_132, %div3A : i32
        %while3A_133 = arith.constant 0 : i32
        %while3A_134 = arith.subi %select_n3A, %while3A_133 : i32
        %while3A_135 = arith.addi %while3A_133, %while3A_134 : i32
        %while3A_136 = arith.constant 1 : i32
        %while3A_137 = arith.divsi %while3A_134, %while3A_136 : i32
        %while3A_138 = arith.muli %while3A_137, %while3A_136 : i32
        %while3A_139 = arith.addi %while3A_133, %while3A_138 : i32
        %while3A_140 = arith.constant 1 : i32
        %while3A_141 = scf.for %while3A_144 = %while3A_133 to %while3A_139 step %while3A_140 iter_args(%while3A_145 = %scan3A_100) -> (i32)  : i32 {
          %mul3A_146 = arith.constant 16 : i32
          %mul3A_147 = arith.muli %while3A_144, %mul3A_146 : i32
          %get3A = arith.index_cast %mul3A_147 : i32 to index
          %get3A_148 = tpu.vector_load %arg10[%get3A] {strides = array<i32>} : memref<2080xi32, #tpu.memory_space<vmem>>, vector<16xi32>,
          %mul3A_149 = arith.constant 16 : i32
          %mul3A_150 = arith.muli %while3A_144, %mul3A_149 : i32
          %add3A_151 = vector.broadcast %mul3A_150 : i32 to vector<16xi32>
          %add3A_152 = arith.addi %add3A_151, %iota3A : vector<16xi32>
          %lt3A_153 = vector.broadcast %reduce_max3A_112 : i32 to vector<16xi32>
          %lt3A_154 = arith.cmpi slt, %add3A_152, %lt3A_153 : vector<16xi32>
          %shift_right_logical3A_155 = arith.constant 22 : i32
          %shift_right_logical3A_156 = vector.broadcast %shift_right_logical3A_155 : i32 to vector<16xi32>
          %shift_right_logical3A_157 = arith.shrui %get3A_148, %shift_right_logical3A_156 : vector<16xi32>
          %and3A_158 = arith.constant 31 : i32
          %and3A_159 = vector.broadcast %and3A_158 : i32 to vector<16xi32>
          %and3A_160 = arith.andi %shift_right_logical3A_157, %and3A_159 : vector<16xi32>
          %unique3A, %unique3A_161 = tpu.scan_count mask(%lt3A_154 : vector<16xi1>) value(%and3A_160 : vector<16xi32>) : vector<16xi1>, vector<16xi32>
          %gather3A = arith.constant 0 : i32
          %gather3A_162 = tpu.memref_slice %arg8[%gather3A] : memref<32xi32, #tpu.memory_space<vmem>> -> memref<32xi32, #tpu.memory_space<vmem>>
          %gather3A_163 = tpu.vector_load_idx %gather3A_162[%and3A_160] : memref<32xi32, #tpu.memory_space<vmem>>[vector<16xi32>], vector<16xi32>,
          %add3A_164 = arith.addi %gather3A_163, %unique3A_161 : vector<16xi32>
          %sub3A_165 = arith.constant 1 : i32
          %sub3A_166 = vector.broadcast %sub3A_165 : i32 to vector<16xi32>
          %sub3A_167 = arith.subi %add3A_164, %sub3A_166 : vector<16xi32>
          %jit3A_168 = arith.constant 1 : i32
          %jit3A_169 = arith.constant 0 : i32
          %broadcast_in_dim3A_170 = vector.broadcast %jit3A_168 : i32 to vector<16xi32>
          %broadcast_in_dim3A_171 = vector.broadcast %jit3A_169 : i32 to vector<16xi32>
          %select_n3A_172 = arith.select %lt3A_154, %broadcast_in_dim3A_170, %broadcast_in_dim3A_171 : vector<16xi1>, vector<16xi32>
          %cumsum3A = arith.constant true
          %cumsum3A_173 = vector.broadcast %cumsum3A : i1 to vector<16xi1>
          %cumsum3A_174 = tpu.scan <sum>, %select_n3A_172 masked %cumsum3A_173 : vector<16xi32>, vector<16xi1> -> vector<16xi32>
          %add3A_175 = vector.broadcast %while3A_145 : i32 to vector<16xi32>
          %add3A_176 = arith.addi %add3A_175, %cumsum3A_174 : vector<16xi32>
          %sub3A_177 = arith.constant 1 : i32
          %sub3A_178 = vector.broadcast %sub3A_177 : i32 to vector<16xi32>
          %sub3A_179 = arith.subi %add3A_176, %sub3A_178 : vector<16xi32>
          %lt3A_180 = arith.constant 12288 : i32
          %lt3A_181 = vector.broadcast %lt3A_180 : i32 to vector<16xi32>
          %lt3A_182 = arith.cmpi slt, %sub3A_179, %lt3A_181 : vector<16xi32>
          %and3A_183 = arith.andi %lt3A_154, %lt3A_182 : vector<16xi1>
          %shift_right_logical3A_184 = arith.constant 7 : i32
          %shift_right_logical3A_185 = vector.broadcast %shift_right_logical3A_184 : i32 to vector<16xi32>
          %shift_right_logical3A_186 = arith.shrui %sub3A_179, %shift_right_logical3A_185 : vector<16xi32>
          %and3A_187 = arith.constant 127 : i32
          %and3A_188 = vector.broadcast %and3A_187 : i32 to vector<16xi32>
          %and3A_189 = arith.andi %sub3A_179, %and3A_188 : vector<16xi32>
          %lt3A_190 = arith.constant 120000 : i32
          %lt3A_191 = vector.broadcast %lt3A_190 : i32 to vector<16xi32>
          %lt3A_192 = arith.cmpi slt, %sub3A_167, %lt3A_191 : vector<16xi32>
          %jit3A_193 = arith.constant 120448 : i32
          %broadcast_in_dim3A_194 = vector.broadcast %jit3A_193 : i32 to vector<16xi32>
          %select_n3A_195 = arith.select %lt3A_192, %sub3A_167, %broadcast_in_dim3A_194 : vector<16xi1>, vector<16xi32>
          %scatter3A = arith.constant 0 : i32
          %scatter3A_196 = arith.constant 0 : i32
          %scatter3A_197 = tpu.memref_slice %arg11[%scatter3A, %scatter3A_196] : memref<96x128xi32, #tpu.memory_space<vmem>> -> memref<96x128xi32, #tpu.memory_space<vmem>>
          tpu.vector_store_idx %scatter3A_197[%shift_right_logical3A_186, %and3A_189], %select_n3A_195 masked %and3A_183 : memref<96x128xi32, #tpu.memory_space<vmem>>[vector<16xi32>, vector<16xi32>], vector<16xi32>, vector<16xi1>
          %scatter3A_198 = arith.constant 0 : i32
          %scatter3A_199 = arith.constant 0 : i32
          %scatter3A_200 = tpu.memref_slice %arg12[%scatter3A_198, %scatter3A_199] : memref<96x128xi32, #tpu.memory_space<vmem>> -> memref<96x128xi32, #tpu.memory_space<vmem>>
          tpu.vector_store_idx %scatter3A_200[%shift_right_logical3A_186, %and3A_189], %get3A_148 masked %and3A_183 : memref<96x128xi32, #tpu.memory_space<vmem>>[vector<16xi32>, vector<16xi32>], vector<16xi32>, vector<16xi1>
          %jit3A_201 = arith.constant 1 : i32
          %jit3A_202 = arith.constant 0 : i32
          %broadcast_in_dim3A_203 = vector.broadcast %jit3A_201 : i32 to vector<16xi32>
          %broadcast_in_dim3A_204 = vector.broadcast %jit3A_202 : i32 to vector<16xi32>
          %select_n3A_205 = arith.select %and3A_183, %broadcast_in_dim3A_203, %broadcast_in_dim3A_204 : vector<16xi1>, vector<16xi32>
          %reduce_sum3A = arith.constant true
          %reduce_sum3A_206 = vector.broadcast %reduce_sum3A : i1 to vector<16xi1>
          %reduce_sum3A_207 = tpu.scan <sum>, %select_n3A_205 masked %reduce_sum3A_206 : vector<16xi32>, vector<16xi1> -> vector<16xi32>
          %reduce_sum3A_208 = vector.extract %reduce_sum3A_207[15] : i32 from vector<16xi32>
          %add3A_209 = arith.addi %while3A_145, %reduce_sum3A_208 : i32
          %add3A_210 = arith.constant 1 : i32
          %add3A_211 = vector.broadcast %add3A_210 : i32 to vector<16xi32>
          %add3A_212 = arith.addi %sub3A_167, %add3A_211 : vector<16xi32>
          %and3A_213 = arith.andi %lt3A_154, %unique3A : vector<16xi1>
          %scatter3A_214 = arith.constant 0 : i32
          %scatter3A_215 = tpu.memref_slice %arg8[%scatter3A_214] : memref<32xi32, #tpu.memory_space<vmem>> -> memref<32xi32, #tpu.memory_space<vmem>>
          tpu.vector_store_idx %scatter3A_215[%and3A_160], %add3A_212 masked %and3A_213 : memref<32xi32, #tpu.memory_space<vmem>>[vector<16xi32>], vector<16xi32>, vector<16xi1>
          scf.yield %add3A_209 : i32
        }
        %while3A_142 = arith.constant 1 : i32
        %while3A_143 = scf.for %while3A_144 = %while3A_139 to %while3A_135 step %while3A_142 iter_args(%while3A_145 = %while3A_141) -> (i32)  : i32 {
          %mul3A_146 = arith.constant 16 : i32
          %mul3A_147 = arith.muli %while3A_144, %mul3A_146 : i32
          %get3A = arith.index_cast %mul3A_147 : i32 to index
          %get3A_148 = tpu.vector_load %arg10[%get3A] {strides = array<i32>} : memref<2080xi32, #tpu.memory_space<vmem>>, vector<16xi32>,
          %mul3A_149 = arith.constant 16 : i32
          %mul3A_150 = arith.muli %while3A_144, %mul3A_149 : i32
          %add3A_151 = vector.broadcast %mul3A_150 : i32 to vector<16xi32>
          %add3A_152 = arith.addi %add3A_151, %iota3A : vector<16xi32>
          %lt3A_153 = vector.broadcast %reduce_max3A_112 : i32 to vector<16xi32>
          %lt3A_154 = arith.cmpi slt, %add3A_152, %lt3A_153 : vector<16xi32>
          %shift_right_logical3A_155 = arith.constant 22 : i32
          %shift_right_logical3A_156 = vector.broadcast %shift_right_logical3A_155 : i32 to vector<16xi32>
          %shift_right_logical3A_157 = arith.shrui %get3A_148, %shift_right_logical3A_156 : vector<16xi32>
          %and3A_158 = arith.constant 31 : i32
          %and3A_159 = vector.broadcast %and3A_158 : i32 to vector<16xi32>
          %and3A_160 = arith.andi %shift_right_logical3A_157, %and3A_159 : vector<16xi32>
          %unique3A, %unique3A_161 = tpu.scan_count mask(%lt3A_154 : vector<16xi1>) value(%and3A_160 : vector<16xi32>) : vector<16xi1>, vector<16xi32>
          %gather3A = arith.constant 0 : i32
          %gather3A_162 = tpu.memref_slice %arg8[%gather3A] : memref<32xi32, #tpu.memory_space<vmem>> -> memref<32xi32, #tpu.memory_space<vmem>>
          %gather3A_163 = tpu.vector_load_idx %gather3A_162[%and3A_160] : memref<32xi32, #tpu.memory_space<vmem>>[vector<16xi32>], vector<16xi32>,
          %add3A_164 = arith.addi %gather3A_163, %unique3A_161 : vector<16xi32>
          %sub3A_165 = arith.constant 1 : i32
          %sub3A_166 = vector.broadcast %sub3A_165 : i32 to vector<16xi32>
          %sub3A_167 = arith.subi %add3A_164, %sub3A_166 : vector<16xi32>
          %jit3A_168 = arith.constant 1 : i32
          %jit3A_169 = arith.constant 0 : i32
          %broadcast_in_dim3A_170 = vector.broadcast %jit3A_168 : i32 to vector<16xi32>
          %broadcast_in_dim3A_171 = vector.broadcast %jit3A_169 : i32 to vector<16xi32>
          %select_n3A_172 = arith.select %lt3A_154, %broadcast_in_dim3A_170, %broadcast_in_dim3A_171 : vector<16xi1>, vector<16xi32>
          %cumsum3A = arith.constant true
          %cumsum3A_173 = vector.broadcast %cumsum3A : i1 to vector<16xi1>
          %cumsum3A_174 = tpu.scan <sum>, %select_n3A_172 masked %cumsum3A_173 : vector<16xi32>, vector<16xi1> -> vector<16xi32>
          %add3A_175 = vector.broadcast %while3A_145 : i32 to vector<16xi32>
          %add3A_176 = arith.addi %add3A_175, %cumsum3A_174 : vector<16xi32>
          %sub3A_177 = arith.constant 1 : i32
          %sub3A_178 = vector.broadcast %sub3A_177 : i32 to vector<16xi32>
          %sub3A_179 = arith.subi %add3A_176, %sub3A_178 : vector<16xi32>
          %lt3A_180 = arith.constant 12288 : i32
          %lt3A_181 = vector.broadcast %lt3A_180 : i32 to vector<16xi32>
          %lt3A_182 = arith.cmpi slt, %sub3A_179, %lt3A_181 : vector<16xi32>
          %and3A_183 = arith.andi %lt3A_154, %lt3A_182 : vector<16xi1>
          %shift_right_logical3A_184 = arith.constant 7 : i32
          %shift_right_logical3A_185 = vector.broadcast %shift_right_logical3A_184 : i32 to vector<16xi32>
          %shift_right_logical3A_186 = arith.shrui %sub3A_179, %shift_right_logical3A_185 : vector<16xi32>
          %and3A_187 = arith.constant 127 : i32
          %and3A_188 = vector.broadcast %and3A_187 : i32 to vector<16xi32>
          %and3A_189 = arith.andi %sub3A_179, %and3A_188 : vector<16xi32>
          %lt3A_190 = arith.constant 120000 : i32
          %lt3A_191 = vector.broadcast %lt3A_190 : i32 to vector<16xi32>
          %lt3A_192 = arith.cmpi slt, %sub3A_167, %lt3A_191 : vector<16xi32>
          %jit3A_193 = arith.constant 120448 : i32
          %broadcast_in_dim3A_194 = vector.broadcast %jit3A_193 : i32 to vector<16xi32>
          %select_n3A_195 = arith.select %lt3A_192, %sub3A_167, %broadcast_in_dim3A_194 : vector<16xi1>, vector<16xi32>
          %scatter3A = arith.constant 0 : i32
          %scatter3A_196 = arith.constant 0 : i32
          %scatter3A_197 = tpu.memref_slice %arg11[%scatter3A, %scatter3A_196] : memref<96x128xi32, #tpu.memory_space<vmem>> -> memref<96x128xi32, #tpu.memory_space<vmem>>
          tpu.vector_store_idx %scatter3A_197[%shift_right_logical3A_186, %and3A_189], %select_n3A_195 masked %and3A_183 : memref<96x128xi32, #tpu.memory_space<vmem>>[vector<16xi32>, vector<16xi32>], vector<16xi32>, vector<16xi1>
          %scatter3A_198 = arith.constant 0 : i32
          %scatter3A_199 = arith.constant 0 : i32
          %scatter3A_200 = tpu.memref_slice %arg12[%scatter3A_198, %scatter3A_199] : memref<96x128xi32, #tpu.memory_space<vmem>> -> memref<96x128xi32, #tpu.memory_space<vmem>>
          tpu.vector_store_idx %scatter3A_200[%shift_right_logical3A_186, %and3A_189], %get3A_148 masked %and3A_183 : memref<96x128xi32, #tpu.memory_space<vmem>>[vector<16xi32>, vector<16xi32>], vector<16xi32>, vector<16xi1>
          %jit3A_201 = arith.constant 1 : i32
          %jit3A_202 = arith.constant 0 : i32
          %broadcast_in_dim3A_203 = vector.broadcast %jit3A_201 : i32 to vector<16xi32>
          %broadcast_in_dim3A_204 = vector.broadcast %jit3A_202 : i32 to vector<16xi32>
          %select_n3A_205 = arith.select %and3A_183, %broadcast_in_dim3A_203, %broadcast_in_dim3A_204 : vector<16xi1>, vector<16xi32>
          %reduce_sum3A = arith.constant true
          %reduce_sum3A_206 = vector.broadcast %reduce_sum3A : i1 to vector<16xi1>
          %reduce_sum3A_207 = tpu.scan <sum>, %select_n3A_205 masked %reduce_sum3A_206 : vector<16xi32>, vector<16xi1> -> vector<16xi32>
          %reduce_sum3A_208 = vector.extract %reduce_sum3A_207[15] : i32 from vector<16xi32>
          %add3A_209 = arith.addi %while3A_145, %reduce_sum3A_208 : i32
          %add3A_210 = arith.constant 1 : i32
          %add3A_211 = vector.broadcast %add3A_210 : i32 to vector<16xi32>
          %add3A_212 = arith.addi %sub3A_167, %add3A_211 : vector<16xi32>
          %and3A_213 = arith.andi %lt3A_154, %unique3A : vector<16xi1>
          %scatter3A_214 = arith.constant 0 : i32
          %scatter3A_215 = tpu.memref_slice %arg8[%scatter3A_214] : memref<32xi32, #tpu.memory_space<vmem>> -> memref<32xi32, #tpu.memory_space<vmem>>
          tpu.vector_store_idx %scatter3A_215[%and3A_160], %add3A_212 masked %and3A_213 : memref<32xi32, #tpu.memory_space<vmem>>[vector<16xi32>], vector<16xi32>, vector<16xi1>
          scf.yield %add3A_209 : i32
        }
        scf.yield %while3A_143 : i32
      }
      %scan3A_75 = arith.constant 8 : i32
      %lt3A = arith.constant 3 : i32
      %lt3A_76 = arith.cmpi slt, %scan3A_48, %lt3A : i32
      %convert_element_type3A = arith.extui %lt3A_76 : i1 to i32
      %cond3A = arith.constant 0 : i32
      %cond3A_77 = arith.constant 0 : i32
      %cond3A_78 = arith.cmpi ne, %convert_element_type3A, %cond3A_77 : i32
      scf.if %cond3A_78 {
        %add3A_99 = arith.constant 2 : i32
        %add3A_100 = arith.addi %mul3A_51, %add3A_99 : i32
        %mul3A_101 = arith.constant 8 : i32
        %mul3A_102 = arith.muli %add3A_100, %mul3A_101 : i32
        %add3A_103 = arith.addi %mul3A_2, %mul3A_102 : i32
        %mul3A_104 = arith.constant 2048 : i32
        %mul3A_105 = arith.muli %add3A_103, %mul3A_104 : i32
        %dma_start3A_106 = tpu.memref_slice %arg2[%mul3A_105] : memref<4194304xi32, #tpu.memory_space<hbm>> -> memref<16384xi32, #tpu.memory_space<hbm>>
        %dma_start3A_107 = tpu.memref_slice %arg2[%mul3A_105] : memref<4194304xi32, #tpu.memory_space<hbm>> -> memref<16384xi32, #tpu.memory_space<hbm>>
        tpu.enqueue_dma source(%dma_start3A_107 : memref<16384xi32, #tpu.memory_space<hbm>>) target(%arg6 : memref<16384xi32, #tpu.memory_space<vmem>>) target_semaphore(%arg13 : memref<!tpu.dma_semaphore, #tpu.memory_space<semaphore_mem>>)
      } else {
      }
      %add3A_79 = arith.constant 1 : i32
      %add3A_80 = arith.addi %mul3A_51, %add3A_79 : i32
      %mul3A_81 = arith.constant 8 : i32
      %mul3A_82 = arith.muli %add3A_80, %mul3A_81 : i32
      %add3A_83 = arith.addi %mul3A_2, %mul3A_82 : i32
      %mul3A_84 = arith.constant 2048 : i32
      %mul3A_85 = arith.muli %add3A_83, %mul3A_84 : i32
      %dma_wait3A_86 = tpu.memref_slice %arg2[%mul3A_85] : memref<4194304xi32, #tpu.memory_space<hbm>> -> memref<16384xi32, #tpu.memory_space<hbm>>
      %dma_wait3A_87 = tpu.memref_slice %arg2[%mul3A_85] : memref<4194304xi32, #tpu.memory_space<hbm>> -> memref<16384xi32, #tpu.memory_space<hbm>>
      tpu.wait_dma2 semaphore(%arg14 : memref<!tpu.dma_semaphore, #tpu.memory_space<semaphore_mem>>) src(%dma_wait3A_87 : memref<16384xi32, #tpu.memory_space<hbm>>) dst(%arg7 : memref<16384xi32, #tpu.memory_space<vmem>>)
      %add3A_88 = arith.constant 1 : i32
      %add3A_89 = arith.addi %mul3A_51, %add3A_88 : i32
      %mul3A_90 = arith.constant 8 : i32
      %mul3A_91 = arith.muli %add3A_89, %mul3A_90 : i32
      %add3A_92 = arith.addi %mul3A_2, %mul3A_91 : i32
      %scan3A_93 = arith.constant 0 : i32
      %scan3A_94 = arith.constant 8 : i32
      %scan3A_95 = arith.addi %scan3A_93, %scan3A_94 : i32
      %scan3A_96 = arith.constant 1 : i32
      %scan3A_97 = scf.for %scan3A_99 = %scan3A_93 to %scan3A_95 step %scan3A_96 iter_args(%scan3A_100 = %scan3A_74) -> (i32)  : i32 {
        %add3A_101 = arith.addi %add3A_92, %scan3A_99 : i32
        %shift_left3A = arith.constant 11 : i32
        %shift_left3A_102 = arith.shli %add3A_101, %shift_left3A : i32
        %parallel_loop3A = arith.constant 0 : i32
        %parallel_loop3A_103 = arith.constant 128 : i32
        %parallel_loop3A_104 = arith.constant 1 : i32
        %parallel_loop3A_105 = scf.for %parallel_loop3A_144 = %parallel_loop3A to %parallel_loop3A_103 step %parallel_loop3A_104 iter_args(%parallel_loop3A_145 = %broadcast_in_dim3A_5) -> (vector<16xi32>)  : i32 {
          %parallel_loop3A_146 = arith.constant 2048 : i32
          %parallel_loop3A_147 = arith.muli %scan3A_99, %parallel_loop3A_146 : i32
          %parallel_loop3A_148 = arith.constant 16 : i32
          %parallel_loop3A_149 = arith.muli %parallel_loop3A_144, %parallel_loop3A_148 : i32
          %parallel_loop3A_150 = arith.addi %parallel_loop3A_147, %parallel_loop3A_149 : i32
          %parallel_loop3A_151 = arith.index_cast %parallel_loop3A_150 : i32 to index
          %parallel_loop3A_152 = tpu.vector_load %arg7[%parallel_loop3A_151] {strides = array<i32>} : memref<16384xi32, #tpu.memory_space<vmem>>, vector<16xi32>,
          %parallel_loop3A_153 = arith.constant 0 : i32
          %parallel_loop3A_154 = vector.broadcast %parallel_loop3A_153 : i32 to vector<16xi32>
          %parallel_loop3A_155 = arith.cmpi sge, %parallel_loop3A_152, %parallel_loop3A_154 : vector<16xi32>
          %parallel_loop3A_156 = arith.constant 31 : i32
          %parallel_loop3A_157 = vector.broadcast %parallel_loop3A_156 : i32 to vector<16xi32>
          %parallel_loop3A_158 = arith.andi %parallel_loop3A_152, %parallel_loop3A_157 : vector<16xi32>
          %parallel_loop3A_159 = arith.constant 22 : i32
          %parallel_loop3A_160 = vector.broadcast %parallel_loop3A_159 : i32 to vector<16xi32>
          %parallel_loop3A_161 = arith.shli %parallel_loop3A_158, %parallel_loop3A_160 : vector<16xi32>
          %parallel_loop3A_162 = vector.broadcast %shift_left3A_102 : i32 to vector<16xi32>
          %parallel_loop3A_163 = arith.ori %parallel_loop3A_161, %parallel_loop3A_162 : vector<16xi32>
          %parallel_loop3A_164 = arith.constant 16 : i32
          %parallel_loop3A_165 = arith.muli %parallel_loop3A_144, %parallel_loop3A_164 : i32
          %parallel_loop3A_166 = vector.broadcast %parallel_loop3A_165 : i32 to vector<16xi32>
          %parallel_loop3A_167 = arith.addi %parallel_loop3A_166, %iota3A : vector<16xi32>
          %parallel_loop3A_168 = arith.ori %parallel_loop3A_163, %parallel_loop3A_167 : vector<16xi32>
          %parallel_loop3A_169 = arith.constant 1 : i32
          %parallel_loop3A_170 = arith.constant 0 : i32
          %parallel_loop3A_171 = vector.broadcast %parallel_loop3A_169 : i32 to vector<16xi32>
          %parallel_loop3A_172 = vector.broadcast %parallel_loop3A_170 : i32 to vector<16xi32>
          %parallel_loop3A_173 = arith.select %parallel_loop3A_155, %parallel_loop3A_171, %parallel_loop3A_172 : vector<16xi1>, vector<16xi32>
          %parallel_loop3A_174 = arith.constant true
          %parallel_loop3A_175 = vector.broadcast %parallel_loop3A_174 : i1 to vector<16xi1>
          %parallel_loop3A_176 = tpu.scan <sum>, %parallel_loop3A_173 masked %parallel_loop3A_175 : vector<16xi32>, vector<16xi1> -> vector<16xi32>
          %parallel_loop3A_177 = arith.addi %parallel_loop3A_145, %parallel_loop3A_176 : vector<16xi32>
          %parallel_loop3A_178 = arith.constant 1 : i32
          %parallel_loop3A_179 = vector.broadcast %parallel_loop3A_178 : i32 to vector<16xi32>
          %parallel_loop3A_180 = arith.subi %parallel_loop3A_177, %parallel_loop3A_179 : vector<16xi32>
          %parallel_loop3A_181 = arith.constant 2064 : i32
          %parallel_loop3A_182 = vector.broadcast %parallel_loop3A_181 : i32 to vector<16xi32>
          %parallel_loop3A_183 = arith.cmpi slt, %parallel_loop3A_180, %parallel_loop3A_182 : vector<16xi32>
          %parallel_loop3A_184 = arith.andi %parallel_loop3A_155, %parallel_loop3A_183 : vector<16xi1>
          %parallel_loop3A_185 = arith.constant 0 : i32
          %parallel_loop3A_186 = tpu.memref_slice %arg10[%parallel_loop3A_185] : memref<2080xi32, #tpu.memory_space<vmem>> -> memref<2080xi32, #tpu.memory_space<vmem>>
          tpu.vector_store_idx %parallel_loop3A_186[%parallel_loop3A_180], %parallel_loop3A_168 masked %parallel_loop3A_184 : memref<2080xi32, #tpu.memory_space<vmem>>[vector<16xi32>], vector<16xi32>, vector<16xi1>
          %parallel_loop3A_187 = tpu.all_reduce %parallel_loop3A_184 {dim = 0 : i64, kind = #tpu.reduction_kind<sum>} : vector<16xi1> -> vector<16xi32>
          %parallel_loop3A_188 = arith.addi %parallel_loop3A_145, %parallel_loop3A_187 : vector<16xi32>
          scf.yield %parallel_loop3A_188 : vector<16xi32>
        } {sc.loop_unroll_factor = 8 : i64, sc.parallel_access}
        %reduce_max3A = arith.constant true
        %reduce_max3A_106 = vector.broadcast %reduce_max3A : i1 to vector<16xi1>
        %reduce_max3A_107 = arith.constant -2147483648 : i32
        %reduce_max3A_108 = vector.broadcast %reduce_max3A_107 : i32 to vector<16xi32>
        %reduce_max3A_109 = arith.xori %parallel_loop3A_105, %reduce_max3A_108 : vector<16xi32>
        %reduce_max3A_110 = tpu.scan <max>, %reduce_max3A_109 masked %reduce_max3A_106 : vector<16xi32>, vector<16xi1> -> vector<16xi32>
        %reduce_max3A_111 = arith.xori %reduce_max3A_110, %reduce_max3A_108 : vector<16xi32>
        %reduce_max3A_112 = vector.extract %reduce_max3A_111[15] : i32 from vector<16xi32>
        %add3A_113 = arith.constant 16 : i32
        %add3A_114 = arith.addi %reduce_max3A_112, %add3A_113 : i32
        %sub3A = arith.constant 1 : i32
        %sub3A_115 = arith.subi %add3A_114, %sub3A : i32
        %jit3A = arith.constant 16 : i32
        %div3A = arith.divsi %sub3A_115, %jit3A : i32
        %sign3A = arith.constant 0 : i32
        %sign3A_116 = arith.cmpi sgt, %sub3A_115, %sign3A : i32
        %sign3A_117 = arith.extui %sign3A_116 : i1 to i32
        %sign3A_118 = arith.constant 0 : i32
        %sign3A_119 = arith.cmpi slt, %sub3A_115, %sign3A_118 : i32
        %sign3A_120 = arith.extui %sign3A_119 : i1 to i32
        %sign3A_121 = arith.subi %sign3A_117, %sign3A_120 : i32
        %sign3A_122 = arith.constant 0 : i32
        %sign3A_123 = arith.cmpi sgt, %jit3A, %sign3A_122 : i32
        %sign3A_124 = arith.extui %sign3A_123 : i1 to i32
        %sign3A_125 = arith.constant 0 : i32
        %sign3A_126 = arith.cmpi slt, %jit3A, %sign3A_125 : i32
        %sign3A_127 = arith.extui %sign3A_126 : i1 to i32
        %sign3A_128 = arith.subi %sign3A_124, %sign3A_127 : i32
        %ne3A = arith.cmpi ne, %sign3A_121, %sign3A_128 : i32
        %rem3A = arith.remsi %sub3A_115, %jit3A : i32
        %ne3A_129 = arith.constant 0 : i32
        %ne3A_130 = arith.cmpi ne, %rem3A, %ne3A_129 : i32
        %and3A = arith.andi %ne3A, %ne3A_130 : i1
        %sub3A_131 = arith.constant 1 : i32
        %sub3A_132 = arith.subi %div3A, %sub3A_131 : i32
        %select_n3A = arith.select %and3A, %sub3A_132, %div3A : i32
        %while3A_133 = arith.constant 0 : i32
        %while3A_134 = arith.subi %select_n3A, %while3A_133 : i32
        %while3A_135 = arith.addi %while3A_133, %while3A_134 : i32
        %while3A_136 = arith.constant 1 : i32
        %while3A_137 = arith.divsi %while3A_134, %while3A_136 : i32
        %while3A_138 = arith.muli %while3A_137, %while3A_136 : i32
        %while3A_139 = arith.addi %while3A_133, %while3A_138 : i32
        %while3A_140 = arith.constant 1 : i32
        %while3A_141 = scf.for %while3A_144 = %while3A_133 to %while3A_139 step %while3A_140 iter_args(%while3A_145 = %scan3A_100) -> (i32)  : i32 {
          %mul3A_146 = arith.constant 16 : i32
          %mul3A_147 = arith.muli %while3A_144, %mul3A_146 : i32
          %get3A = arith.index_cast %mul3A_147 : i32 to index
          %get3A_148 = tpu.vector_load %arg10[%get3A] {strides = array<i32>} : memref<2080xi32, #tpu.memory_space<vmem>>, vector<16xi32>,
          %mul3A_149 = arith.constant 16 : i32
          %mul3A_150 = arith.muli %while3A_144, %mul3A_149 : i32
          %add3A_151 = vector.broadcast %mul3A_150 : i32 to vector<16xi32>
          %add3A_152 = arith.addi %add3A_151, %iota3A : vector<16xi32>
          %lt3A_153 = vector.broadcast %reduce_max3A_112 : i32 to vector<16xi32>
          %lt3A_154 = arith.cmpi slt, %add3A_152, %lt3A_153 : vector<16xi32>
          %shift_right_logical3A_155 = arith.constant 22 : i32
          %shift_right_logical3A_156 = vector.broadcast %shift_right_logical3A_155 : i32 to vector<16xi32>
          %shift_right_logical3A_157 = arith.shrui %get3A_148, %shift_right_logical3A_156 : vector<16xi32>
          %and3A_158 = arith.constant 31 : i32
          %and3A_159 = vector.broadcast %and3A_158 : i32 to vector<16xi32>
          %and3A_160 = arith.andi %shift_right_logical3A_157, %and3A_159 : vector<16xi32>
          %unique3A, %unique3A_161 = tpu.scan_count mask(%lt3A_154 : vector<16xi1>) value(%and3A_160 : vector<16xi32>) : vector<16xi1>, vector<16xi32>
          %gather3A = arith.constant 0 : i32
          %gather3A_162 = tpu.memref_slice %arg8[%gather3A] : memref<32xi32, #tpu.memory_space<vmem>> -> memref<32xi32, #tpu.memory_space<vmem>>
          %gather3A_163 = tpu.vector_load_idx %gather3A_162[%and3A_160] : memref<32xi32, #tpu.memory_space<vmem>>[vector<16xi32>], vector<16xi32>,
          %add3A_164 = arith.addi %gather3A_163, %unique3A_161 : vector<16xi32>
          %sub3A_165 = arith.constant 1 : i32
          %sub3A_166 = vector.broadcast %sub3A_165 : i32 to vector<16xi32>
          %sub3A_167 = arith.subi %add3A_164, %sub3A_166 : vector<16xi32>
          %jit3A_168 = arith.constant 1 : i32
          %jit3A_169 = arith.constant 0 : i32
          %broadcast_in_dim3A_170 = vector.broadcast %jit3A_168 : i32 to vector<16xi32>
          %broadcast_in_dim3A_171 = vector.broadcast %jit3A_169 : i32 to vector<16xi32>
          %select_n3A_172 = arith.select %lt3A_154, %broadcast_in_dim3A_170, %broadcast_in_dim3A_171 : vector<16xi1>, vector<16xi32>
          %cumsum3A = arith.constant true
          %cumsum3A_173 = vector.broadcast %cumsum3A : i1 to vector<16xi1>
          %cumsum3A_174 = tpu.scan <sum>, %select_n3A_172 masked %cumsum3A_173 : vector<16xi32>, vector<16xi1> -> vector<16xi32>
          %add3A_175 = vector.broadcast %while3A_145 : i32 to vector<16xi32>
          %add3A_176 = arith.addi %add3A_175, %cumsum3A_174 : vector<16xi32>
          %sub3A_177 = arith.constant 1 : i32
          %sub3A_178 = vector.broadcast %sub3A_177 : i32 to vector<16xi32>
          %sub3A_179 = arith.subi %add3A_176, %sub3A_178 : vector<16xi32>
          %lt3A_180 = arith.constant 12288 : i32
          %lt3A_181 = vector.broadcast %lt3A_180 : i32 to vector<16xi32>
          %lt3A_182 = arith.cmpi slt, %sub3A_179, %lt3A_181 : vector<16xi32>
          %and3A_183 = arith.andi %lt3A_154, %lt3A_182 : vector<16xi1>
          %shift_right_logical3A_184 = arith.constant 7 : i32
          %shift_right_logical3A_185 = vector.broadcast %shift_right_logical3A_184 : i32 to vector<16xi32>
          %shift_right_logical3A_186 = arith.shrui %sub3A_179, %shift_right_logical3A_185 : vector<16xi32>
          %and3A_187 = arith.constant 127 : i32
          %and3A_188 = vector.broadcast %and3A_187 : i32 to vector<16xi32>
          %and3A_189 = arith.andi %sub3A_179, %and3A_188 : vector<16xi32>
          %lt3A_190 = arith.constant 120000 : i32
          %lt3A_191 = vector.broadcast %lt3A_190 : i32 to vector<16xi32>
          %lt3A_192 = arith.cmpi slt, %sub3A_167, %lt3A_191 : vector<16xi32>
          %jit3A_193 = arith.constant 120448 : i32
          %broadcast_in_dim3A_194 = vector.broadcast %jit3A_193 : i32 to vector<16xi32>
          %select_n3A_195 = arith.select %lt3A_192, %sub3A_167, %broadcast_in_dim3A_194 : vector<16xi1>, vector<16xi32>
          %scatter3A = arith.constant 0 : i32
          %scatter3A_196 = arith.constant 0 : i32
          %scatter3A_197 = tpu.memref_slice %arg11[%scatter3A, %scatter3A_196] : memref<96x128xi32, #tpu.memory_space<vmem>> -> memref<96x128xi32, #tpu.memory_space<vmem>>
          tpu.vector_store_idx %scatter3A_197[%shift_right_logical3A_186, %and3A_189], %select_n3A_195 masked %and3A_183 : memref<96x128xi32, #tpu.memory_space<vmem>>[vector<16xi32>, vector<16xi32>], vector<16xi32>, vector<16xi1>
          %scatter3A_198 = arith.constant 0 : i32
          %scatter3A_199 = arith.constant 0 : i32
          %scatter3A_200 = tpu.memref_slice %arg12[%scatter3A_198, %scatter3A_199] : memref<96x128xi32, #tpu.memory_space<vmem>> -> memref<96x128xi32, #tpu.memory_space<vmem>>
          tpu.vector_store_idx %scatter3A_200[%shift_right_logical3A_186, %and3A_189], %get3A_148 masked %and3A_183 : memref<96x128xi32, #tpu.memory_space<vmem>>[vector<16xi32>, vector<16xi32>], vector<16xi32>, vector<16xi1>
          %jit3A_201 = arith.constant 1 : i32
          %jit3A_202 = arith.constant 0 : i32
          %broadcast_in_dim3A_203 = vector.broadcast %jit3A_201 : i32 to vector<16xi32>
          %broadcast_in_dim3A_204 = vector.broadcast %jit3A_202 : i32 to vector<16xi32>
          %select_n3A_205 = arith.select %and3A_183, %broadcast_in_dim3A_203, %broadcast_in_dim3A_204 : vector<16xi1>, vector<16xi32>
          %reduce_sum3A = arith.constant true
          %reduce_sum3A_206 = vector.broadcast %reduce_sum3A : i1 to vector<16xi1>
          %reduce_sum3A_207 = tpu.scan <sum>, %select_n3A_205 masked %reduce_sum3A_206 : vector<16xi32>, vector<16xi1> -> vector<16xi32>
          %reduce_sum3A_208 = vector.extract %reduce_sum3A_207[15] : i32 from vector<16xi32>
          %add3A_209 = arith.addi %while3A_145, %reduce_sum3A_208 : i32
          %add3A_210 = arith.constant 1 : i32
          %add3A_211 = vector.broadcast %add3A_210 : i32 to vector<16xi32>
          %add3A_212 = arith.addi %sub3A_167, %add3A_211 : vector<16xi32>
          %and3A_213 = arith.andi %lt3A_154, %unique3A : vector<16xi1>
          %scatter3A_214 = arith.constant 0 : i32
          %scatter3A_215 = tpu.memref_slice %arg8[%scatter3A_214] : memref<32xi32, #tpu.memory_space<vmem>> -> memref<32xi32, #tpu.memory_space<vmem>>
          tpu.vector_store_idx %scatter3A_215[%and3A_160], %add3A_212 masked %and3A_213 : memref<32xi32, #tpu.memory_space<vmem>>[vector<16xi32>], vector<16xi32>, vector<16xi1>
          scf.yield %add3A_209 : i32
        }
        %while3A_142 = arith.constant 1 : i32
        %while3A_143 = scf.for %while3A_144 = %while3A_139 to %while3A_135 step %while3A_142 iter_args(%while3A_145 = %while3A_141) -> (i32)  : i32 {
          %mul3A_146 = arith.constant 16 : i32
          %mul3A_147 = arith.muli %while3A_144, %mul3A_146 : i32
          %get3A = arith.index_cast %mul3A_147 : i32 to index
          %get3A_148 = tpu.vector_load %arg10[%get3A] {strides = array<i32>} : memref<2080xi32, #tpu.memory_space<vmem>>, vector<16xi32>,
          %mul3A_149 = arith.constant 16 : i32
          %mul3A_150 = arith.muli %while3A_144, %mul3A_149 : i32
          %add3A_151 = vector.broadcast %mul3A_150 : i32 to vector<16xi32>
          %add3A_152 = arith.addi %add3A_151, %iota3A : vector<16xi32>
          %lt3A_153 = vector.broadcast %reduce_max3A_112 : i32 to vector<16xi32>
          %lt3A_154 = arith.cmpi slt, %add3A_152, %lt3A_153 : vector<16xi32>
          %shift_right_logical3A_155 = arith.constant 22 : i32
          %shift_right_logical3A_156 = vector.broadcast %shift_right_logical3A_155 : i32 to vector<16xi32>
          %shift_right_logical3A_157 = arith.shrui %get3A_148, %shift_right_logical3A_156 : vector<16xi32>
          %and3A_158 = arith.constant 31 : i32
          %and3A_159 = vector.broadcast %and3A_158 : i32 to vector<16xi32>
          %and3A_160 = arith.andi %shift_right_logical3A_157, %and3A_159 : vector<16xi32>
          %unique3A, %unique3A_161 = tpu.scan_count mask(%lt3A_154 : vector<16xi1>) value(%and3A_160 : vector<16xi32>) : vector<16xi1>, vector<16xi32>
          %gather3A = arith.constant 0 : i32
          %gather3A_162 = tpu.memref_slice %arg8[%gather3A] : memref<32xi32, #tpu.memory_space<vmem>> -> memref<32xi32, #tpu.memory_space<vmem>>
          %gather3A_163 = tpu.vector_load_idx %gather3A_162[%and3A_160] : memref<32xi32, #tpu.memory_space<vmem>>[vector<16xi32>], vector<16xi32>,
          %add3A_164 = arith.addi %gather3A_163, %unique3A_161 : vector<16xi32>
          %sub3A_165 = arith.constant 1 : i32
          %sub3A_166 = vector.broadcast %sub3A_165 : i32 to vector<16xi32>
          %sub3A_167 = arith.subi %add3A_164, %sub3A_166 : vector<16xi32>
          %jit3A_168 = arith.constant 1 : i32
          %jit3A_169 = arith.constant 0 : i32
          %broadcast_in_dim3A_170 = vector.broadcast %jit3A_168 : i32 to vector<16xi32>
          %broadcast_in_dim3A_171 = vector.broadcast %jit3A_169 : i32 to vector<16xi32>
          %select_n3A_172 = arith.select %lt3A_154, %broadcast_in_dim3A_170, %broadcast_in_dim3A_171 : vector<16xi1>, vector<16xi32>
          %cumsum3A = arith.constant true
          %cumsum3A_173 = vector.broadcast %cumsum3A : i1 to vector<16xi1>
          %cumsum3A_174 = tpu.scan <sum>, %select_n3A_172 masked %cumsum3A_173 : vector<16xi32>, vector<16xi1> -> vector<16xi32>
          %add3A_175 = vector.broadcast %while3A_145 : i32 to vector<16xi32>
          %add3A_176 = arith.addi %add3A_175, %cumsum3A_174 : vector<16xi32>
          %sub3A_177 = arith.constant 1 : i32
          %sub3A_178 = vector.broadcast %sub3A_177 : i32 to vector<16xi32>
          %sub3A_179 = arith.subi %add3A_176, %sub3A_178 : vector<16xi32>
          %lt3A_180 = arith.constant 12288 : i32
          %lt3A_181 = vector.broadcast %lt3A_180 : i32 to vector<16xi32>
          %lt3A_182 = arith.cmpi slt, %sub3A_179, %lt3A_181 : vector<16xi32>
          %and3A_183 = arith.andi %lt3A_154, %lt3A_182 : vector<16xi1>
          %shift_right_logical3A_184 = arith.constant 7 : i32
          %shift_right_logical3A_185 = vector.broadcast %shift_right_logical3A_184 : i32 to vector<16xi32>
          %shift_right_logical3A_186 = arith.shrui %sub3A_179, %shift_right_logical3A_185 : vector<16xi32>
          %and3A_187 = arith.constant 127 : i32
          %and3A_188 = vector.broadcast %and3A_187 : i32 to vector<16xi32>
          %and3A_189 = arith.andi %sub3A_179, %and3A_188 : vector<16xi32>
          %lt3A_190 = arith.constant 120000 : i32
          %lt3A_191 = vector.broadcast %lt3A_190 : i32 to vector<16xi32>
          %lt3A_192 = arith.cmpi slt, %sub3A_167, %lt3A_191 : vector<16xi32>
          %jit3A_193 = arith.constant 120448 : i32
          %broadcast_in_dim3A_194 = vector.broadcast %jit3A_193 : i32 to vector<16xi32>
          %select_n3A_195 = arith.select %lt3A_192, %sub3A_167, %broadcast_in_dim3A_194 : vector<16xi1>, vector<16xi32>
          %scatter3A = arith.constant 0 : i32
          %scatter3A_196 = arith.constant 0 : i32
          %scatter3A_197 = tpu.memref_slice %arg11[%scatter3A, %scatter3A_196] : memref<96x128xi32, #tpu.memory_space<vmem>> -> memref<96x128xi32, #tpu.memory_space<vmem>>
          tpu.vector_store_idx %scatter3A_197[%shift_right_logical3A_186, %and3A_189], %select_n3A_195 masked %and3A_183 : memref<96x128xi32, #tpu.memory_space<vmem>>[vector<16xi32>, vector<16xi32>], vector<16xi32>, vector<16xi1>
          %scatter3A_198 = arith.constant 0 : i32
          %scatter3A_199 = arith.constant 0 : i32
          %scatter3A_200 = tpu.memref_slice %arg12[%scatter3A_198, %scatter3A_199] : memref<96x128xi32, #tpu.memory_space<vmem>> -> memref<96x128xi32, #tpu.memory_space<vmem>>
          tpu.vector_store_idx %scatter3A_200[%shift_right_logical3A_186, %and3A_189], %get3A_148 masked %and3A_183 : memref<96x128xi32, #tpu.memory_space<vmem>>[vector<16xi32>, vector<16xi32>], vector<16xi32>, vector<16xi1>
          %jit3A_201 = arith.constant 1 : i32
          %jit3A_202 = arith.constant 0 : i32
          %broadcast_in_dim3A_203 = vector.broadcast %jit3A_201 : i32 to vector<16xi32>
          %broadcast_in_dim3A_204 = vector.broadcast %jit3A_202 : i32 to vector<16xi32>
          %select_n3A_205 = arith.select %and3A_183, %broadcast_in_dim3A_203, %broadcast_in_dim3A_204 : vector<16xi1>, vector<16xi32>
          %reduce_sum3A = arith.constant true
          %reduce_sum3A_206 = vector.broadcast %reduce_sum3A : i1 to vector<16xi1>
          %reduce_sum3A_207 = tpu.scan <sum>, %select_n3A_205 masked %reduce_sum3A_206 : vector<16xi32>, vector<16xi1> -> vector<16xi32>
          %reduce_sum3A_208 = vector.extract %reduce_sum3A_207[15] : i32 from vector<16xi32>
          %add3A_209 = arith.addi %while3A_145, %reduce_sum3A_208 : i32
          %add3A_210 = arith.constant 1 : i32
          %add3A_211 = vector.broadcast %add3A_210 : i32 to vector<16xi32>
          %add3A_212 = arith.addi %sub3A_167, %add3A_211 : vector<16xi32>
          %and3A_213 = arith.andi %lt3A_154, %unique3A : vector<16xi1>
          %scatter3A_214 = arith.constant 0 : i32
          %scatter3A_215 = tpu.memref_slice %arg8[%scatter3A_214] : memref<32xi32, #tpu.memory_space<vmem>> -> memref<32xi32, #tpu.memory_space<vmem>>
          tpu.vector_store_idx %scatter3A_215[%and3A_160], %add3A_212 masked %and3A_213 : memref<32xi32, #tpu.memory_space<vmem>>[vector<16xi32>], vector<16xi32>, vector<16xi1>
          scf.yield %add3A_209 : i32
        }
        scf.yield %while3A_143 : i32
      }
      %scan3A_98 = arith.constant 8 : i32
      scf.yield %scan3A_97 : i32
    }
    %scan3A_25 = arith.constant 4 : i32
    %add3A_26 = arith.constant 127 : i32
    %add3A_27 = arith.addi %scan3A_24, %add3A_26 : i32
    %shift_right_logical3A = arith.constant 7 : i32
    %shift_right_logical3A_28 = arith.shrui %add3A_27, %shift_right_logical3A : i32
    %while3A = arith.constant 0 : i32
    %while3A_29 = arith.constant 0 : i32
    %while3A_30 = arith.subi %shift_right_logical3A_28, %while3A_29 : i32
    %while3A_31 = arith.addi %while3A_29, %while3A_30 : i32
    %while3A_32 = arith.constant 1 : i32
    %while3A_33 = arith.divsi %while3A_30, %while3A_32 : i32
    %while3A_34 = arith.muli %while3A_33, %while3A_32 : i32
    %while3A_35 = arith.addi %while3A_29, %while3A_34 : i32
    %while3A_36 = arith.constant 1 : i32
    scf.for %while3A_48 = %while3A_29 to %while3A_35 step %while3A_36  : i32 {
      %dma_start3A_49 = arith.constant 0 : i32
      %dma_start3A_50 = tpu.memref_slice %arg12[%while3A_48, %dma_start3A_49] : memref<96x128xi32, #tpu.memory_space<vmem>> -> memref<1x128xi32, #tpu.memory_space<vmem>>
      %dma_start3A_51 = tpu.memref_squeeze %dma_start3A_50 : memref<1x128xi32, #tpu.memory_space<vmem>> -> memref<128xi32, #tpu.memory_space<vmem>>
      %dma_start3A_52 = arith.constant 0 : i32
      %dma_start3A_53 = tpu.memref_slice %arg11[%while3A_48, %dma_start3A_52] : memref<96x128xi32, #tpu.memory_space<vmem>> -> memref<1x128xi32, #tpu.memory_space<vmem>>
      %dma_start3A_54 = tpu.memref_squeeze %dma_start3A_53 : memref<1x128xi32, #tpu.memory_space<vmem>> -> memref<128xi32, #tpu.memory_space<vmem>>
      %dma_start3A_55 = arith.constant 0 : i32
      %dma_start3A_56 = tpu.memref_slice %arg5[%dma_start3A_55] : memref<120832xi32, #tpu.memory_space<hbm>> -> memref<120832xi32, #tpu.memory_space<hbm>>
      tpu.enqueue_indirect_dma source(%dma_start3A_51 : memref<128xi32, #tpu.memory_space<vmem>>) target(%dma_start3A_56 : memref<120832xi32, #tpu.memory_space<hbm>>) offsets(%dma_start3A_54 : memref<128xi32, #tpu.memory_space<vmem>>) semaphore(%arg15 : memref<!tpu.dma_semaphore, #tpu.memory_space<semaphore_mem>>)
    }
    %while3A_37 = arith.constant 1 : i32
    scf.for %while3A_48 = %while3A_35 to %while3A_31 step %while3A_37  : i32 {
      %dma_start3A_49 = arith.constant 0 : i32
      %dma_start3A_50 = tpu.memref_slice %arg12[%while3A_48, %dma_start3A_49] : memref<96x128xi32, #tpu.memory_space<vmem>> -> memref<1x128xi32, #tpu.memory_space<vmem>>
      %dma_start3A_51 = tpu.memref_squeeze %dma_start3A_50 : memref<1x128xi32, #tpu.memory_space<vmem>> -> memref<128xi32, #tpu.memory_space<vmem>>
      %dma_start3A_52 = arith.constant 0 : i32
      %dma_start3A_53 = tpu.memref_slice %arg11[%while3A_48, %dma_start3A_52] : memref<96x128xi32, #tpu.memory_space<vmem>> -> memref<1x128xi32, #tpu.memory_space<vmem>>
      %dma_start3A_54 = tpu.memref_squeeze %dma_start3A_53 : memref<1x128xi32, #tpu.memory_space<vmem>> -> memref<128xi32, #tpu.memory_space<vmem>>
      %dma_start3A_55 = arith.constant 0 : i32
      %dma_start3A_56 = tpu.memref_slice %arg5[%dma_start3A_55] : memref<120832xi32, #tpu.memory_space<hbm>> -> memref<120832xi32, #tpu.memory_space<hbm>>
      tpu.enqueue_indirect_dma source(%dma_start3A_51 : memref<128xi32, #tpu.memory_space<vmem>>) target(%dma_start3A_56 : memref<120832xi32, #tpu.memory_space<hbm>>) offsets(%dma_start3A_54 : memref<128xi32, #tpu.memory_space<vmem>>) semaphore(%arg15 : memref<!tpu.dma_semaphore, #tpu.memory_space<semaphore_mem>>)
    }
    %while3A_38 = arith.constant 0 : i32
    %while3A_39 = arith.constant 0 : i32
    %while3A_40 = arith.subi %shift_right_logical3A_28, %while3A_39 : i32
    %while3A_41 = arith.addi %while3A_39, %while3A_40 : i32
    %while3A_42 = arith.constant 1 : i32
    %while3A_43 = arith.divsi %while3A_40, %while3A_42 : i32
    %while3A_44 = arith.muli %while3A_43, %while3A_42 : i32
    %while3A_45 = arith.addi %while3A_39, %while3A_44 : i32
    %while3A_46 = arith.constant 1 : i32
    scf.for %while3A_48 = %while3A_39 to %while3A_45 step %while3A_46  : i32 {
      %dma_wait3A = arith.constant 0 : i32
      %dma_wait3A_49 = tpu.memref_slice %arg12[%while3A_48, %dma_wait3A] : memref<96x128xi32, #tpu.memory_space<vmem>> -> memref<1x128xi32, #tpu.memory_space<vmem>>
      %dma_wait3A_50 = tpu.memref_squeeze %dma_wait3A_49 : memref<1x128xi32, #tpu.memory_space<vmem>> -> memref<128xi32, #tpu.memory_space<vmem>>
      %dma_wait3A_51 = arith.constant 0 : i32
      %dma_wait3A_52 = tpu.memref_slice %arg11[%while3A_48, %dma_wait3A_51] : memref<96x128xi32, #tpu.memory_space<vmem>> -> memref<1x128xi32, #tpu.memory_space<vmem>>
      %dma_wait3A_53 = tpu.memref_squeeze %dma_wait3A_52 : memref<1x128xi32, #tpu.memory_space<vmem>> -> memref<128xi32, #tpu.memory_space<vmem>>
      %dma_wait3A_54 = arith.constant 0 : i32
      %dma_wait3A_55 = tpu.memref_slice %arg5[%dma_wait3A_54] : memref<120832xi32, #tpu.memory_space<hbm>> -> memref<120832xi32, #tpu.memory_space<hbm>>
      tpu.wait_indirect_dma semaphore(%arg15 : memref<!tpu.dma_semaphore, #tpu.memory_space<semaphore_mem>>) src(%dma_wait3A_50 : memref<128xi32, #tpu.memory_space<vmem>>) dst(%dma_wait3A_55 : memref<120832xi32, #tpu.memory_space<hbm>>)
    }
    %while3A_47 = arith.constant 1 : i32
    scf.for %while3A_48 = %while3A_45 to %while3A_41 step %while3A_47  : i32 {
      %dma_wait3A = arith.constant 0 : i32
      %dma_wait3A_49 = tpu.memref_slice %arg12[%while3A_48, %dma_wait3A] : memref<96x128xi32, #tpu.memory_space<vmem>> -> memref<1x128xi32, #tpu.memory_space<vmem>>
      %dma_wait3A_50 = tpu.memref_squeeze %dma_wait3A_49 : memref<1x128xi32, #tpu.memory_space<vmem>> -> memref<128xi32, #tpu.memory_space<vmem>>
      %dma_wait3A_51 = arith.constant 0 : i32
      %dma_wait3A_52 = tpu.memref_slice %arg11[%while3A_48, %dma_wait3A_51] : memref<96x128xi32, #tpu.memory_space<vmem>> -> memref<1x128xi32, #tpu.memory_space<vmem>>
      %dma_wait3A_53 = tpu.memref_squeeze %dma_wait3A_52 : memref<1x128xi32, #tpu.memory_space<vmem>> -> memref<128xi32, #tpu.memory_space<vmem>>
      %dma_wait3A_54 = arith.constant 0 : i32
      %dma_wait3A_55 = tpu.memref_slice %arg5[%dma_wait3A_54] : memref<120832xi32, #tpu.memory_space<hbm>> -> memref<120832xi32, #tpu.memory_space<hbm>>
      tpu.wait_indirect_dma semaphore(%arg15 : memref<!tpu.dma_semaphore, #tpu.memory_space<semaphore_mem>>) src(%dma_wait3A_50 : memref<128xi32, #tpu.memory_space<vmem>>) dst(%dma_wait3A_55 : memref<120832xi32, #tpu.memory_space<hbm>>)
    }
    return
  }
}

module attributes {stable_mosaic.version = 14 : i64} {
  func.func @_kmap_body(%arg0: i32, %arg1: memref<64x3xf32, #tpu.memory_space<vmem>>, %arg2: memref<3x2048xf32, #tpu.memory_space<vmem>>, %arg3: memref<64x3xf32, #tpu.memory_space<vmem>>, %arg4: memref<3x2048xf32, #tpu.memory_space<vmem>>, %arg5: memref<27x3xf32, #tpu.memory_space<vmem>>, %arg6: memref<64x2048xi32, #tpu.memory_space<vmem>>, %arg7: memref<1x1x32xi32, #tpu.memory_space<vmem>>) attributes {dimension_semantics = [#tpu.dimension_semantics<arbitrary>], iteration_bounds = array<i64: 32>, scalar_prefetch = 0 : i64, scratch_operands = 0 : i64, tpu.core_type = #tpu.core_type<tc>, window_params = [{transform_indices = @transform_0, window_bounds = array<i64: 64, 3>}, {pipeline_mode = #tpu.pipeline_mode<synchronous>, transform_indices = @transform_1, window_bounds = array<i64: 3, 2048>}, {transform_indices = @transform_2, window_bounds = array<i64: 64, 3>}, {pipeline_mode = #tpu.pipeline_mode<synchronous>, transform_indices = @transform_3, window_bounds = array<i64: 3, 2048>}, {pipeline_mode = #tpu.pipeline_mode<synchronous>, transform_indices = @transform_4, window_bounds = array<i64: 27, 3>}, {transform_indices = @transform_5, window_bounds = array<i64: 64, 2048>}, {transform_indices = @transform_6, window_bounds = array<i64: 1, 1, 32>}]} {
    %get3A = arith.constant 0 : index
    %get3A_0 = arith.constant 0 : index
    %get3A_1 = vector.load %arg1[%get3A, %get3A_0] : memref<64x3xf32, #tpu.memory_space<vmem>>, vector<64x3xf32>
    %get3A_2 = arith.constant 0 : index
    %get3A_3 = arith.constant 0 : index
    %get3A_4 = vector.load %arg5[%get3A_2, %get3A_3] : memref<27x3xf32, #tpu.memory_space<vmem>>, vector<27x3xf32>
    %get3A_5 = arith.constant 0 : index
    %get3A_6 = arith.constant 0 : index
    %get3A_7 = vector.load %arg2[%get3A_5, %get3A_6] : memref<3x2048xf32, #tpu.memory_space<vmem>>, vector<1x2048xf32>
    %slice3A = vector.extract_strided_slice %get3A_1 {offsets = [0, 0], sizes = [64, 1], strides = [1, 1]} : vector<64x3xf32> to vector<64x1xf32>
    %sub3A = vector.broadcast %get3A_7 : vector<1x2048xf32> to vector<64x2048xf32>
    %sub3A_8 = vector.broadcast %slice3A : vector<64x1xf32> to vector<64x2048xf32>
    %sub3A_9 = arith.subf %sub3A, %sub3A_8 : vector<64x2048xf32>
    %get3A_10 = arith.constant 1 : index
    %get3A_11 = arith.constant 0 : index
    %get3A_12 = vector.load %arg2[%get3A_10, %get3A_11] : memref<3x2048xf32, #tpu.memory_space<vmem>>, vector<1x2048xf32>
    %slice3A_13 = vector.extract_strided_slice %get3A_1 {offsets = [0, 1], sizes = [64, 1], strides = [1, 1]} : vector<64x3xf32> to vector<64x1xf32>
    %sub3A_14 = vector.broadcast %get3A_12 : vector<1x2048xf32> to vector<64x2048xf32>
    %sub3A_15 = vector.broadcast %slice3A_13 : vector<64x1xf32> to vector<64x2048xf32>
    %sub3A_16 = arith.subf %sub3A_14, %sub3A_15 : vector<64x2048xf32>
    %get3A_17 = arith.constant 2 : index
    %get3A_18 = arith.constant 0 : index
    %get3A_19 = vector.load %arg2[%get3A_17, %get3A_18] : memref<3x2048xf32, #tpu.memory_space<vmem>>, vector<1x2048xf32>
    %slice3A_20 = vector.extract_strided_slice %get3A_1 {offsets = [0, 2], sizes = [64, 1], strides = [1, 1]} : vector<64x3xf32> to vector<64x1xf32>
    %sub3A_21 = vector.broadcast %get3A_19 : vector<1x2048xf32> to vector<64x2048xf32>
    %sub3A_22 = vector.broadcast %slice3A_20 : vector<64x1xf32> to vector<64x2048xf32>
    %sub3A_23 = arith.subf %sub3A_21, %sub3A_22 : vector<64x2048xf32>
    %round3A = math.roundeven %sub3A_9 : vector<64x2048xf32>
    %round3A_24 = math.roundeven %sub3A_16 : vector<64x2048xf32>
    %round3A_25 = math.roundeven %sub3A_23 : vector<64x2048xf32>
    %sub3A_26 = arith.constant 1.000000e+00 : f32
    %sub3A_27 = vector.broadcast %sub3A_26 : f32 to vector<64x2048xf32>
    %sub3A_28 = arith.subf %sub3A_27, %round3A : vector<64x2048xf32>
    %mul3A = arith.constant 9.000000e+00 : f32
    %mul3A_29 = vector.broadcast %mul3A : f32 to vector<64x2048xf32>
    %mul3A_30 = arith.mulf %sub3A_28, %mul3A_29 : vector<64x2048xf32>
    %sub3A_31 = arith.constant 1.000000e+00 : f32
    %sub3A_32 = vector.broadcast %sub3A_31 : f32 to vector<64x2048xf32>
    %sub3A_33 = arith.subf %sub3A_32, %round3A_24 : vector<64x2048xf32>
    %mul3A_34 = arith.constant 3.000000e+00 : f32
    %mul3A_35 = vector.broadcast %mul3A_34 : f32 to vector<64x2048xf32>
    %mul3A_36 = arith.mulf %sub3A_33, %mul3A_35 : vector<64x2048xf32>
    %add3A = arith.addf %mul3A_30, %mul3A_36 : vector<64x2048xf32>
    %sub3A_37 = arith.constant 1.000000e+00 : f32
    %sub3A_38 = vector.broadcast %sub3A_37 : f32 to vector<64x2048xf32>
    %sub3A_39 = arith.subf %sub3A_38, %round3A_25 : vector<64x2048xf32>
    %add3A_40 = arith.addf %add3A, %sub3A_39 : vector<64x2048xf32>
    %convert_element_type3A = arith.fptosi %add3A_40 : vector<64x2048xf32> to vector<64x2048xi32>
    %get3A_41 = arith.constant 0 : index
    %get3A_42 = arith.constant 0 : index
    %get3A_43 = vector.load %arg3[%get3A_41, %get3A_42] : memref<64x3xf32, #tpu.memory_space<vmem>>, vector<64x3xf32>
    %get3A_44 = arith.constant 0 : index
    %get3A_45 = arith.constant 0 : index
    %get3A_46 = vector.load %arg4[%get3A_44, %get3A_45] : memref<3x2048xf32, #tpu.memory_space<vmem>>, vector<1x2048xf32>
    %slice3A_47 = vector.extract_strided_slice %get3A_43 {offsets = [0, 0], sizes = [64, 1], strides = [1, 1]} : vector<64x3xf32> to vector<64x1xf32>
    %sub3A_48 = vector.broadcast %get3A_46 : vector<1x2048xf32> to vector<64x2048xf32>
    %sub3A_49 = vector.broadcast %slice3A_47 : vector<64x1xf32> to vector<64x2048xf32>
    %sub3A_50 = arith.subf %sub3A_48, %sub3A_49 : vector<64x2048xf32>
    %get3A_51 = arith.constant 1 : index
    %get3A_52 = arith.constant 0 : index
    %get3A_53 = vector.load %arg4[%get3A_51, %get3A_52] : memref<3x2048xf32, #tpu.memory_space<vmem>>, vector<1x2048xf32>
    %slice3A_54 = vector.extract_strided_slice %get3A_43 {offsets = [0, 1], sizes = [64, 1], strides = [1, 1]} : vector<64x3xf32> to vector<64x1xf32>
    %sub3A_55 = vector.broadcast %get3A_53 : vector<1x2048xf32> to vector<64x2048xf32>
    %sub3A_56 = vector.broadcast %slice3A_54 : vector<64x1xf32> to vector<64x2048xf32>
    %sub3A_57 = arith.subf %sub3A_55, %sub3A_56 : vector<64x2048xf32>
    %get3A_58 = arith.constant 2 : index
    %get3A_59 = arith.constant 0 : index
    %get3A_60 = vector.load %arg4[%get3A_58, %get3A_59] : memref<3x2048xf32, #tpu.memory_space<vmem>>, vector<1x2048xf32>
    %slice3A_61 = vector.extract_strided_slice %get3A_43 {offsets = [0, 2], sizes = [64, 1], strides = [1, 1]} : vector<64x3xf32> to vector<64x1xf32>
    %sub3A_62 = vector.broadcast %get3A_60 : vector<1x2048xf32> to vector<64x2048xf32>
    %sub3A_63 = vector.broadcast %slice3A_61 : vector<64x1xf32> to vector<64x2048xf32>
    %sub3A_64 = arith.subf %sub3A_62, %sub3A_63 : vector<64x2048xf32>
    %slice3A_65 = vector.extract_strided_slice %get3A_4 {offsets = [0, 0], sizes = [27, 1], strides = [1, 1]} : vector<27x3xf32> to vector<27x1xf32>
    %squeeze3A = vector.shape_cast %slice3A_65 : vector<27x1xf32> to vector<27xf32>
    %reshape3A = vector.shape_cast %squeeze3A : vector<27xf32> to vector<1x27xf32>
    %broadcast_in_dim3A = vector.shape_cast %reshape3A : vector<1x27xf32> to vector<1x27xf32>
    %broadcast_in_dim3A_66 = vector.broadcast %broadcast_in_dim3A : vector<1x27xf32> to vector<64x27xf32>
    %lt3A = arith.constant 0 : i32
    %lt3A_67 = vector.broadcast %lt3A : i32 to vector<64x2048xi32>
    %lt3A_68 = arith.cmpi slt, %convert_element_type3A, %lt3A_67 : vector<64x2048xi32>
    %add3A_69 = arith.constant 27 : i32
    %add3A_70 = vector.broadcast %add3A_69 : i32 to vector<64x2048xi32>
    %add3A_71 = arith.addi %convert_element_type3A, %add3A_70 : vector<64x2048xi32>
    %select_n3A = arith.select %lt3A_68, %add3A_71, %convert_element_type3A : vector<64x2048xi1>, vector<64x2048xi32>
    %reshape3A_72 = vector.shape_cast %select_n3A : vector<64x2048xi32> to vector<64x2048x1xi32>
    %gather3A = vector.shape_cast %reshape3A_72 : vector<64x2048x1xi32> to vector<64x2048xi32>
    %gather3A_73 = tpu.dynamic_gather %broadcast_in_dim3A_66[%gather3A] in [1] : vector<64x27xf32>, vector<64x2048xi32> -> vector<64x2048xf32>
    %slice3A_74 = vector.extract_strided_slice %get3A_4 {offsets = [0, 1], sizes = [27, 1], strides = [1, 1]} : vector<27x3xf32> to vector<27x1xf32>
    %squeeze3A_75 = vector.shape_cast %slice3A_74 : vector<27x1xf32> to vector<27xf32>
    %reshape3A_76 = vector.shape_cast %squeeze3A_75 : vector<27xf32> to vector<1x27xf32>
    %broadcast_in_dim3A_77 = vector.shape_cast %reshape3A_76 : vector<1x27xf32> to vector<1x27xf32>
    %broadcast_in_dim3A_78 = vector.broadcast %broadcast_in_dim3A_77 : vector<1x27xf32> to vector<64x27xf32>
    %lt3A_79 = arith.constant 0 : i32
    %lt3A_80 = vector.broadcast %lt3A_79 : i32 to vector<64x2048xi32>
    %lt3A_81 = arith.cmpi slt, %convert_element_type3A, %lt3A_80 : vector<64x2048xi32>
    %add3A_82 = arith.constant 27 : i32
    %add3A_83 = vector.broadcast %add3A_82 : i32 to vector<64x2048xi32>
    %add3A_84 = arith.addi %convert_element_type3A, %add3A_83 : vector<64x2048xi32>
    %select_n3A_85 = arith.select %lt3A_81, %add3A_84, %convert_element_type3A : vector<64x2048xi1>, vector<64x2048xi32>
    %reshape3A_86 = vector.shape_cast %select_n3A_85 : vector<64x2048xi32> to vector<64x2048x1xi32>
    %gather3A_87 = vector.shape_cast %reshape3A_86 : vector<64x2048x1xi32> to vector<64x2048xi32>
    %gather3A_88 = tpu.dynamic_gather %broadcast_in_dim3A_78[%gather3A_87] in [1] : vector<64x27xf32>, vector<64x2048xi32> -> vector<64x2048xf32>
    %slice3A_89 = vector.extract_strided_slice %get3A_4 {offsets = [0, 2], sizes = [27, 1], strides = [1, 1]} : vector<27x3xf32> to vector<27x1xf32>
    %squeeze3A_90 = vector.shape_cast %slice3A_89 : vector<27x1xf32> to vector<27xf32>
    %reshape3A_91 = vector.shape_cast %squeeze3A_90 : vector<27xf32> to vector<1x27xf32>
    %broadcast_in_dim3A_92 = vector.shape_cast %reshape3A_91 : vector<1x27xf32> to vector<1x27xf32>
    %broadcast_in_dim3A_93 = vector.broadcast %broadcast_in_dim3A_92 : vector<1x27xf32> to vector<64x27xf32>
    %lt3A_94 = arith.constant 0 : i32
    %lt3A_95 = vector.broadcast %lt3A_94 : i32 to vector<64x2048xi32>
    %lt3A_96 = arith.cmpi slt, %convert_element_type3A, %lt3A_95 : vector<64x2048xi32>
    %add3A_97 = arith.constant 27 : i32
    %add3A_98 = vector.broadcast %add3A_97 : i32 to vector<64x2048xi32>
    %add3A_99 = arith.addi %convert_element_type3A, %add3A_98 : vector<64x2048xi32>
    %select_n3A_100 = arith.select %lt3A_96, %add3A_99, %convert_element_type3A : vector<64x2048xi1>, vector<64x2048xi32>
    %reshape3A_101 = vector.shape_cast %select_n3A_100 : vector<64x2048xi32> to vector<64x2048x1xi32>
    %gather3A_102 = vector.shape_cast %reshape3A_101 : vector<64x2048x1xi32> to vector<64x2048xi32>
    %gather3A_103 = tpu.dynamic_gather %broadcast_in_dim3A_93[%gather3A_102] in [1] : vector<64x27xf32>, vector<64x2048xi32> -> vector<64x2048xf32>
    %add3A_104 = arith.addf %sub3A_50, %gather3A_73 : vector<64x2048xf32>
    %add3A_105 = arith.addf %sub3A_57, %gather3A_88 : vector<64x2048xf32>
    %add3A_106 = arith.addf %sub3A_64, %gather3A_103 : vector<64x2048xf32>
    %mul3A_107 = arith.mulf %add3A_104, %add3A_104 : vector<64x2048xf32>
    %mul3A_108 = arith.mulf %add3A_105, %add3A_105 : vector<64x2048xf32>
    %mul3A_109 = arith.mulf %add3A_106, %add3A_106 : vector<64x2048xf32>
    %add3A_110 = arith.addf %mul3A_107, %mul3A_108 : vector<64x2048xf32>
    %add3A_111 = arith.addf %add3A_110, %mul3A_109 : vector<64x2048xf32>
    %le3A = arith.constant 2.500000e+01 : f32
    %le3A_112 = vector.broadcast %le3A : f32 to vector<64x2048xf32>
    %le3A_113 = arith.cmpf ole, %add3A_111, %le3A_112 : vector<64x2048xf32>
    %gt3A = arith.constant 1.000000e-10 : f32
    %gt3A_114 = vector.broadcast %gt3A : f32 to vector<64x2048xf32>
    %gt3A_115 = arith.cmpf ogt, %add3A_111, %gt3A_114 : vector<64x2048xf32>
    %and3A = arith.andi %le3A_113, %gt3A_115 : vector<64x2048xi1>
    %jit3A = arith.constant -1 : i32
    %broadcast_in_dim3A_116 = vector.broadcast %jit3A : i32 to vector<64x2048xi32>
    %select_n3A_117 = arith.select %and3A, %convert_element_type3A, %broadcast_in_dim3A_116 : vector<64x2048xi1>, vector<64x2048xi32>
    %swap3A = arith.constant 0 : index
    %swap3A_118 = arith.constant 0 : index
    %swap3A_119 = vector.load %arg6[%swap3A, %swap3A_118] : memref<64x2048xi32, #tpu.memory_space<vmem>>, vector<64x2048xi32>
    tpu.vector_store %arg6[%swap3A, %swap3A_118], %select_n3A_117 {strides = array<i32>} : memref<64x2048xi32, #tpu.memory_space<vmem>>, vector<64x2048xi32>,
    %iota3A = tpu.iota {dimensions = array<i32: 2>} : vector<1x1x32xi32>
    %broadcast_in_dim3A_120 = arith.constant 0 : i32
    %broadcast_in_dim3A_121 = vector.broadcast %broadcast_in_dim3A_120 : i32 to vector<1x1x32xi32>
    %eq3A = arith.constant 0 : i32
    %eq3A_122 = vector.broadcast %eq3A : i32 to vector<64x2048xi32>
    %eq3A_123 = arith.cmpi eq, %select_n3A_117, %eq3A_122 : vector<64x2048xi32>
    %jit3A_124 = arith.constant 1 : i32
    %jit3A_125 = arith.constant 0 : i32
    %broadcast_in_dim3A_126 = vector.broadcast %jit3A_124 : i32 to vector<64x2048xi32>
    %broadcast_in_dim3A_127 = vector.broadcast %jit3A_125 : i32 to vector<64x2048xi32>
    %select_n3A_128 = arith.select %eq3A_123, %broadcast_in_dim3A_126, %broadcast_in_dim3A_127 : vector<64x2048xi1>, vector<64x2048xi32>
    %reduce_sum3A = vector.shape_cast %select_n3A_128 : vector<64x2048xi32> to vector<1x64x2048xi32>
    %reduce_sum3A_129 = arith.constant dense<0> : vector<1xi32>
    %reduce_sum3A_130 = vector.multi_reduction <add>, %reduce_sum3A, %reduce_sum3A_129 [1, 2] : vector<1x64x2048xi32> to vector<1xi32>
    %reduce_sum3A_131 = vector.shape_cast %reduce_sum3A_130 : vector<1xi32> to vector<1x1x1xi32>
    %reduce_sum3A_132 = vector.extract %reduce_sum3A_131[0, 0, 0] : i32 from vector<1x1x1xi32>
    %eq3A_133 = arith.constant 0 : i32
    %eq3A_134 = vector.broadcast %eq3A_133 : i32 to vector<1x1x32xi32>
    %eq3A_135 = arith.cmpi eq, %iota3A, %eq3A_134 : vector<1x1x32xi32>
    %broadcast_in_dim3A_136 = vector.broadcast %reduce_sum3A_132 : i32 to vector<1x1x32xi32>
    %select_n3A_137 = arith.select %eq3A_135, %broadcast_in_dim3A_136, %broadcast_in_dim3A_121 : vector<1x1x32xi1>, vector<1x1x32xi32>
    %eq3A_138 = arith.constant 1 : i32
    %eq3A_139 = vector.broadcast %eq3A_138 : i32 to vector<64x2048xi32>
    %eq3A_140 = arith.cmpi eq, %select_n3A_117, %eq3A_139 : vector<64x2048xi32>
    %jit3A_141 = arith.constant 1 : i32
    %jit3A_142 = arith.constant 0 : i32
    %broadcast_in_dim3A_143 = vector.broadcast %jit3A_141 : i32 to vector<64x2048xi32>
    %broadcast_in_dim3A_144 = vector.broadcast %jit3A_142 : i32 to vector<64x2048xi32>
    %select_n3A_145 = arith.select %eq3A_140, %broadcast_in_dim3A_143, %broadcast_in_dim3A_144 : vector<64x2048xi1>, vector<64x2048xi32>
    %reduce_sum3A_146 = vector.shape_cast %select_n3A_145 : vector<64x2048xi32> to vector<1x64x2048xi32>
    %reduce_sum3A_147 = arith.constant dense<0> : vector<1xi32>
    %reduce_sum3A_148 = vector.multi_reduction <add>, %reduce_sum3A_146, %reduce_sum3A_147 [1, 2] : vector<1x64x2048xi32> to vector<1xi32>
    %reduce_sum3A_149 = vector.shape_cast %reduce_sum3A_148 : vector<1xi32> to vector<1x1x1xi32>
    %reduce_sum3A_150 = vector.extract %reduce_sum3A_149[0, 0, 0] : i32 from vector<1x1x1xi32>
    %eq3A_151 = arith.constant 1 : i32
    %eq3A_152 = vector.broadcast %eq3A_151 : i32 to vector<1x1x32xi32>
    %eq3A_153 = arith.cmpi eq, %iota3A, %eq3A_152 : vector<1x1x32xi32>
    %broadcast_in_dim3A_154 = vector.broadcast %reduce_sum3A_150 : i32 to vector<1x1x32xi32>
    %select_n3A_155 = arith.select %eq3A_153, %broadcast_in_dim3A_154, %select_n3A_137 : vector<1x1x32xi1>, vector<1x1x32xi32>
    %eq3A_156 = arith.constant 2 : i32
    %eq3A_157 = vector.broadcast %eq3A_156 : i32 to vector<64x2048xi32>
    %eq3A_158 = arith.cmpi eq, %select_n3A_117, %eq3A_157 : vector<64x2048xi32>
    %jit3A_159 = arith.constant 1 : i32
    %jit3A_160 = arith.constant 0 : i32
    %broadcast_in_dim3A_161 = vector.broadcast %jit3A_159 : i32 to vector<64x2048xi32>
    %broadcast_in_dim3A_162 = vector.broadcast %jit3A_160 : i32 to vector<64x2048xi32>
    %select_n3A_163 = arith.select %eq3A_158, %broadcast_in_dim3A_161, %broadcast_in_dim3A_162 : vector<64x2048xi1>, vector<64x2048xi32>
    %reduce_sum3A_164 = vector.shape_cast %select_n3A_163 : vector<64x2048xi32> to vector<1x64x2048xi32>
    %reduce_sum3A_165 = arith.constant dense<0> : vector<1xi32>
    %reduce_sum3A_166 = vector.multi_reduction <add>, %reduce_sum3A_164, %reduce_sum3A_165 [1, 2] : vector<1x64x2048xi32> to vector<1xi32>
    %reduce_sum3A_167 = vector.shape_cast %reduce_sum3A_166 : vector<1xi32> to vector<1x1x1xi32>
    %reduce_sum3A_168 = vector.extract %reduce_sum3A_167[0, 0, 0] : i32 from vector<1x1x1xi32>
    %eq3A_169 = arith.constant 2 : i32
    %eq3A_170 = vector.broadcast %eq3A_169 : i32 to vector<1x1x32xi32>
    %eq3A_171 = arith.cmpi eq, %iota3A, %eq3A_170 : vector<1x1x32xi32>
    %broadcast_in_dim3A_172 = vector.broadcast %reduce_sum3A_168 : i32 to vector<1x1x32xi32>
    %select_n3A_173 = arith.select %eq3A_171, %broadcast_in_dim3A_172, %select_n3A_155 : vector<1x1x32xi1>, vector<1x1x32xi32>
    %eq3A_174 = arith.constant 3 : i32
    %eq3A_175 = vector.broadcast %eq3A_174 : i32 to vector<64x2048xi32>
    %eq3A_176 = arith.cmpi eq, %select_n3A_117, %eq3A_175 : vector<64x2048xi32>
    %jit3A_177 = arith.constant 1 : i32
    %jit3A_178 = arith.constant 0 : i32
    %broadcast_in_dim3A_179 = vector.broadcast %jit3A_177 : i32 to vector<64x2048xi32>
    %broadcast_in_dim3A_180 = vector.broadcast %jit3A_178 : i32 to vector<64x2048xi32>
    %select_n3A_181 = arith.select %eq3A_176, %broadcast_in_dim3A_179, %broadcast_in_dim3A_180 : vector<64x2048xi1>, vector<64x2048xi32>
    %reduce_sum3A_182 = vector.shape_cast %select_n3A_181 : vector<64x2048xi32> to vector<1x64x2048xi32>
    %reduce_sum3A_183 = arith.constant dense<0> : vector<1xi32>
    %reduce_sum3A_184 = vector.multi_reduction <add>, %reduce_sum3A_182, %reduce_sum3A_183 [1, 2] : vector<1x64x2048xi32> to vector<1xi32>
    %reduce_sum3A_185 = vector.shape_cast %reduce_sum3A_184 : vector<1xi32> to vector<1x1x1xi32>
    %reduce_sum3A_186 = vector.extract %reduce_sum3A_185[0, 0, 0] : i32 from vector<1x1x1xi32>
    %eq3A_187 = arith.constant 3 : i32
    %eq3A_188 = vector.broadcast %eq3A_187 : i32 to vector<1x1x32xi32>
    %eq3A_189 = arith.cmpi eq, %iota3A, %eq3A_188 : vector<1x1x32xi32>
    %broadcast_in_dim3A_190 = vector.broadcast %reduce_sum3A_186 : i32 to vector<1x1x32xi32>
    %select_n3A_191 = arith.select %eq3A_189, %broadcast_in_dim3A_190, %select_n3A_173 : vector<1x1x32xi1>, vector<1x1x32xi32>
    %eq3A_192 = arith.constant 4 : i32
    %eq3A_193 = vector.broadcast %eq3A_192 : i32 to vector<64x2048xi32>
    %eq3A_194 = arith.cmpi eq, %select_n3A_117, %eq3A_193 : vector<64x2048xi32>
    %jit3A_195 = arith.constant 1 : i32
    %jit3A_196 = arith.constant 0 : i32
    %broadcast_in_dim3A_197 = vector.broadcast %jit3A_195 : i32 to vector<64x2048xi32>
    %broadcast_in_dim3A_198 = vector.broadcast %jit3A_196 : i32 to vector<64x2048xi32>
    %select_n3A_199 = arith.select %eq3A_194, %broadcast_in_dim3A_197, %broadcast_in_dim3A_198 : vector<64x2048xi1>, vector<64x2048xi32>
    %reduce_sum3A_200 = vector.shape_cast %select_n3A_199 : vector<64x2048xi32> to vector<1x64x2048xi32>
    %reduce_sum3A_201 = arith.constant dense<0> : vector<1xi32>
    %reduce_sum3A_202 = vector.multi_reduction <add>, %reduce_sum3A_200, %reduce_sum3A_201 [1, 2] : vector<1x64x2048xi32> to vector<1xi32>
    %reduce_sum3A_203 = vector.shape_cast %reduce_sum3A_202 : vector<1xi32> to vector<1x1x1xi32>
    %reduce_sum3A_204 = vector.extract %reduce_sum3A_203[0, 0, 0] : i32 from vector<1x1x1xi32>
    %eq3A_205 = arith.constant 4 : i32
    %eq3A_206 = vector.broadcast %eq3A_205 : i32 to vector<1x1x32xi32>
    %eq3A_207 = arith.cmpi eq, %iota3A, %eq3A_206 : vector<1x1x32xi32>
    %broadcast_in_dim3A_208 = vector.broadcast %reduce_sum3A_204 : i32 to vector<1x1x32xi32>
    %select_n3A_209 = arith.select %eq3A_207, %broadcast_in_dim3A_208, %select_n3A_191 : vector<1x1x32xi1>, vector<1x1x32xi32>
    %eq3A_210 = arith.constant 5 : i32
    %eq3A_211 = vector.broadcast %eq3A_210 : i32 to vector<64x2048xi32>
    %eq3A_212 = arith.cmpi eq, %select_n3A_117, %eq3A_211 : vector<64x2048xi32>
    %jit3A_213 = arith.constant 1 : i32
    %jit3A_214 = arith.constant 0 : i32
    %broadcast_in_dim3A_215 = vector.broadcast %jit3A_213 : i32 to vector<64x2048xi32>
    %broadcast_in_dim3A_216 = vector.broadcast %jit3A_214 : i32 to vector<64x2048xi32>
    %select_n3A_217 = arith.select %eq3A_212, %broadcast_in_dim3A_215, %broadcast_in_dim3A_216 : vector<64x2048xi1>, vector<64x2048xi32>
    %reduce_sum3A_218 = vector.shape_cast %select_n3A_217 : vector<64x2048xi32> to vector<1x64x2048xi32>
    %reduce_sum3A_219 = arith.constant dense<0> : vector<1xi32>
    %reduce_sum3A_220 = vector.multi_reduction <add>, %reduce_sum3A_218, %reduce_sum3A_219 [1, 2] : vector<1x64x2048xi32> to vector<1xi32>
    %reduce_sum3A_221 = vector.shape_cast %reduce_sum3A_220 : vector<1xi32> to vector<1x1x1xi32>
    %reduce_sum3A_222 = vector.extract %reduce_sum3A_221[0, 0, 0] : i32 from vector<1x1x1xi32>
    %eq3A_223 = arith.constant 5 : i32
    %eq3A_224 = vector.broadcast %eq3A_223 : i32 to vector<1x1x32xi32>
    %eq3A_225 = arith.cmpi eq, %iota3A, %eq3A_224 : vector<1x1x32xi32>
    %broadcast_in_dim3A_226 = vector.broadcast %reduce_sum3A_222 : i32 to vector<1x1x32xi32>
    %select_n3A_227 = arith.select %eq3A_225, %broadcast_in_dim3A_226, %select_n3A_209 : vector<1x1x32xi1>, vector<1x1x32xi32>
    %eq3A_228 = arith.constant 6 : i32
    %eq3A_229 = vector.broadcast %eq3A_228 : i32 to vector<64x2048xi32>
    %eq3A_230 = arith.cmpi eq, %select_n3A_117, %eq3A_229 : vector<64x2048xi32>
    %jit3A_231 = arith.constant 1 : i32
    %jit3A_232 = arith.constant 0 : i32
    %broadcast_in_dim3A_233 = vector.broadcast %jit3A_231 : i32 to vector<64x2048xi32>
    %broadcast_in_dim3A_234 = vector.broadcast %jit3A_232 : i32 to vector<64x2048xi32>
    %select_n3A_235 = arith.select %eq3A_230, %broadcast_in_dim3A_233, %broadcast_in_dim3A_234 : vector<64x2048xi1>, vector<64x2048xi32>
    %reduce_sum3A_236 = vector.shape_cast %select_n3A_235 : vector<64x2048xi32> to vector<1x64x2048xi32>
    %reduce_sum3A_237 = arith.constant dense<0> : vector<1xi32>
    %reduce_sum3A_238 = vector.multi_reduction <add>, %reduce_sum3A_236, %reduce_sum3A_237 [1, 2] : vector<1x64x2048xi32> to vector<1xi32>
    %reduce_sum3A_239 = vector.shape_cast %reduce_sum3A_238 : vector<1xi32> to vector<1x1x1xi32>
    %reduce_sum3A_240 = vector.extract %reduce_sum3A_239[0, 0, 0] : i32 from vector<1x1x1xi32>
    %eq3A_241 = arith.constant 6 : i32
    %eq3A_242 = vector.broadcast %eq3A_241 : i32 to vector<1x1x32xi32>
    %eq3A_243 = arith.cmpi eq, %iota3A, %eq3A_242 : vector<1x1x32xi32>
    %broadcast_in_dim3A_244 = vector.broadcast %reduce_sum3A_240 : i32 to vector<1x1x32xi32>
    %select_n3A_245 = arith.select %eq3A_243, %broadcast_in_dim3A_244, %select_n3A_227 : vector<1x1x32xi1>, vector<1x1x32xi32>
    %eq3A_246 = arith.constant 7 : i32
    %eq3A_247 = vector.broadcast %eq3A_246 : i32 to vector<64x2048xi32>
    %eq3A_248 = arith.cmpi eq, %select_n3A_117, %eq3A_247 : vector<64x2048xi32>
    %jit3A_249 = arith.constant 1 : i32
    %jit3A_250 = arith.constant 0 : i32
    %broadcast_in_dim3A_251 = vector.broadcast %jit3A_249 : i32 to vector<64x2048xi32>
    %broadcast_in_dim3A_252 = vector.broadcast %jit3A_250 : i32 to vector<64x2048xi32>
    %select_n3A_253 = arith.select %eq3A_248, %broadcast_in_dim3A_251, %broadcast_in_dim3A_252 : vector<64x2048xi1>, vector<64x2048xi32>
    %reduce_sum3A_254 = vector.shape_cast %select_n3A_253 : vector<64x2048xi32> to vector<1x64x2048xi32>
    %reduce_sum3A_255 = arith.constant dense<0> : vector<1xi32>
    %reduce_sum3A_256 = vector.multi_reduction <add>, %reduce_sum3A_254, %reduce_sum3A_255 [1, 2] : vector<1x64x2048xi32> to vector<1xi32>
    %reduce_sum3A_257 = vector.shape_cast %reduce_sum3A_256 : vector<1xi32> to vector<1x1x1xi32>
    %reduce_sum3A_258 = vector.extract %reduce_sum3A_257[0, 0, 0] : i32 from vector<1x1x1xi32>
    %eq3A_259 = arith.constant 7 : i32
    %eq3A_260 = vector.broadcast %eq3A_259 : i32 to vector<1x1x32xi32>
    %eq3A_261 = arith.cmpi eq, %iota3A, %eq3A_260 : vector<1x1x32xi32>
    %broadcast_in_dim3A_262 = vector.broadcast %reduce_sum3A_258 : i32 to vector<1x1x32xi32>
    %select_n3A_263 = arith.select %eq3A_261, %broadcast_in_dim3A_262, %select_n3A_245 : vector<1x1x32xi1>, vector<1x1x32xi32>
    %eq3A_264 = arith.constant 8 : i32
    %eq3A_265 = vector.broadcast %eq3A_264 : i32 to vector<64x2048xi32>
    %eq3A_266 = arith.cmpi eq, %select_n3A_117, %eq3A_265 : vector<64x2048xi32>
    %jit3A_267 = arith.constant 1 : i32
    %jit3A_268 = arith.constant 0 : i32
    %broadcast_in_dim3A_269 = vector.broadcast %jit3A_267 : i32 to vector<64x2048xi32>
    %broadcast_in_dim3A_270 = vector.broadcast %jit3A_268 : i32 to vector<64x2048xi32>
    %select_n3A_271 = arith.select %eq3A_266, %broadcast_in_dim3A_269, %broadcast_in_dim3A_270 : vector<64x2048xi1>, vector<64x2048xi32>
    %reduce_sum3A_272 = vector.shape_cast %select_n3A_271 : vector<64x2048xi32> to vector<1x64x2048xi32>
    %reduce_sum3A_273 = arith.constant dense<0> : vector<1xi32>
    %reduce_sum3A_274 = vector.multi_reduction <add>, %reduce_sum3A_272, %reduce_sum3A_273 [1, 2] : vector<1x64x2048xi32> to vector<1xi32>
    %reduce_sum3A_275 = vector.shape_cast %reduce_sum3A_274 : vector<1xi32> to vector<1x1x1xi32>
    %reduce_sum3A_276 = vector.extract %reduce_sum3A_275[0, 0, 0] : i32 from vector<1x1x1xi32>
    %eq3A_277 = arith.constant 8 : i32
    %eq3A_278 = vector.broadcast %eq3A_277 : i32 to vector<1x1x32xi32>
    %eq3A_279 = arith.cmpi eq, %iota3A, %eq3A_278 : vector<1x1x32xi32>
    %broadcast_in_dim3A_280 = vector.broadcast %reduce_sum3A_276 : i32 to vector<1x1x32xi32>
    %select_n3A_281 = arith.select %eq3A_279, %broadcast_in_dim3A_280, %select_n3A_263 : vector<1x1x32xi1>, vector<1x1x32xi32>
    %eq3A_282 = arith.constant 9 : i32
    %eq3A_283 = vector.broadcast %eq3A_282 : i32 to vector<64x2048xi32>
    %eq3A_284 = arith.cmpi eq, %select_n3A_117, %eq3A_283 : vector<64x2048xi32>
    %jit3A_285 = arith.constant 1 : i32
    %jit3A_286 = arith.constant 0 : i32
    %broadcast_in_dim3A_287 = vector.broadcast %jit3A_285 : i32 to vector<64x2048xi32>
    %broadcast_in_dim3A_288 = vector.broadcast %jit3A_286 : i32 to vector<64x2048xi32>
    %select_n3A_289 = arith.select %eq3A_284, %broadcast_in_dim3A_287, %broadcast_in_dim3A_288 : vector<64x2048xi1>, vector<64x2048xi32>
    %reduce_sum3A_290 = vector.shape_cast %select_n3A_289 : vector<64x2048xi32> to vector<1x64x2048xi32>
    %reduce_sum3A_291 = arith.constant dense<0> : vector<1xi32>
    %reduce_sum3A_292 = vector.multi_reduction <add>, %reduce_sum3A_290, %reduce_sum3A_291 [1, 2] : vector<1x64x2048xi32> to vector<1xi32>
    %reduce_sum3A_293 = vector.shape_cast %reduce_sum3A_292 : vector<1xi32> to vector<1x1x1xi32>
    %reduce_sum3A_294 = vector.extract %reduce_sum3A_293[0, 0, 0] : i32 from vector<1x1x1xi32>
    %eq3A_295 = arith.constant 9 : i32
    %eq3A_296 = vector.broadcast %eq3A_295 : i32 to vector<1x1x32xi32>
    %eq3A_297 = arith.cmpi eq, %iota3A, %eq3A_296 : vector<1x1x32xi32>
    %broadcast_in_dim3A_298 = vector.broadcast %reduce_sum3A_294 : i32 to vector<1x1x32xi32>
    %select_n3A_299 = arith.select %eq3A_297, %broadcast_in_dim3A_298, %select_n3A_281 : vector<1x1x32xi1>, vector<1x1x32xi32>
    %eq3A_300 = arith.constant 10 : i32
    %eq3A_301 = vector.broadcast %eq3A_300 : i32 to vector<64x2048xi32>
    %eq3A_302 = arith.cmpi eq, %select_n3A_117, %eq3A_301 : vector<64x2048xi32>
    %jit3A_303 = arith.constant 1 : i32
    %jit3A_304 = arith.constant 0 : i32
    %broadcast_in_dim3A_305 = vector.broadcast %jit3A_303 : i32 to vector<64x2048xi32>
    %broadcast_in_dim3A_306 = vector.broadcast %jit3A_304 : i32 to vector<64x2048xi32>
    %select_n3A_307 = arith.select %eq3A_302, %broadcast_in_dim3A_305, %broadcast_in_dim3A_306 : vector<64x2048xi1>, vector<64x2048xi32>
    %reduce_sum3A_308 = vector.shape_cast %select_n3A_307 : vector<64x2048xi32> to vector<1x64x2048xi32>
    %reduce_sum3A_309 = arith.constant dense<0> : vector<1xi32>
    %reduce_sum3A_310 = vector.multi_reduction <add>, %reduce_sum3A_308, %reduce_sum3A_309 [1, 2] : vector<1x64x2048xi32> to vector<1xi32>
    %reduce_sum3A_311 = vector.shape_cast %reduce_sum3A_310 : vector<1xi32> to vector<1x1x1xi32>
    %reduce_sum3A_312 = vector.extract %reduce_sum3A_311[0, 0, 0] : i32 from vector<1x1x1xi32>
    %eq3A_313 = arith.constant 10 : i32
    %eq3A_314 = vector.broadcast %eq3A_313 : i32 to vector<1x1x32xi32>
    %eq3A_315 = arith.cmpi eq, %iota3A, %eq3A_314 : vector<1x1x32xi32>
    %broadcast_in_dim3A_316 = vector.broadcast %reduce_sum3A_312 : i32 to vector<1x1x32xi32>
    %select_n3A_317 = arith.select %eq3A_315, %broadcast_in_dim3A_316, %select_n3A_299 : vector<1x1x32xi1>, vector<1x1x32xi32>
    %eq3A_318 = arith.constant 11 : i32
    %eq3A_319 = vector.broadcast %eq3A_318 : i32 to vector<64x2048xi32>
    %eq3A_320 = arith.cmpi eq, %select_n3A_117, %eq3A_319 : vector<64x2048xi32>
    %jit3A_321 = arith.constant 1 : i32
    %jit3A_322 = arith.constant 0 : i32
    %broadcast_in_dim3A_323 = vector.broadcast %jit3A_321 : i32 to vector<64x2048xi32>
    %broadcast_in_dim3A_324 = vector.broadcast %jit3A_322 : i32 to vector<64x2048xi32>
    %select_n3A_325 = arith.select %eq3A_320, %broadcast_in_dim3A_323, %broadcast_in_dim3A_324 : vector<64x2048xi1>, vector<64x2048xi32>
    %reduce_sum3A_326 = vector.shape_cast %select_n3A_325 : vector<64x2048xi32> to vector<1x64x2048xi32>
    %reduce_sum3A_327 = arith.constant dense<0> : vector<1xi32>
    %reduce_sum3A_328 = vector.multi_reduction <add>, %reduce_sum3A_326, %reduce_sum3A_327 [1, 2] : vector<1x64x2048xi32> to vector<1xi32>
    %reduce_sum3A_329 = vector.shape_cast %reduce_sum3A_328 : vector<1xi32> to vector<1x1x1xi32>
    %reduce_sum3A_330 = vector.extract %reduce_sum3A_329[0, 0, 0] : i32 from vector<1x1x1xi32>
    %eq3A_331 = arith.constant 11 : i32
    %eq3A_332 = vector.broadcast %eq3A_331 : i32 to vector<1x1x32xi32>
    %eq3A_333 = arith.cmpi eq, %iota3A, %eq3A_332 : vector<1x1x32xi32>
    %broadcast_in_dim3A_334 = vector.broadcast %reduce_sum3A_330 : i32 to vector<1x1x32xi32>
    %select_n3A_335 = arith.select %eq3A_333, %broadcast_in_dim3A_334, %select_n3A_317 : vector<1x1x32xi1>, vector<1x1x32xi32>
    %eq3A_336 = arith.constant 12 : i32
    %eq3A_337 = vector.broadcast %eq3A_336 : i32 to vector<64x2048xi32>
    %eq3A_338 = arith.cmpi eq, %select_n3A_117, %eq3A_337 : vector<64x2048xi32>
    %jit3A_339 = arith.constant 1 : i32
    %jit3A_340 = arith.constant 0 : i32
    %broadcast_in_dim3A_341 = vector.broadcast %jit3A_339 : i32 to vector<64x2048xi32>
    %broadcast_in_dim3A_342 = vector.broadcast %jit3A_340 : i32 to vector<64x2048xi32>
    %select_n3A_343 = arith.select %eq3A_338, %broadcast_in_dim3A_341, %broadcast_in_dim3A_342 : vector<64x2048xi1>, vector<64x2048xi32>
    %reduce_sum3A_344 = vector.shape_cast %select_n3A_343 : vector<64x2048xi32> to vector<1x64x2048xi32>
    %reduce_sum3A_345 = arith.constant dense<0> : vector<1xi32>
    %reduce_sum3A_346 = vector.multi_reduction <add>, %reduce_sum3A_344, %reduce_sum3A_345 [1, 2] : vector<1x64x2048xi32> to vector<1xi32>
    %reduce_sum3A_347 = vector.shape_cast %reduce_sum3A_346 : vector<1xi32> to vector<1x1x1xi32>
    %reduce_sum3A_348 = vector.extract %reduce_sum3A_347[0, 0, 0] : i32 from vector<1x1x1xi32>
    %eq3A_349 = arith.constant 12 : i32
    %eq3A_350 = vector.broadcast %eq3A_349 : i32 to vector<1x1x32xi32>
    %eq3A_351 = arith.cmpi eq, %iota3A, %eq3A_350 : vector<1x1x32xi32>
    %broadcast_in_dim3A_352 = vector.broadcast %reduce_sum3A_348 : i32 to vector<1x1x32xi32>
    %select_n3A_353 = arith.select %eq3A_351, %broadcast_in_dim3A_352, %select_n3A_335 : vector<1x1x32xi1>, vector<1x1x32xi32>
    %eq3A_354 = arith.constant 13 : i32
    %eq3A_355 = vector.broadcast %eq3A_354 : i32 to vector<64x2048xi32>
    %eq3A_356 = arith.cmpi eq, %select_n3A_117, %eq3A_355 : vector<64x2048xi32>
    %jit3A_357 = arith.constant 1 : i32
    %jit3A_358 = arith.constant 0 : i32
    %broadcast_in_dim3A_359 = vector.broadcast %jit3A_357 : i32 to vector<64x2048xi32>
    %broadcast_in_dim3A_360 = vector.broadcast %jit3A_358 : i32 to vector<64x2048xi32>
    %select_n3A_361 = arith.select %eq3A_356, %broadcast_in_dim3A_359, %broadcast_in_dim3A_360 : vector<64x2048xi1>, vector<64x2048xi32>
    %reduce_sum3A_362 = vector.shape_cast %select_n3A_361 : vector<64x2048xi32> to vector<1x64x2048xi32>
    %reduce_sum3A_363 = arith.constant dense<0> : vector<1xi32>
    %reduce_sum3A_364 = vector.multi_reduction <add>, %reduce_sum3A_362, %reduce_sum3A_363 [1, 2] : vector<1x64x2048xi32> to vector<1xi32>
    %reduce_sum3A_365 = vector.shape_cast %reduce_sum3A_364 : vector<1xi32> to vector<1x1x1xi32>
    %reduce_sum3A_366 = vector.extract %reduce_sum3A_365[0, 0, 0] : i32 from vector<1x1x1xi32>
    %eq3A_367 = arith.constant 13 : i32
    %eq3A_368 = vector.broadcast %eq3A_367 : i32 to vector<1x1x32xi32>
    %eq3A_369 = arith.cmpi eq, %iota3A, %eq3A_368 : vector<1x1x32xi32>
    %broadcast_in_dim3A_370 = vector.broadcast %reduce_sum3A_366 : i32 to vector<1x1x32xi32>
    %select_n3A_371 = arith.select %eq3A_369, %broadcast_in_dim3A_370, %select_n3A_353 : vector<1x1x32xi1>, vector<1x1x32xi32>
    %eq3A_372 = arith.constant 14 : i32
    %eq3A_373 = vector.broadcast %eq3A_372 : i32 to vector<64x2048xi32>
    %eq3A_374 = arith.cmpi eq, %select_n3A_117, %eq3A_373 : vector<64x2048xi32>
    %jit3A_375 = arith.constant 1 : i32
    %jit3A_376 = arith.constant 0 : i32
    %broadcast_in_dim3A_377 = vector.broadcast %jit3A_375 : i32 to vector<64x2048xi32>
    %broadcast_in_dim3A_378 = vector.broadcast %jit3A_376 : i32 to vector<64x2048xi32>
    %select_n3A_379 = arith.select %eq3A_374, %broadcast_in_dim3A_377, %broadcast_in_dim3A_378 : vector<64x2048xi1>, vector<64x2048xi32>
    %reduce_sum3A_380 = vector.shape_cast %select_n3A_379 : vector<64x2048xi32> to vector<1x64x2048xi32>
    %reduce_sum3A_381 = arith.constant dense<0> : vector<1xi32>
    %reduce_sum3A_382 = vector.multi_reduction <add>, %reduce_sum3A_380, %reduce_sum3A_381 [1, 2] : vector<1x64x2048xi32> to vector<1xi32>
    %reduce_sum3A_383 = vector.shape_cast %reduce_sum3A_382 : vector<1xi32> to vector<1x1x1xi32>
    %reduce_sum3A_384 = vector.extract %reduce_sum3A_383[0, 0, 0] : i32 from vector<1x1x1xi32>
    %eq3A_385 = arith.constant 14 : i32
    %eq3A_386 = vector.broadcast %eq3A_385 : i32 to vector<1x1x32xi32>
    %eq3A_387 = arith.cmpi eq, %iota3A, %eq3A_386 : vector<1x1x32xi32>
    %broadcast_in_dim3A_388 = vector.broadcast %reduce_sum3A_384 : i32 to vector<1x1x32xi32>
    %select_n3A_389 = arith.select %eq3A_387, %broadcast_in_dim3A_388, %select_n3A_371 : vector<1x1x32xi1>, vector<1x1x32xi32>
    %eq3A_390 = arith.constant 15 : i32
    %eq3A_391 = vector.broadcast %eq3A_390 : i32 to vector<64x2048xi32>
    %eq3A_392 = arith.cmpi eq, %select_n3A_117, %eq3A_391 : vector<64x2048xi32>
    %jit3A_393 = arith.constant 1 : i32
    %jit3A_394 = arith.constant 0 : i32
    %broadcast_in_dim3A_395 = vector.broadcast %jit3A_393 : i32 to vector<64x2048xi32>
    %broadcast_in_dim3A_396 = vector.broadcast %jit3A_394 : i32 to vector<64x2048xi32>
    %select_n3A_397 = arith.select %eq3A_392, %broadcast_in_dim3A_395, %broadcast_in_dim3A_396 : vector<64x2048xi1>, vector<64x2048xi32>
    %reduce_sum3A_398 = vector.shape_cast %select_n3A_397 : vector<64x2048xi32> to vector<1x64x2048xi32>
    %reduce_sum3A_399 = arith.constant dense<0> : vector<1xi32>
    %reduce_sum3A_400 = vector.multi_reduction <add>, %reduce_sum3A_398, %reduce_sum3A_399 [1, 2] : vector<1x64x2048xi32> to vector<1xi32>
    %reduce_sum3A_401 = vector.shape_cast %reduce_sum3A_400 : vector<1xi32> to vector<1x1x1xi32>
    %reduce_sum3A_402 = vector.extract %reduce_sum3A_401[0, 0, 0] : i32 from vector<1x1x1xi32>
    %eq3A_403 = arith.constant 15 : i32
    %eq3A_404 = vector.broadcast %eq3A_403 : i32 to vector<1x1x32xi32>
    %eq3A_405 = arith.cmpi eq, %iota3A, %eq3A_404 : vector<1x1x32xi32>
    %broadcast_in_dim3A_406 = vector.broadcast %reduce_sum3A_402 : i32 to vector<1x1x32xi32>
    %select_n3A_407 = arith.select %eq3A_405, %broadcast_in_dim3A_406, %select_n3A_389 : vector<1x1x32xi1>, vector<1x1x32xi32>
    %eq3A_408 = arith.constant 16 : i32
    %eq3A_409 = vector.broadcast %eq3A_408 : i32 to vector<64x2048xi32>
    %eq3A_410 = arith.cmpi eq, %select_n3A_117, %eq3A_409 : vector<64x2048xi32>
    %jit3A_411 = arith.constant 1 : i32
    %jit3A_412 = arith.constant 0 : i32
    %broadcast_in_dim3A_413 = vector.broadcast %jit3A_411 : i32 to vector<64x2048xi32>
    %broadcast_in_dim3A_414 = vector.broadcast %jit3A_412 : i32 to vector<64x2048xi32>
    %select_n3A_415 = arith.select %eq3A_410, %broadcast_in_dim3A_413, %broadcast_in_dim3A_414 : vector<64x2048xi1>, vector<64x2048xi32>
    %reduce_sum3A_416 = vector.shape_cast %select_n3A_415 : vector<64x2048xi32> to vector<1x64x2048xi32>
    %reduce_sum3A_417 = arith.constant dense<0> : vector<1xi32>
    %reduce_sum3A_418 = vector.multi_reduction <add>, %reduce_sum3A_416, %reduce_sum3A_417 [1, 2] : vector<1x64x2048xi32> to vector<1xi32>
    %reduce_sum3A_419 = vector.shape_cast %reduce_sum3A_418 : vector<1xi32> to vector<1x1x1xi32>
    %reduce_sum3A_420 = vector.extract %reduce_sum3A_419[0, 0, 0] : i32 from vector<1x1x1xi32>
    %eq3A_421 = arith.constant 16 : i32
    %eq3A_422 = vector.broadcast %eq3A_421 : i32 to vector<1x1x32xi32>
    %eq3A_423 = arith.cmpi eq, %iota3A, %eq3A_422 : vector<1x1x32xi32>
    %broadcast_in_dim3A_424 = vector.broadcast %reduce_sum3A_420 : i32 to vector<1x1x32xi32>
    %select_n3A_425 = arith.select %eq3A_423, %broadcast_in_dim3A_424, %select_n3A_407 : vector<1x1x32xi1>, vector<1x1x32xi32>
    %eq3A_426 = arith.constant 17 : i32
    %eq3A_427 = vector.broadcast %eq3A_426 : i32 to vector<64x2048xi32>
    %eq3A_428 = arith.cmpi eq, %select_n3A_117, %eq3A_427 : vector<64x2048xi32>
    %jit3A_429 = arith.constant 1 : i32
    %jit3A_430 = arith.constant 0 : i32
    %broadcast_in_dim3A_431 = vector.broadcast %jit3A_429 : i32 to vector<64x2048xi32>
    %broadcast_in_dim3A_432 = vector.broadcast %jit3A_430 : i32 to vector<64x2048xi32>
    %select_n3A_433 = arith.select %eq3A_428, %broadcast_in_dim3A_431, %broadcast_in_dim3A_432 : vector<64x2048xi1>, vector<64x2048xi32>
    %reduce_sum3A_434 = vector.shape_cast %select_n3A_433 : vector<64x2048xi32> to vector<1x64x2048xi32>
    %reduce_sum3A_435 = arith.constant dense<0> : vector<1xi32>
    %reduce_sum3A_436 = vector.multi_reduction <add>, %reduce_sum3A_434, %reduce_sum3A_435 [1, 2] : vector<1x64x2048xi32> to vector<1xi32>
    %reduce_sum3A_437 = vector.shape_cast %reduce_sum3A_436 : vector<1xi32> to vector<1x1x1xi32>
    %reduce_sum3A_438 = vector.extract %reduce_sum3A_437[0, 0, 0] : i32 from vector<1x1x1xi32>
    %eq3A_439 = arith.constant 17 : i32
    %eq3A_440 = vector.broadcast %eq3A_439 : i32 to vector<1x1x32xi32>
    %eq3A_441 = arith.cmpi eq, %iota3A, %eq3A_440 : vector<1x1x32xi32>
    %broadcast_in_dim3A_442 = vector.broadcast %reduce_sum3A_438 : i32 to vector<1x1x32xi32>
    %select_n3A_443 = arith.select %eq3A_441, %broadcast_in_dim3A_442, %select_n3A_425 : vector<1x1x32xi1>, vector<1x1x32xi32>
    %eq3A_444 = arith.constant 18 : i32
    %eq3A_445 = vector.broadcast %eq3A_444 : i32 to vector<64x2048xi32>
    %eq3A_446 = arith.cmpi eq, %select_n3A_117, %eq3A_445 : vector<64x2048xi32>
    %jit3A_447 = arith.constant 1 : i32
    %jit3A_448 = arith.constant 0 : i32
    %broadcast_in_dim3A_449 = vector.broadcast %jit3A_447 : i32 to vector<64x2048xi32>
    %broadcast_in_dim3A_450 = vector.broadcast %jit3A_448 : i32 to vector<64x2048xi32>
    %select_n3A_451 = arith.select %eq3A_446, %broadcast_in_dim3A_449, %broadcast_in_dim3A_450 : vector<64x2048xi1>, vector<64x2048xi32>
    %reduce_sum3A_452 = vector.shape_cast %select_n3A_451 : vector<64x2048xi32> to vector<1x64x2048xi32>
    %reduce_sum3A_453 = arith.constant dense<0> : vector<1xi32>
    %reduce_sum3A_454 = vector.multi_reduction <add>, %reduce_sum3A_452, %reduce_sum3A_453 [1, 2] : vector<1x64x2048xi32> to vector<1xi32>
    %reduce_sum3A_455 = vector.shape_cast %reduce_sum3A_454 : vector<1xi32> to vector<1x1x1xi32>
    %reduce_sum3A_456 = vector.extract %reduce_sum3A_455[0, 0, 0] : i32 from vector<1x1x1xi32>
    %eq3A_457 = arith.constant 18 : i32
    %eq3A_458 = vector.broadcast %eq3A_457 : i32 to vector<1x1x32xi32>
    %eq3A_459 = arith.cmpi eq, %iota3A, %eq3A_458 : vector<1x1x32xi32>
    %broadcast_in_dim3A_460 = vector.broadcast %reduce_sum3A_456 : i32 to vector<1x1x32xi32>
    %select_n3A_461 = arith.select %eq3A_459, %broadcast_in_dim3A_460, %select_n3A_443 : vector<1x1x32xi1>, vector<1x1x32xi32>
    %eq3A_462 = arith.constant 19 : i32
    %eq3A_463 = vector.broadcast %eq3A_462 : i32 to vector<64x2048xi32>
    %eq3A_464 = arith.cmpi eq, %select_n3A_117, %eq3A_463 : vector<64x2048xi32>
    %jit3A_465 = arith.constant 1 : i32
    %jit3A_466 = arith.constant 0 : i32
    %broadcast_in_dim3A_467 = vector.broadcast %jit3A_465 : i32 to vector<64x2048xi32>
    %broadcast_in_dim3A_468 = vector.broadcast %jit3A_466 : i32 to vector<64x2048xi32>
    %select_n3A_469 = arith.select %eq3A_464, %broadcast_in_dim3A_467, %broadcast_in_dim3A_468 : vector<64x2048xi1>, vector<64x2048xi32>
    %reduce_sum3A_470 = vector.shape_cast %select_n3A_469 : vector<64x2048xi32> to vector<1x64x2048xi32>
    %reduce_sum3A_471 = arith.constant dense<0> : vector<1xi32>
    %reduce_sum3A_472 = vector.multi_reduction <add>, %reduce_sum3A_470, %reduce_sum3A_471 [1, 2] : vector<1x64x2048xi32> to vector<1xi32>
    %reduce_sum3A_473 = vector.shape_cast %reduce_sum3A_472 : vector<1xi32> to vector<1x1x1xi32>
    %reduce_sum3A_474 = vector.extract %reduce_sum3A_473[0, 0, 0] : i32 from vector<1x1x1xi32>
    %eq3A_475 = arith.constant 19 : i32
    %eq3A_476 = vector.broadcast %eq3A_475 : i32 to vector<1x1x32xi32>
    %eq3A_477 = arith.cmpi eq, %iota3A, %eq3A_476 : vector<1x1x32xi32>
    %broadcast_in_dim3A_478 = vector.broadcast %reduce_sum3A_474 : i32 to vector<1x1x32xi32>
    %select_n3A_479 = arith.select %eq3A_477, %broadcast_in_dim3A_478, %select_n3A_461 : vector<1x1x32xi1>, vector<1x1x32xi32>
    %eq3A_480 = arith.constant 20 : i32
    %eq3A_481 = vector.broadcast %eq3A_480 : i32 to vector<64x2048xi32>
    %eq3A_482 = arith.cmpi eq, %select_n3A_117, %eq3A_481 : vector<64x2048xi32>
    %jit3A_483 = arith.constant 1 : i32
    %jit3A_484 = arith.constant 0 : i32
    %broadcast_in_dim3A_485 = vector.broadcast %jit3A_483 : i32 to vector<64x2048xi32>
    %broadcast_in_dim3A_486 = vector.broadcast %jit3A_484 : i32 to vector<64x2048xi32>
    %select_n3A_487 = arith.select %eq3A_482, %broadcast_in_dim3A_485, %broadcast_in_dim3A_486 : vector<64x2048xi1>, vector<64x2048xi32>
    %reduce_sum3A_488 = vector.shape_cast %select_n3A_487 : vector<64x2048xi32> to vector<1x64x2048xi32>
    %reduce_sum3A_489 = arith.constant dense<0> : vector<1xi32>
    %reduce_sum3A_490 = vector.multi_reduction <add>, %reduce_sum3A_488, %reduce_sum3A_489 [1, 2] : vector<1x64x2048xi32> to vector<1xi32>
    %reduce_sum3A_491 = vector.shape_cast %reduce_sum3A_490 : vector<1xi32> to vector<1x1x1xi32>
    %reduce_sum3A_492 = vector.extract %reduce_sum3A_491[0, 0, 0] : i32 from vector<1x1x1xi32>
    %eq3A_493 = arith.constant 20 : i32
    %eq3A_494 = vector.broadcast %eq3A_493 : i32 to vector<1x1x32xi32>
    %eq3A_495 = arith.cmpi eq, %iota3A, %eq3A_494 : vector<1x1x32xi32>
    %broadcast_in_dim3A_496 = vector.broadcast %reduce_sum3A_492 : i32 to vector<1x1x32xi32>
    %select_n3A_497 = arith.select %eq3A_495, %broadcast_in_dim3A_496, %select_n3A_479 : vector<1x1x32xi1>, vector<1x1x32xi32>
    %eq3A_498 = arith.constant 21 : i32
    %eq3A_499 = vector.broadcast %eq3A_498 : i32 to vector<64x2048xi32>
    %eq3A_500 = arith.cmpi eq, %select_n3A_117, %eq3A_499 : vector<64x2048xi32>
    %jit3A_501 = arith.constant 1 : i32
    %jit3A_502 = arith.constant 0 : i32
    %broadcast_in_dim3A_503 = vector.broadcast %jit3A_501 : i32 to vector<64x2048xi32>
    %broadcast_in_dim3A_504 = vector.broadcast %jit3A_502 : i32 to vector<64x2048xi32>
    %select_n3A_505 = arith.select %eq3A_500, %broadcast_in_dim3A_503, %broadcast_in_dim3A_504 : vector<64x2048xi1>, vector<64x2048xi32>
    %reduce_sum3A_506 = vector.shape_cast %select_n3A_505 : vector<64x2048xi32> to vector<1x64x2048xi32>
    %reduce_sum3A_507 = arith.constant dense<0> : vector<1xi32>
    %reduce_sum3A_508 = vector.multi_reduction <add>, %reduce_sum3A_506, %reduce_sum3A_507 [1, 2] : vector<1x64x2048xi32> to vector<1xi32>
    %reduce_sum3A_509 = vector.shape_cast %reduce_sum3A_508 : vector<1xi32> to vector<1x1x1xi32>
    %reduce_sum3A_510 = vector.extract %reduce_sum3A_509[0, 0, 0] : i32 from vector<1x1x1xi32>
    %eq3A_511 = arith.constant 21 : i32
    %eq3A_512 = vector.broadcast %eq3A_511 : i32 to vector<1x1x32xi32>
    %eq3A_513 = arith.cmpi eq, %iota3A, %eq3A_512 : vector<1x1x32xi32>
    %broadcast_in_dim3A_514 = vector.broadcast %reduce_sum3A_510 : i32 to vector<1x1x32xi32>
    %select_n3A_515 = arith.select %eq3A_513, %broadcast_in_dim3A_514, %select_n3A_497 : vector<1x1x32xi1>, vector<1x1x32xi32>
    %eq3A_516 = arith.constant 22 : i32
    %eq3A_517 = vector.broadcast %eq3A_516 : i32 to vector<64x2048xi32>
    %eq3A_518 = arith.cmpi eq, %select_n3A_117, %eq3A_517 : vector<64x2048xi32>
    %jit3A_519 = arith.constant 1 : i32
    %jit3A_520 = arith.constant 0 : i32
    %broadcast_in_dim3A_521 = vector.broadcast %jit3A_519 : i32 to vector<64x2048xi32>
    %broadcast_in_dim3A_522 = vector.broadcast %jit3A_520 : i32 to vector<64x2048xi32>
    %select_n3A_523 = arith.select %eq3A_518, %broadcast_in_dim3A_521, %broadcast_in_dim3A_522 : vector<64x2048xi1>, vector<64x2048xi32>
    %reduce_sum3A_524 = vector.shape_cast %select_n3A_523 : vector<64x2048xi32> to vector<1x64x2048xi32>
    %reduce_sum3A_525 = arith.constant dense<0> : vector<1xi32>
    %reduce_sum3A_526 = vector.multi_reduction <add>, %reduce_sum3A_524, %reduce_sum3A_525 [1, 2] : vector<1x64x2048xi32> to vector<1xi32>
    %reduce_sum3A_527 = vector.shape_cast %reduce_sum3A_526 : vector<1xi32> to vector<1x1x1xi32>
    %reduce_sum3A_528 = vector.extract %reduce_sum3A_527[0, 0, 0] : i32 from vector<1x1x1xi32>
    %eq3A_529 = arith.constant 22 : i32
    %eq3A_530 = vector.broadcast %eq3A_529 : i32 to vector<1x1x32xi32>
    %eq3A_531 = arith.cmpi eq, %iota3A, %eq3A_530 : vector<1x1x32xi32>
    %broadcast_in_dim3A_532 = vector.broadcast %reduce_sum3A_528 : i32 to vector<1x1x32xi32>
    %select_n3A_533 = arith.select %eq3A_531, %broadcast_in_dim3A_532, %select_n3A_515 : vector<1x1x32xi1>, vector<1x1x32xi32>
    %eq3A_534 = arith.constant 23 : i32
    %eq3A_535 = vector.broadcast %eq3A_534 : i32 to vector<64x2048xi32>
    %eq3A_536 = arith.cmpi eq, %select_n3A_117, %eq3A_535 : vector<64x2048xi32>
    %jit3A_537 = arith.constant 1 : i32
    %jit3A_538 = arith.constant 0 : i32
    %broadcast_in_dim3A_539 = vector.broadcast %jit3A_537 : i32 to vector<64x2048xi32>
    %broadcast_in_dim3A_540 = vector.broadcast %jit3A_538 : i32 to vector<64x2048xi32>
    %select_n3A_541 = arith.select %eq3A_536, %broadcast_in_dim3A_539, %broadcast_in_dim3A_540 : vector<64x2048xi1>, vector<64x2048xi32>
    %reduce_sum3A_542 = vector.shape_cast %select_n3A_541 : vector<64x2048xi32> to vector<1x64x2048xi32>
    %reduce_sum3A_543 = arith.constant dense<0> : vector<1xi32>
    %reduce_sum3A_544 = vector.multi_reduction <add>, %reduce_sum3A_542, %reduce_sum3A_543 [1, 2] : vector<1x64x2048xi32> to vector<1xi32>
    %reduce_sum3A_545 = vector.shape_cast %reduce_sum3A_544 : vector<1xi32> to vector<1x1x1xi32>
    %reduce_sum3A_546 = vector.extract %reduce_sum3A_545[0, 0, 0] : i32 from vector<1x1x1xi32>
    %eq3A_547 = arith.constant 23 : i32
    %eq3A_548 = vector.broadcast %eq3A_547 : i32 to vector<1x1x32xi32>
    %eq3A_549 = arith.cmpi eq, %iota3A, %eq3A_548 : vector<1x1x32xi32>
    %broadcast_in_dim3A_550 = vector.broadcast %reduce_sum3A_546 : i32 to vector<1x1x32xi32>
    %select_n3A_551 = arith.select %eq3A_549, %broadcast_in_dim3A_550, %select_n3A_533 : vector<1x1x32xi1>, vector<1x1x32xi32>
    %eq3A_552 = arith.constant 24 : i32
    %eq3A_553 = vector.broadcast %eq3A_552 : i32 to vector<64x2048xi32>
    %eq3A_554 = arith.cmpi eq, %select_n3A_117, %eq3A_553 : vector<64x2048xi32>
    %jit3A_555 = arith.constant 1 : i32
    %jit3A_556 = arith.constant 0 : i32
    %broadcast_in_dim3A_557 = vector.broadcast %jit3A_555 : i32 to vector<64x2048xi32>
    %broadcast_in_dim3A_558 = vector.broadcast %jit3A_556 : i32 to vector<64x2048xi32>
    %select_n3A_559 = arith.select %eq3A_554, %broadcast_in_dim3A_557, %broadcast_in_dim3A_558 : vector<64x2048xi1>, vector<64x2048xi32>
    %reduce_sum3A_560 = vector.shape_cast %select_n3A_559 : vector<64x2048xi32> to vector<1x64x2048xi32>
    %reduce_sum3A_561 = arith.constant dense<0> : vector<1xi32>
    %reduce_sum3A_562 = vector.multi_reduction <add>, %reduce_sum3A_560, %reduce_sum3A_561 [1, 2] : vector<1x64x2048xi32> to vector<1xi32>
    %reduce_sum3A_563 = vector.shape_cast %reduce_sum3A_562 : vector<1xi32> to vector<1x1x1xi32>
    %reduce_sum3A_564 = vector.extract %reduce_sum3A_563[0, 0, 0] : i32 from vector<1x1x1xi32>
    %eq3A_565 = arith.constant 24 : i32
    %eq3A_566 = vector.broadcast %eq3A_565 : i32 to vector<1x1x32xi32>
    %eq3A_567 = arith.cmpi eq, %iota3A, %eq3A_566 : vector<1x1x32xi32>
    %broadcast_in_dim3A_568 = vector.broadcast %reduce_sum3A_564 : i32 to vector<1x1x32xi32>
    %select_n3A_569 = arith.select %eq3A_567, %broadcast_in_dim3A_568, %select_n3A_551 : vector<1x1x32xi1>, vector<1x1x32xi32>
    %eq3A_570 = arith.constant 25 : i32
    %eq3A_571 = vector.broadcast %eq3A_570 : i32 to vector<64x2048xi32>
    %eq3A_572 = arith.cmpi eq, %select_n3A_117, %eq3A_571 : vector<64x2048xi32>
    %jit3A_573 = arith.constant 1 : i32
    %jit3A_574 = arith.constant 0 : i32
    %broadcast_in_dim3A_575 = vector.broadcast %jit3A_573 : i32 to vector<64x2048xi32>
    %broadcast_in_dim3A_576 = vector.broadcast %jit3A_574 : i32 to vector<64x2048xi32>
    %select_n3A_577 = arith.select %eq3A_572, %broadcast_in_dim3A_575, %broadcast_in_dim3A_576 : vector<64x2048xi1>, vector<64x2048xi32>
    %reduce_sum3A_578 = vector.shape_cast %select_n3A_577 : vector<64x2048xi32> to vector<1x64x2048xi32>
    %reduce_sum3A_579 = arith.constant dense<0> : vector<1xi32>
    %reduce_sum3A_580 = vector.multi_reduction <add>, %reduce_sum3A_578, %reduce_sum3A_579 [1, 2] : vector<1x64x2048xi32> to vector<1xi32>
    %reduce_sum3A_581 = vector.shape_cast %reduce_sum3A_580 : vector<1xi32> to vector<1x1x1xi32>
    %reduce_sum3A_582 = vector.extract %reduce_sum3A_581[0, 0, 0] : i32 from vector<1x1x1xi32>
    %eq3A_583 = arith.constant 25 : i32
    %eq3A_584 = vector.broadcast %eq3A_583 : i32 to vector<1x1x32xi32>
    %eq3A_585 = arith.cmpi eq, %iota3A, %eq3A_584 : vector<1x1x32xi32>
    %broadcast_in_dim3A_586 = vector.broadcast %reduce_sum3A_582 : i32 to vector<1x1x32xi32>
    %select_n3A_587 = arith.select %eq3A_585, %broadcast_in_dim3A_586, %select_n3A_569 : vector<1x1x32xi1>, vector<1x1x32xi32>
    %eq3A_588 = arith.constant 26 : i32
    %eq3A_589 = vector.broadcast %eq3A_588 : i32 to vector<64x2048xi32>
    %eq3A_590 = arith.cmpi eq, %select_n3A_117, %eq3A_589 : vector<64x2048xi32>
    %jit3A_591 = arith.constant 1 : i32
    %jit3A_592 = arith.constant 0 : i32
    %broadcast_in_dim3A_593 = vector.broadcast %jit3A_591 : i32 to vector<64x2048xi32>
    %broadcast_in_dim3A_594 = vector.broadcast %jit3A_592 : i32 to vector<64x2048xi32>
    %select_n3A_595 = arith.select %eq3A_590, %broadcast_in_dim3A_593, %broadcast_in_dim3A_594 : vector<64x2048xi1>, vector<64x2048xi32>
    %reduce_sum3A_596 = vector.shape_cast %select_n3A_595 : vector<64x2048xi32> to vector<1x64x2048xi32>
    %reduce_sum3A_597 = arith.constant dense<0> : vector<1xi32>
    %reduce_sum3A_598 = vector.multi_reduction <add>, %reduce_sum3A_596, %reduce_sum3A_597 [1, 2] : vector<1x64x2048xi32> to vector<1xi32>
    %reduce_sum3A_599 = vector.shape_cast %reduce_sum3A_598 : vector<1xi32> to vector<1x1x1xi32>
    %reduce_sum3A_600 = vector.extract %reduce_sum3A_599[0, 0, 0] : i32 from vector<1x1x1xi32>
    %eq3A_601 = arith.constant 26 : i32
    %eq3A_602 = vector.broadcast %eq3A_601 : i32 to vector<1x1x32xi32>
    %eq3A_603 = arith.cmpi eq, %iota3A, %eq3A_602 : vector<1x1x32xi32>
    %broadcast_in_dim3A_604 = vector.broadcast %reduce_sum3A_600 : i32 to vector<1x1x32xi32>
    %select_n3A_605 = arith.select %eq3A_603, %broadcast_in_dim3A_604, %select_n3A_587 : vector<1x1x32xi1>, vector<1x1x32xi32>
    %swap3A_606 = arith.constant 0 : index
    %swap3A_607 = arith.constant 0 : index
    %swap3A_608 = arith.constant 0 : index
    %swap3A_609 = vector.load %arg7[%swap3A_606, %swap3A_607, %swap3A_608] : memref<1x1x32xi32, #tpu.memory_space<vmem>>, vector<1x1x32xi32>
    tpu.vector_store %arg7[%swap3A_606, %swap3A_607, %swap3A_608], %select_n3A_605 {strides = array<i32>} : memref<1x1x32xi32, #tpu.memory_space<vmem>>, vector<1x1x32xi32>,
    return
  }
  func.func @transform_0(%arg0: i32) -> (i32, i32) {
    %c0_i32 = arith.constant 0 : i32
    %c0_i32_0 = arith.constant 0 : i32
    return %arg0, %c0_i32 : i32, i32
  }
  func.func @transform_1(%arg0: i32) -> (i32, i32) {
    %c0_i32 = arith.constant 0 : i32
    %c0_i32_0 = arith.constant 0 : i32
    %c0_i32_1 = arith.constant 0 : i32
    return %c0_i32, %c0_i32_0 : i32, i32
  }
  func.func @transform_2(%arg0: i32) -> (i32, i32) {
    %c0_i32 = arith.constant 0 : i32
    %c0_i32_0 = arith.constant 0 : i32
    return %arg0, %c0_i32 : i32, i32
  }
  func.func @transform_3(%arg0: i32) -> (i32, i32) {
    %c0_i32 = arith.constant 0 : i32
    %c0_i32_0 = arith.constant 0 : i32
    %c0_i32_1 = arith.constant 0 : i32
    return %c0_i32, %c0_i32_0 : i32, i32
  }
  func.func @transform_4(%arg0: i32) -> (i32, i32) {
    %c0_i32 = arith.constant 0 : i32
    %c0_i32_0 = arith.constant 0 : i32
    %c0_i32_1 = arith.constant 0 : i32
    return %c0_i32, %c0_i32_0 : i32, i32
  }
  func.func @transform_5(%arg0: i32) -> (i32, i32) {
    %c0_i32 = arith.constant 0 : i32
    %c0_i32_0 = arith.constant 0 : i32
    return %arg0, %c0_i32 : i32, i32
  }
  func.func @transform_6(%arg0: i32) -> (i32, i32, i32) {
    %c0_i32 = arith.constant 0 : i32
    %c0_i32_0 = arith.constant 0 : i32
    %c0_i32_1 = arith.constant 0 : i32
    return %arg0, %c0_i32, %c0_i32_0 : i32, i32, i32
  }
}

module attributes {stable_mosaic.version = 14 : i64} {
  func.func @_offsets_body(%arg0: memref<32x1x32xi32, #tpu.memory_space<vmem>>, %arg1: memref<32x32xi32, #tpu.memory_space<vmem>>, %arg2: memref<8x128xi32, #tpu.memory_space<vmem>>) attributes {dimension_semantics = [], scalar_prefetch = 0 : i64, scratch_operands = 0 : i64, tpu.core_type = #tpu.core_type<tc>} {
    %get3A = arith.constant 0 : index
    %get3A_0 = arith.constant 0 : index
    %get3A_1 = arith.constant 0 : index
    %get3A_2 = vector.load %arg0[%get3A, %get3A_0, %get3A_1] : memref<32x1x32xi32, #tpu.memory_space<vmem>>, vector<32x1x32xi32>
    %reshape3A = vector.shape_cast %get3A_2 : vector<32x1x32xi32> to vector<32x32xi32>
    %reduce_sum3A = arith.constant dense<0> : vector<32xi32>
    %reduce_sum3A_3 = vector.multi_reduction <add>, %reshape3A, %reduce_sum3A [0] : vector<32x32xi32> to vector<32xi32>
    %reshape3A_4 = vector.shape_cast %reduce_sum3A_3 : vector<32xi32> to vector<1x32xi32>
    %broadcast_in_dim3A = arith.constant 0 : i32
    %broadcast_in_dim3A_5 = vector.broadcast %broadcast_in_dim3A : i32 to vector<1x1xi32>
    %slice3A = vector.extract_strided_slice %reshape3A_4 {offsets = [0, 0], sizes = [1, 31], strides = [1, 1]} : vector<1x32xi32> to vector<1x31xi32>
    %concatenate3A = tpu.concatenate %broadcast_in_dim3A_5, %slice3A in 1 : vector<1x1xi32>, vector<1x31xi32> -> vector<1x32xi32>
    %add3A = arith.addi %reshape3A_4, %concatenate3A : vector<1x32xi32>
    %broadcast_in_dim3A_6 = arith.constant 0 : i32
    %broadcast_in_dim3A_7 = vector.broadcast %broadcast_in_dim3A_6 : i32 to vector<1x2xi32>
    %slice3A_8 = vector.extract_strided_slice %add3A {offsets = [0, 0], sizes = [1, 30], strides = [1, 1]} : vector<1x32xi32> to vector<1x30xi32>
    %concatenate3A_9 = tpu.concatenate %broadcast_in_dim3A_7, %slice3A_8 in 1 : vector<1x2xi32>, vector<1x30xi32> -> vector<1x32xi32>
    %add3A_10 = arith.addi %add3A, %concatenate3A_9 : vector<1x32xi32>
    %broadcast_in_dim3A_11 = arith.constant 0 : i32
    %broadcast_in_dim3A_12 = vector.broadcast %broadcast_in_dim3A_11 : i32 to vector<1x4xi32>
    %slice3A_13 = vector.extract_strided_slice %add3A_10 {offsets = [0, 0], sizes = [1, 28], strides = [1, 1]} : vector<1x32xi32> to vector<1x28xi32>
    %concatenate3A_14 = tpu.concatenate %broadcast_in_dim3A_12, %slice3A_13 in 1 : vector<1x4xi32>, vector<1x28xi32> -> vector<1x32xi32>
    %add3A_15 = arith.addi %add3A_10, %concatenate3A_14 : vector<1x32xi32>
    %broadcast_in_dim3A_16 = arith.constant 0 : i32
    %broadcast_in_dim3A_17 = vector.broadcast %broadcast_in_dim3A_16 : i32 to vector<1x8xi32>
    %slice3A_18 = vector.extract_strided_slice %add3A_15 {offsets = [0, 0], sizes = [1, 24], strides = [1, 1]} : vector<1x32xi32> to vector<1x24xi32>
    %concatenate3A_19 = tpu.concatenate %broadcast_in_dim3A_17, %slice3A_18 in 1 : vector<1x8xi32>, vector<1x24xi32> -> vector<1x32xi32>
    %add3A_20 = arith.addi %add3A_15, %concatenate3A_19 : vector<1x32xi32>
    %broadcast_in_dim3A_21 = arith.constant 0 : i32
    %broadcast_in_dim3A_22 = vector.broadcast %broadcast_in_dim3A_21 : i32 to vector<1x16xi32>
    %slice3A_23 = vector.extract_strided_slice %add3A_20 {offsets = [0, 0], sizes = [1, 16], strides = [1, 1]} : vector<1x32xi32> to vector<1x16xi32>
    %concatenate3A_24 = tpu.concatenate %broadcast_in_dim3A_22, %slice3A_23 in 1 : vector<1x16xi32>, vector<1x16xi32> -> vector<1x32xi32>
    %add3A_25 = arith.addi %add3A_20, %concatenate3A_24 : vector<1x32xi32>
    %sub3A = arith.subi %add3A_25, %reshape3A_4 : vector<1x32xi32>
    %broadcast_in_dim3A_26 = arith.constant 0 : i32
    %broadcast_in_dim3A_27 = vector.broadcast %broadcast_in_dim3A_26 : i32 to vector<1x32xi32>
    %slice3A_28 = vector.extract_strided_slice %reshape3A {offsets = [0, 0], sizes = [31, 32], strides = [1, 1]} : vector<32x32xi32> to vector<31x32xi32>
    %concatenate3A_29 = tpu.concatenate %broadcast_in_dim3A_27, %slice3A_28 in 0 : vector<1x32xi32>, vector<31x32xi32> -> vector<32x32xi32>
    %add3A_30 = arith.addi %reshape3A, %concatenate3A_29 : vector<32x32xi32>
    %broadcast_in_dim3A_31 = arith.constant 0 : i32
    %broadcast_in_dim3A_32 = vector.broadcast %broadcast_in_dim3A_31 : i32 to vector<2x32xi32>
    %slice3A_33 = vector.extract_strided_slice %add3A_30 {offsets = [0, 0], sizes = [30, 32], strides = [1, 1]} : vector<32x32xi32> to vector<30x32xi32>
    %concatenate3A_34 = tpu.concatenate %broadcast_in_dim3A_32, %slice3A_33 in 0 : vector<2x32xi32>, vector<30x32xi32> -> vector<32x32xi32>
    %add3A_35 = arith.addi %add3A_30, %concatenate3A_34 : vector<32x32xi32>
    %broadcast_in_dim3A_36 = arith.constant 0 : i32
    %broadcast_in_dim3A_37 = vector.broadcast %broadcast_in_dim3A_36 : i32 to vector<4x32xi32>
    %slice3A_38 = vector.extract_strided_slice %add3A_35 {offsets = [0, 0], sizes = [28, 32], strides = [1, 1]} : vector<32x32xi32> to vector<28x32xi32>
    %concatenate3A_39 = tpu.concatenate %broadcast_in_dim3A_37, %slice3A_38 in 0 : vector<4x32xi32>, vector<28x32xi32> -> vector<32x32xi32>
    %add3A_40 = arith.addi %add3A_35, %concatenate3A_39 : vector<32x32xi32>
    %broadcast_in_dim3A_41 = arith.constant 0 : i32
    %broadcast_in_dim3A_42 = vector.broadcast %broadcast_in_dim3A_41 : i32 to vector<8x32xi32>
    %slice3A_43 = vector.extract_strided_slice %add3A_40 {offsets = [0, 0], sizes = [24, 32], strides = [1, 1]} : vector<32x32xi32> to vector<24x32xi32>
    %concatenate3A_44 = tpu.concatenate %broadcast_in_dim3A_42, %slice3A_43 in 0 : vector<8x32xi32>, vector<24x32xi32> -> vector<32x32xi32>
    %add3A_45 = arith.addi %add3A_40, %concatenate3A_44 : vector<32x32xi32>
    %broadcast_in_dim3A_46 = arith.constant 0 : i32
    %broadcast_in_dim3A_47 = vector.broadcast %broadcast_in_dim3A_46 : i32 to vector<16x32xi32>
    %slice3A_48 = vector.extract_strided_slice %add3A_45 {offsets = [0, 0], sizes = [16, 32], strides = [1, 1]} : vector<32x32xi32> to vector<16x32xi32>
    %concatenate3A_49 = tpu.concatenate %broadcast_in_dim3A_47, %slice3A_48 in 0 : vector<16x32xi32>, vector<16x32xi32> -> vector<32x32xi32>
    %add3A_50 = arith.addi %add3A_45, %concatenate3A_49 : vector<32x32xi32>
    %sub3A_51 = arith.subi %add3A_50, %reshape3A : vector<32x32xi32>
    %add3A_52 = vector.broadcast %sub3A : vector<1x32xi32> to vector<32x32xi32>
    %add3A_53 = arith.addi %add3A_52, %sub3A_51 : vector<32x32xi32>
    %swap3A = arith.constant 0 : index
    %swap3A_54 = arith.constant 0 : index
    %swap3A_55 = vector.load %arg1[%swap3A, %swap3A_54] : memref<32x32xi32, #tpu.memory_space<vmem>>, vector<32x32xi32>
    tpu.vector_store %arg1[%swap3A, %swap3A_54], %add3A_53 {strides = array<i32>} : memref<32x32xi32, #tpu.memory_space<vmem>>, vector<32x32xi32>,
    %reduce_sum3A_56 = vector.shape_cast %reshape3A_4 : vector<1x32xi32> to vector<1x1x32xi32>
    %reduce_sum3A_57 = arith.constant dense<0> : vector<1xi32>
    %reduce_sum3A_58 = vector.multi_reduction <add>, %reduce_sum3A_56, %reduce_sum3A_57 [1, 2] : vector<1x1x32xi32> to vector<1xi32>
    %reduce_sum3A_59 = vector.shape_cast %reduce_sum3A_58 : vector<1xi32> to vector<1x1x1xi32>
    %reduce_sum3A_60 = vector.extract %reduce_sum3A_59[0, 0, 0] : i32 from vector<1x1x1xi32>
    %broadcast_in_dim3A_61 = vector.broadcast %reduce_sum3A_60 : i32 to vector<8x128xi32>
    %swap3A_62 = arith.constant 0 : index
    %swap3A_63 = arith.constant 0 : index
    %swap3A_64 = vector.load %arg2[%swap3A_62, %swap3A_63] : memref<8x128xi32, #tpu.memory_space<vmem>>, vector<8x128xi32>
    tpu.vector_store %arg2[%swap3A_62, %swap3A_63], %broadcast_in_dim3A_61 {strides = array<i32>} : memref<8x128xi32, #tpu.memory_space<vmem>>, vector<8x128xi32>,
    return
  }
}

module attributes {stable_mosaic.version = 14 : i64} {
  func.func @_dist_body(%arg0: memref<8x15104xf32, #tpu.memory_space<vmem>>, %arg1: memref<8x15104xf32, #tpu.memory_space<vmem>>, %arg2: memref<8x15104xf32, #tpu.memory_space<vmem>>, %arg3: memref<8x15104xf32, #tpu.memory_space<vmem>>) attributes {dimension_semantics = [], scalar_prefetch = 0 : i64, scratch_operands = 0 : i64, tpu.core_type = #tpu.core_type<tc>} {
    %get3A = arith.constant 0 : index
    %get3A_0 = arith.constant 0 : index
    %get3A_1 = vector.load %arg0[%get3A, %get3A_0] : memref<8x15104xf32, #tpu.memory_space<vmem>>, vector<8x15104xf32>
    %get3A_2 = arith.constant 0 : index
    %get3A_3 = arith.constant 0 : index
    %get3A_4 = vector.load %arg1[%get3A_2, %get3A_3] : memref<8x15104xf32, #tpu.memory_space<vmem>>, vector<8x15104xf32>
    %get3A_5 = arith.constant 0 : index
    %get3A_6 = arith.constant 0 : index
    %get3A_7 = vector.load %arg2[%get3A_5, %get3A_6] : memref<8x15104xf32, #tpu.memory_space<vmem>>, vector<8x15104xf32>
    %mul3A = arith.mulf %get3A_1, %get3A_1 : vector<8x15104xf32>
    %mul3A_8 = arith.mulf %get3A_4, %get3A_4 : vector<8x15104xf32>
    %add3A = arith.addf %mul3A, %mul3A_8 : vector<8x15104xf32>
    %mul3A_9 = arith.mulf %get3A_7, %get3A_7 : vector<8x15104xf32>
    %add3A_10 = arith.addf %add3A, %mul3A_9 : vector<8x15104xf32>
    %add3A_11 = arith.constant 9.99999996E-13 : f32
    %add3A_12 = vector.broadcast %add3A_11 : f32 to vector<8x15104xf32>
    %add3A_13 = arith.addf %add3A_10, %add3A_12 : vector<8x15104xf32>
    %sqrt3A = math.sqrt %add3A_13 : vector<8x15104xf32>
    %swap3A = arith.constant 0 : index
    %swap3A_14 = arith.constant 0 : index
    %swap3A_15 = vector.load %arg3[%swap3A, %swap3A_14] : memref<8x15104xf32, #tpu.memory_space<vmem>>, vector<8x15104xf32>
    tpu.vector_store %arg3[%swap3A, %swap3A_14], %sqrt3A {strides = array<i32>} : memref<8x15104xf32, #tpu.memory_space<vmem>>, vector<8x15104xf32>,
    return
  }
}

</mosaic_0001>

<sc_bundles>
// kernel: kernel.10.cloned.1.call-start
scs
__scs_entry_jumppad:
0x0: {  	(pc) =	sbr.rel $0x88, $3  }
0x1: {  	(tag) =	ssettag $0x0;
	lr =	simm.s32 $0x1  }
0x2: {  	[smem:$0x3F9F] =	sst lr;
	_ =	strace $0xD0000000  }
0x3: {  	_ = 	snop  }
0x4: {  	_ = 	snop  }
0x5: {  	_ = 	snop  }
0x6: {  	_ = 	snop  }
0x7: {  	_ = 	snop  }
__scs_overlays_trampoline_lowered:
0x8: {  	[smem:$0x3FAE] =	sst s0  }
0x9: {  	[smem:$0x3FAF] =	sst s1  }
0xa: {  	[smem:$0x3FB0] =	sst s2  }
0xb: {  	[smem:$0x3FB1] =	sst s3  }
0xc: {  	[smem:$0x3FB2] =	sst s4  }
0xd: {  	[smem:$0x3FB3] =	sst s5  }
0xe: {  	[smem:$0x3FB4] =	sst s6  }
0xf: {  	[smem:$0x3FB5] =	sst s7  }
0x10: {  	[smem:$0x3FB6] =	sst s8  }
0x11: {  	[smem:$0x3FB7] =	sst s9;
	s0 =	simm.s32 @!p0 $0x0  }
0x12: {  	s1 =	sld [smem:$0x3F9D];
	s0 =	simm.s32 @p0 $0x1  }
0x13: {  	[smem:$0x3FB8] =	sst s0;
	s0 =	simm.s32 @!p1 $0x0  }
0x14: {  	s2 =	sld [smem:$0x3F9C];
	s0 =	simm.s32 @p1 $0x1  }
0x15: {  	[smem:$0x3FB9] =	sst s0;
	s0 =	simm.s32 @!p2 $0x0  }
0x16: {  	s3 =	sld [smem:$0x3FDB];
	s0 =	simm.s32 @p2 $0x1  }
0x17: {  	s4 =	simm.s32 $0x1BF5;
	[smem:$0x3FBB] =	sst s0  }
0x18: {  	s0 =	sld [smem:$0x3F9E];
	_ =	swait.ge [sflag:s4], $0x0  }
0x19: {  	s7 =	sld [smem:$0x3F9F]  }
0x1a: {  	s8 =	sadd.s32 $0xFFFFE003, lr  }
0x1b: {  	s9 =	sadd.s32 $0xFFFFFEF7, lr;
	s5 =	simm.s32 $0xFFFFFFFF;
	p2 =	slt.u32 s8, $0xFFFFF086  }
0x1c: {  	p1 =	slt.u32 s9, $0xF7A;
	s5 =	simm.s32 @!p2 $0x0  }
0x1d: {  	s5 =	simm.s32 @p1 $0x1;
	p0 =	seq.s32 s7, s2  }
0x1e: {  	s7 =	smul.u32 @!p0 $0xF7A, s2;
	p2 =	seq.s32 @!p0 s5, $0x0  }
0x1f: {  	s9 =	smul.u32 $0xF7A, s1;
	s8 =	simm.s32 @!p0 $0x1BF5;
	p2 =	por !p2, p0  }
0x20: {  	[sflag:s8] =	ssyncset.s32 @!p0 $0xFFFFF086;
	s6 =	sadd.s32 @!p0 s3, s7;
	s7 =	simm.s32 @!p0 $0x108  }
0x21: {  	s3 =	sadd.s32 s3, s9;
	s6 =	sadd.s32 @!p0 $0x88, s6;
	s7 =	simm.s32 @p2 $0x1082  }
0x22: {  	[simem:s7], [sflag:s8] =	dma.local @!p0 [hbm:s6], $0xF7A  }
0x23: {  	s9 =	sor.u32 $0xD0000000, s2;
	s6 =	simm.s32 $0x108;
	_ =	swait.ge @!p0 [sflag:s8], $0x0  }
0x24: {  	s3 =	sadd.s32 $0x88, s3;
	s6 =	simm.s32 @!p1 $0x1082;
	[sflag:s4] =	ssyncset.s32 $0xFFFFF086  }
0x25: {  	[simem:s6], [sflag:s4] =	dma.local [hbm:s3], $0xF7A  }
0x26: {  	[smem:$0x3F9F] =	sst s1;
	(tag) =	ssettag s2;
	_ =	strace s9  }
0x27: {  	s1 =	sld [smem:$0x3FAF]  }
0x28: {  	s2 =	sld [smem:$0x3FB0]  }
0x29: {  	s4 =	sld [smem:$0x3FB2]  }
0x2a: {  	p0 =	seq.s32 s5, $0x0;
	s5 =	sld [smem:$0x3FB3]  }
0x2b: {  	s6 =	sld [smem:$0x3FB4]  }
0x2c: {  	s7 =	sld [smem:$0x3FB5]  }
0x2d: {  	s3 =	simm.s32 $0x108;
	s8 =	sld [smem:$0x3FB6]  }
0x2e: {  	s3 =	simm.s32 @!p0 $0x1082;
	s9 =	sld [smem:$0x3FB7]  }
0x2f: {  	lr =	sadd.s32 s0, s3;
	s0 =	sld [smem:$0x3FAE]  }
0x30: {  	s3 =	sld [smem:$0x3FB1]  }
0x31: {  	[smem:$0x3FBA] =	sst s10  }
0x32: {  	s10 =	sld [smem:$0x3FB8];
	_ =	sdelay $0x3  }
0x33: {  	p0 =	seq.s32 s10, $0x1;
	s10 =	sld [smem:$0x3FBA];
	_ =	sdelay $0x3  }
0x34: {  	[smem:$0x3FBA] =	sst s10  }
0x35: {  	s10 =	sld [smem:$0x3FB9];
	_ =	sdelay $0x3  }
0x36: {  	p1 =	seq.s32 s10, $0x1;
	s10 =	sld [smem:$0x3FBA];
	_ =	sdelay $0x3  }
0x37: {  	[smem:$0x3FBA] =	sst s10  }
0x38: {  	s10 =	sld [smem:$0x3FBB]  }
0x39: {  	_ = 	snop;
	(pc) =	sbr.ind lr, $3  }
0x3a: {  	_ = 	snop  }
0x3b: {  	_ = 	snop  }
0x3c: {  	p2 =	seq.s32 s10, $0x1;
	s10 =	sld [smem:$0x3FBA]  }
0x3d: {  	_ =	shalt  }
0x3e: {  	_ =	shalt  }
0x3f: {  	_ =	shalt  }
0x40: {  	_ =	shalt  }
0x41: {  	_ =	shalt  }
0x42: {  	_ =	shalt  }
0x43: {  	_ =	shalt  }
0x44: {  	_ =	shalt  }
0x45: {  	_ =	shalt  }
0x46: {  	_ =	shalt  }
0x47: {  	_ =	shalt  }
0x48: {  	_ =	shalt  }
0x49: {  	_ =	shalt  }
0x4a: {  	_ =	shalt  }
0x4b: {  	_ =	shalt  }
0x4c: {  	_ =	shalt  }
0x4d: {  	_ =	shalt  }
0x4e: {  	_ =	shalt  }
0x4f: {  	_ =	shalt  }
0x50: {  	_ =	shalt  }
0x51: {  	_ =	shalt  }
0x52: {  	_ =	shalt  }
0x53: {  	_ =	shalt  }
0x54: {  	_ =	shalt  }
0x55: {  	_ =	shalt  }
0x56: {  	_ =	shalt  }
0x57: {  	_ =	shalt  }
0x58: {  	_ =	shalt  }
0x59: {  	_ =	shalt  }
0x5a: {  	_ =	shalt  }
0x5b: {  	_ =	shalt  }
0x5c: {  	_ =	shalt  }
0x5d: {  	_ =	shalt  }
0x5e: {  	_ =	shalt  }
0x5f: {  	_ =	shalt  }
0x60: {  	_ =	shalt  }
0x61: {  	_ =	shalt  }
0x62: {  	_ =	shalt  }
0x63: {  	_ =	shalt  }
0x64: {  	_ =	shalt  }
0x65: {  	_ =	shalt  }
0x66: {  	_ =	shalt  }
0x67: {  	_ =	shalt  }
0x68: {  	_ =	shalt  }
0x69: {  	_ =	shalt  }
0x6a: {  	_ =	shalt  }
0x6b: {  	_ =	shalt  }
0x6c: {  	_ =	shalt  }
0x6d: {  	_ =	shalt  }
0x6e: {  	_ =	shalt  }
0x6f: {  	_ =	shalt  }
0x70: {  	_ =	shalt  }
0x71: {  	_ =	shalt  }
0x72: {  	_ =	shalt  }
0x73: {  	_ =	shalt  }
0x74: {  	_ =	shalt  }
0x75: {  	_ =	shalt  }
0x76: {  	_ =	shalt  }
0x77: {  	_ =	shalt  }
0x78: {  	_ =	shalt  }
0x79: {  	_ =	shalt  }
0x7a: {  	_ =	shalt  }
0x7b: {  	_ =	shalt  }
0x7c: {  	_ =	shalt  }
0x7d: {  	_ =	shalt  }
0x7e: {  	_ =	shalt  }
0x7f: {  	_ =	shalt  }
0x80: {  	_ =	shalt  }
0x81: {  	_ =	shalt  }
0x82: {  	_ =	shalt  }
0x83: {  	_ =	shalt  }
0x84: {  	_ =	shalt  }
0x85: {  	_ =	shalt  }
0x86: {  	_ =	shalt  }
0x87: {  	_ =	shalt  }
.Lfunc_end0:
.L_simem_size_0:
called_computation.1_lowered:
.L_overlay_start_0:
0x88: {  	s2 =	sld [smem:$0x3FD9]  }
0x89: {  	s3 =	sld [smem:$0x3FFE];
	_ =	sdelay $0x1  }
0x8a: {  	s1 =	srdreg.scid  }
0x8b: {  	s0 =	sand.u32 $0x1, s1  }
0x8c: {  	s14 =	sshll.u32 s0, $0xA;
	s2 =	sadd.s32 s3, s2  }
0x8d: {  	s2 =	sadd.s32 s2, s14  }
0x8e: {  	[smem:$0x3FC6] =	sst s2  }
0x8f: {  	_ = 	snop  }
0x90: {  	s2 =	sld [smem:$0x3FD0];
	_ =	sdelay $0x2  }
0x91: {  	s15 =	simm.s32 $0xA;
	s4 =	simm.s32 $0x10  }
0x92: {  	[smem:s4], [sflag:s15] =	dma.local [hbm:s2], $0x1  }
0x93: {  	_ =	swait.eq [sflag:s15], $0x1  }
0x94: {  	s16 =	sld [smem:$0x10]  }
0x95: {  	s17 =	sld [smem:$0x11];
	[sflag:s15] =	ssyncset.done $0x0  }
0x96: {  	s5 =	sld [smem:$0x12];
	[sflag:s15] =	ssyncadd.s32 $0xFFFFFFFF  }
0x97: {  	s18 =	sld [smem:$0x13];
	(tm) =	ssettm $0x1  }
0x98: {  	s6 =	sld [smem:$0x3FFB];
	_ =	sdelay $0x3  }
0x99: {  	_ =	strace s6  }
0x9a: {  	s6 =	sld [smem:$0x3FFC];
	_ =	sdelay $0x3  }
0x9b: {  	_ =	strace s6  }
0x9c: {  	s6 =	sld [smem:$0x3FFD];
	_ =	sdelay $0x3  }
0x9d: {  	_ =	strace s6  }
0x9e: {  	_ =	strace $0x8FFFFFFF  }
0x9f: {  	s19 =	sld [smem:$0x3FDB];
	_ =	sdelay $0x1  }
0xa0: {  	s7 =	simm.s32 $_scs_section_size  }
0xa1: {  	s8 =	simm.s32 $_size__tile_overlayer_lowered;
	s9 =	simm.s32 $_tile_overlayer_lowered  }
0xa2: {  	s22 =	simm.s32 $0x1BFF;
	s21 =	sshll.u32 s9, $0x1;
	s6 =	sadd.s32 s7, s19  }
0xa3: {  	s10 =	simm.s32 $0x0;
	s20 =	sshll.u32 s8, $0x1;
	s8 =	sadd.s32 s21, s6  }
0xa4: {  	[timem:s10], [sflag:s22] =	dma.local [hbm:s8], s20  }
0xa5: {  	_ =	swait.ge [sflag:s22], s20  }
0xa6: {  	s7 =	ssub.s32 $0x0, s20;
	[sflag:s22] =	ssyncset.done $0x0  }
0xa7: {  	[sflag:s22] =	ssyncadd.s32 s7;
	_ =	sdelay $0x1  }
0xa8: {  	s23 =	simm.s32 $0x1B8B  }
0xa9: {  	_ =	swait.ge [sflag:s23], $0x1  }
0xaa: {  	[sflag:s23] =	ssyncset.done $0x0  }
0xab: {  	s25 =	simm.s32 $0x1B8E;
	s24 =	sld [smem:$0x3FFE];
	[sflag:s23] =	ssyncadd.s32 $0xFFFFFFFF  }
0xac: {  	s26 =	simm.s32 $execute0_lowered;
	[smem:$0x3FD2] =	sst s25  }
0xad: {  	s8 =	sshll.u32 s26, $0x1;
	_ =	strace $0x80000049;
	[dreg:$0x1] =	wrdreg $0xFFFFFFFF  }
0xae: {  	s28 =	simm.s32 $_size_execute0_lowered;
	s6 =	sadd.s32 s6, s8;
	[dreg:$0x0] =	wrdreg $0x0  }
0xaf: {  	s8 =	sshll.u32 s28, $0x1;
	[dreg:$0x2] =	wrdreg s6  }
0xb0: {  	[dreg:$0x3] =	wrdreg s8  }
0xb1: {  	[dreg:$0x4] =	wrdreg $0xC0  }
0xb2: {  	_ =	task [dreg:s10], $0x5FFFF  }
0xb3: {  	[dreg:$0x1] =	wrdreg $0xFFFFFFFF  }
0xb4: {  	[dreg:$0x0] =	wrdreg $0x60  }
0xb5: {  	[dreg:$0x2] =	wrdreg s24  }
0xb6: {  	[dreg:$0x3] =	wrdreg s16  }
0xb7: {  	[dreg:$0x4] =	wrdreg s17  }
0xb8: {  	[dreg:$0x5] =	wrdreg s18  }
0xb9: {  	[dreg:$0x6] =	wrdreg s5  }
0xba: {  	[dreg:$0x7] =	wrdreg $0x9  }
0xbb: {  	_ =	task.clear_ibuf [dreg:s10], $0x8FFFF;
	_ =	strace $0x90000049  }
0xbc: {  	s29 =	simm.s32 $0x9;
	_ =	strace $0x8000004B  }
0xbd: {  	_ =	swait.ge [sflag:s29], $0x1  }
0xbe: {  	[sflag:s29] =	ssyncadd.s32 $0xFFFFFFFF  }
0xbf: {  	_ =	strace $0x9000004B  }
0xc0: {  	_ =	sfence  }
0xc1: {  	s30 =	sld [smem:$0x0];
	_ =	sdelay $0x2  }
0xc2: {  	s31 =	sshll.u32 s1, $0xD;
	s1 =	sshrl.u32 s1, $0x2  }
0xc3: {  	s3 =	sand.u32 $0x4000, s31;
	s1 =	sadd.s32 s1, s30  }
0xc4: {  	s0 =	sor.u32 s3, s0;
	s1 =	sshll.u32 s1, $0x11  }
0xc5: {  	s0 =	sor.u32 s1, s0  }
0xc6: {  	s0 =	sadd.s32 $0x8F2B, s0  }
0xc7: {  	[sflag:s0] =	ssyncadd.remote.s32 $0x1  }
0xc8: {  	_ =	sfence.sel $0xFFFF  }
0xc9: {  	[dreg:$0x0] =	wrdreg $0xFFFFFFFF;
	(pc) =	sbr.abs _section_cstart, $3  }
0xca: {  	[dreg:$0x1] =	wrdreg $0xFFFFFFFF  }
0xcb: {  	_ =	task.clear_ibuf [dreg:s10], $0x2FFFF;
	_ =	strace $0x9FFFFFFF  }
0xcc: {  	(tm) =	ssettm $0x7FFFFFFF  }
0xcd: {  	_ =	shalt  }
tec
execute0_lowered:
.L_overlay_start_1:
0x0: {  	(tag) =	ssettag $0x1  }
0x1: {  	s0 =	rddreg [dreg:$0x0]  }
0x2: {  	s1 =	rddreg [dreg:$0x1]  }
0x3: {  	s12 =	rddreg [dreg:$0x2]  }
0x4: {  	s13 =	rddreg [dreg:$0x3];
	s2 =	srdreg.scid  }
0x5: {  	s11 =	stileid.u32;
	s14 =	rddreg [dreg:$0x4]  }
0x6: {  	s19 =	simm.s32 $0x1;
	s21 =	simm.s32 $0x6980;
	s22 =	simm.s32 $0x7180  }
0x7: {  	s23 =	simm.s32 $0x7980;
	s24 =	simm.s32 $0x8180;
	s25 =	simm.s32 $0x8200  }
0x8: {  	s26 =	simm.s32 $0x8280;
	s20 =	simm.s32 $0x0;
	s15 =	sand.u32 $0x1, s2  }
0x9: {  	s3 =	sshll.u32 s11, $0x1;
	s2 =	simm.s32 $0x0;
	s4 =	sadd.s32 $0x85A00, s0  }
0xa: {  	s8 =	sadd.s32 $0x85C00, s0;
	s9 =	sadd.s32 $0x85E04, s0;
	s30 =	smul.u32 $0x1D80, s11  }
0xb: {  	s10 =	sadd.s32 $0x85E08, s0;
	s3 =	sor.u32 s15, s3;
	s31 =	smul.u32 $0xEC0, s15  }
0xc: {  	[smem:$0x7FF] =	sst s2;
	s6 =	ssub.s32 $0x2, s15;
	s5 =	smul.u32 $0xEC0, s3  }
0xd: {  	_ =	strace $0x8000004A;
	s3 =	sadd.s32 $0x81C00, s0;
	s7 =	sshrl.u32 s6, $0x1  }
0xe: {  	s18 =	ssub.s32 s6, s7;
	s7 =	sadd.s32 $0x85B00, s0;
	s16 =	sshrl.u32 s5, $0x3  }
0xf: {  	s5 =	sadd.s32 $0x85E00, s0;
	s17 =	sadd.s32 s16, s0;
	s11 =	sadd.s32 s1, s16  }
0x10: {  	s12 =	sadd.s32 s12, s16;
	s13 =	sadd.s32 s13, s16;
	s14 =	sadd.s32 s14, s16  }
0x11: {  	s0 =	simm.s32 $0x5A80;
	s6 =	sadd.s32 $0x81E00, s17;
	s15 =	sadd.s32 $0x1C00, s17  }
0x12: {  	v0 =	vlaneseq.u32;
	s16 =	sadd.s32 $0x5800, s17;
	s17 =	smax.u32 s18, $0x1;
	s18 =	sadd.s32 s31, s30  }
.LBB2_1:
0x13: {  	[tilespmem:s2], [sflag:$0x1] =	stream.linear.gather [hbm4b:s6+s2], $0xEC0, $0x38;
	[tilespmem:$0x8300] =	vst v63  }
0x14: {  	_ =	swait.ge [sflag:s19], $0xEC0  }
0x15: {  	[sflag:s19] =	ssyncset.done $0x0  }
0x16: {  	s1 =	simm.s32 $0xF00;
	[sflag:s19] =	ssyncadd.s32 $0xFFFFF140  }
0x17: {  	[tilespmem:s1], [sflag:$0x1] =	stream.linear.gather [hbm4b:s3+s2], $0x10, $0x38;
	[tilespmem:$0x8300] =	vst v63  }
0x18: {  	_ =	swait.ge [sflag:s19], $0x10  }
0x19: {  	[sflag:s19] =	ssyncset.done $0x0  }
0x1a: {  	[sflag:s19] =	ssyncadd.s32 $0xFFFFFFF0  }
0x1b: {  	[tilespmem:s21], [sflag:$0x1] =	stream.linear.gather [hbm4b:s4+s2], $0x800, $0x38;
	[tilespmem:$0x8300] =	vst v63  }
0x1c: {  	_ =	swait.ge [sflag:s19], $0x800  }
0x1d: {  	[sflag:s19] =	ssyncset.done $0x0  }
0x1e: {  	[sflag:s19] =	ssyncadd.s32 $0xFFFFF800  }
0x1f: {  	[tilespmem:s22], [sflag:$0x1] =	stream.linear.gather [hbm4b:s7+s2], $0x800, $0x38;
	[tilespmem:$0x8300] =	vst v63  }
0x20: {  	_ =	swait.ge [sflag:s19], $0x800  }
0x21: {  	[sflag:s19] =	ssyncset.done $0x0  }
0x22: {  	[sflag:s19] =	ssyncadd.s32 $0xFFFFF800  }
0x23: {  	[tilespmem:s23], [sflag:$0x1] =	stream.linear.gather [hbm4b:s8+s2], $0x800, $0x38;
	[tilespmem:$0x8300] =	vst v63  }
0x24: {  	_ =	swait.ge [sflag:s19], $0x800  }
0x25: {  	[sflag:s19] =	ssyncset.done $0x0  }
0x26: {  	[sflag:s19] =	ssyncadd.s32 $0xFFFFF800  }
0x27: {  	[tilespmem:s24], [sflag:$0x1] =	stream.linear.gather [hbm4b:s5+s2], $0x20, $0x38;
	[tilespmem:$0x8300] =	vst v63  }
0x28: {  	_ =	swait.ge [sflag:s19], $0x20  }
0x29: {  	[sflag:s19] =	ssyncset.done $0x0  }
0x2a: {  	[sflag:s19] =	ssyncadd.s32 $0xFFFFFFE0  }
0x2b: {  	[tilespmem:s25], [sflag:$0x1] =	stream.linear.gather [hbm4b:s9+s2], $0x20, $0x38;
	[tilespmem:$0x8300] =	vst v63  }
0x2c: {  	_ =	swait.ge [sflag:s19], $0x20  }
0x2d: {  	[sflag:s19] =	ssyncset.done $0x0  }
0x2e: {  	[sflag:s19] =	ssyncadd.s32 $0xFFFFFFE0  }
0x2f: {  	[tilespmem:s26], [sflag:$0x1] =	stream.linear.gather [hbm4b:s10+s2], $0x20, $0x38;
	[tilespmem:$0x8300] =	vst v63  }
0x30: {  	_ =	swait.ge [sflag:s19], $0x20  }
0x31: {  	[sflag:s19] =	ssyncset.done $0x0  }
0x32: {  	[sflag:s19] =	ssyncadd.s32 $0xFFFFFFE0  }
0x33: {  	s28 =	simm.s32 $0x0;
	v1 =	vld [tilespmem:$0xF00]  }
0x34: {  	v2 =	vld [tilespmem:s28+$0x0];
	_ =	sdelay $0x2  }
0x35: {  	v3 =	vor.u32 s18, v0  }
0x36: {  	vm0 =	vlt.s32 v3, v1  }
0x37: {  	v2 =	vnsel vm0, $0x0, v2  }
0x38: {  	v3 =	vshrl.u32 v2, $0xB;
	v4 =	vand.u32 $0x7FF, v2  }
0x39: {  	v3 =	vand.u32 $0x7FF, v3  }
0x3a: {  	v2 =	vshrl.u32 v2, $0x16;
	[tilespmem:s28+$0x1E80] =	vst v4  }
0x3b: {  	v2 =	vand.u32 $0x1F, v2;
	[tilespmem:s28+$0xF80] =	vst v3  }
0x3c: {  	[tilespmem:s28+$0x2D80] =	vst v2  }
0x3d: {  	v5 =	vld.idx.msk [tilespmem:v4+s21+$0x0], $0xffff  }
0x3e: {  	v6 =	vld.idx.msk [tilespmem:v3+s21+$0x0], $0xffff;
	_ =	sdelay $0x1  }
0x3f: {  	v7 =	vld.idx.msk [tilespmem:v2+s24+$0x0], $0xffff;
	_ =	sdelay $0x2  }
0x40: {  	v5 =	vsub.f32 v5, v6;
	_ =	sdelay $0x1  }
0x41: {  	v5 =	vadd.f32 v7, v5;
	_ =	sdelay $0x1  }
0x42: {  	[tilespmem:s28+$0x3C80] =	vst v5  }
0x43: {  	v5 =	vld.idx.msk [tilespmem:v4+s22+$0x0], $0xffff  }
0x44: {  	v6 =	vld.idx.msk [tilespmem:v3+s22+$0x0], $0xffff;
	_ =	sdelay $0x1  }
0x45: {  	v7 =	vld.idx.msk [tilespmem:v2+s25+$0x0], $0xffff;
	_ =	sdelay $0x2  }
0x46: {  	v5 =	vsub.f32 v5, v6  }
0x47: {  	s30 =	simm.s32 $0x10  }
0x48: {  	v6 =	vld [tilespmem:s30+$0x0];
	v5 =	vadd.f32 v7, v5;
	_ =	sdelay $0x1  }
0x49: {  	s29 =	sadd.s32 $0x10, s18;
	[tilespmem:s28+$0x4B80] =	vst v5  }
0x4a: {  	v5 =	vor.u32 s29, v0;
	v3 =	vld.idx.msk [tilespmem:v3+s23+$0x0], $0xffff  }
0x4b: {  	vm15 =	vlt.s32 v5, v1;
	v5 =	vld.idx.msk [tilespmem:v4+s23+$0x0], $0xffff  }
0x4c: {  	v8 =	vnsel vm15, $0x0, v6  }
0x4d: {  	s31 =	simm.s32 $0x80;
	v4 =	vld.idx.msk [tilespmem:v2+s26+$0x0], $0xffff;
	v6 =	vshrl.u32 v8, $0x16;
	v7 =	vshrl.u32 v8, $0xB;
	v2 =	vand.u32 $0x7FF, v8  }
.LBB2_2:
0x4e: {  	p0 =	sne.s32 s31, $0x3AC0;
	s1 =	smov.u32 s31;
	s31 =	sadd.s32 $0x40, s31  }
0x4f: {  	v7 =	vand.u32 $0x7FF, v7  }
0x50: {  	v3 =	vsub.f32 v5, v3  }
0x51: {  	[tilespmem:s30+$0x1E80] =	vst v2  }
0x52: {  	v6 =	vand.u32 $0x1F, v6;
	v3 =	vadd.f32 v4, v3;
	[tilespmem:s30+$0xF80] =	vst v7  }
0x53: {  	[tilespmem:s30+$0x2D80] =	vst v6  }
0x54: {  	[tilespmem:s28+$0x5A80] =	vst v3;
	s28 =	smov.u32 s30  }
0x55: {  	v3 =	vld.idx.msk [tilespmem:v2+s21+$0x0], $0xffff  }
0x56: {  	v4 =	vld.idx.msk [tilespmem:v7+s21+$0x0], $0xffff  }
0x57: {  	v5 =	vld.idx.msk [tilespmem:v6+s24+$0x0], $0xffff;
	_ =	sdelay $0x4  }
0x58: {  	v3 =	vsub.f32 v3, v4;
	_ =	sdelay $0x1  }
0x59: {  	v3 =	vadd.f32 v5, v3;
	_ =	sdelay $0x1  }
0x5a: {  	[tilespmem:s28+$0x3C80] =	vst v3  }
0x5b: {  	v3 =	vld.idx.msk [tilespmem:v2+s22+$0x0], $0xffff  }
0x5c: {  	v4 =	vld.idx.msk [tilespmem:v7+s22+$0x0], $0xffff  }
0x5d: {  	v5 =	vld.idx.msk [tilespmem:v6+s25+$0x0], $0xffff;
	_ =	sdelay $0x4  }
0x5e: {  	v3 =	vsub.f32 v3, v4  }
0x5f: {  	s30 =	sshra.s32 s1, $0x2  }
0x60: {  	v3 =	vadd.f32 v5, v3;
	v8 =	vld [tilespmem:s30+$0x0];
	_ =	sdelay $0x1  }
0x61: {  	s29 =	sadd.s32 $0x10, s29;
	[tilespmem:s28+$0x4B80] =	vst v3  }
.Ltmp0:
0x62: {  	v3 =	vld.idx.msk [tilespmem:v7+s23+$0x0], $0xffff;
	(pc) =	sbr.rel @p0 .LBB2_2-.Ltmp0, $4  }
0x63: {  	v4 =	vor.u32 s29, v0;
	v5 =	vld.idx.msk [tilespmem:v2+s23+$0x0], $0xffff  }
0x64: {  	vm0 =	vlt.s32 v4, v1;
	v4 =	vld.idx.msk [tilespmem:v6+s26+$0x0], $0xffff  }
0x65: {  	v2 =	vnsel vm0, $0x0, v8  }
0x66: {  	v6 =	vshrl.u32 v2, $0x16;
	v7 =	vshrl.u32 v2, $0xB;
	v2 =	vand.u32 $0x7FF, v2  }
0x67: {  	_ = 	snop  }
0x68: {  	v1 =	vsub.f32 v5, v3  }
0x69: {  	[tilespmem:s30+$0x1E80] =	vst v2;
	v60 =	vand.u32 $0x1F, v6;
	v3 =	vand.u32 $0x7FF, v7  }
0x6a: {  	[tilespmem:s30+$0x2D80] =	vst v60;
	v1 =	vadd.f32 v4, v1  }
0x6b: {  	[tilespmem:s30+$0xF80] =	vst v3  }
0x6c: {  	[tilespmem:s28+$0x5A80] =	vst v1  }
0x6d: {  	v1 =	vld.idx.msk [tilespmem:v2+s21+$0x0], $0xffff  }
0x6e: {  	v61 =	vld.idx.msk [tilespmem:v3+s21+$0x0], $0xffff;
	_ =	sdelay $0x1  }
0x6f: {  	v6 =	vld.idx.msk [tilespmem:v60+s24+$0x0], $0xffff;
	_ =	sdelay $0x2  }
0x70: {  	v1 =	vsub.f32 v1, v61;
	_ =	sdelay $0x1  }
0x71: {  	v1 =	vadd.f32 v6, v1;
	_ =	sdelay $0x1  }
0x72: {  	[tilespmem:s30+$0x3C80] =	vst v1  }
0x73: {  	v1 =	vld.idx.msk [tilespmem:v2+s22+$0x0], $0xffff  }
0x74: {  	v62 =	vld.idx.msk [tilespmem:v3+s22+$0x0], $0xffff;
	_ =	sdelay $0x1  }
0x75: {  	v63 =	vld.idx.msk [tilespmem:v60+s25+$0x0], $0xffff;
	_ =	sdelay $0x2  }
0x76: {  	v1 =	vsub.f32 v1, v62;
	_ =	sdelay $0x1  }
0x77: {  	v1 =	vadd.f32 v63, v1;
	_ =	sdelay $0x1  }
0x78: {  	[tilespmem:s30+$0x4B80] =	vst v1  }
0x79: {  	v1 =	vld.idx.msk [tilespmem:v3+s23+$0x0], $0xffff  }
0x7a: {  	v2 =	vld.idx.msk [tilespmem:v2+s23+$0x0], $0xffff;
	_ =	sdelay $0x1  }
0x7b: {  	v3 =	vld.idx.msk [tilespmem:v60+s26+$0x0], $0xffff;
	_ =	sdelay $0x2  }
0x7c: {  	v1 =	vsub.f32 v2, v1;
	_ =	sdelay $0x1  }
0x7d: {  	v1 =	vadd.f32 v3, v1;
	_ =	sdelay $0x1  }
0x7e: {  	s1 =	simm.s32 $0xF80;
	[tilespmem:s30+$0x5A80] =	vst v1  }
0x7f: {  	[hbm4b:s11+s2] =	stream.linear.scatter [tilespmem:s1], [sflag:$0x1], $0xEC0, $0x38;
	[tilespmem:$0x8300] =	vst v63  }
0x80: {  	_ =	swait.ge [sflag:s19], $0xEC0  }
0x81: {  	[sflag:s19] =	ssyncset.done $0x0  }
0x82: {  	s28 =	simm.s32 $0x1E80;
	[sflag:s19] =	ssyncadd.s32 $0xFFFFF140  }
0x83: {  	[hbm4b:s12+s2] =	stream.linear.scatter [tilespmem:s28], [sflag:$0x1], $0xEC0, $0x38;
	[tilespmem:$0x8300] =	vst v63  }
0x84: {  	_ =	swait.ge [sflag:s19], $0xEC0  }
0x85: {  	[sflag:s19] =	ssyncset.done $0x0  }
0x86: {  	s29 =	simm.s32 $0x2D80;
	[sflag:s19] =	ssyncadd.s32 $0xFFFFF140  }
0x87: {  	[hbm4b:s13+s2] =	stream.linear.scatter [tilespmem:s29], [sflag:$0x1], $0xEC0, $0x38;
	[tilespmem:$0x8300] =	vst v63  }
0x88: {  	_ =	swait.ge [sflag:s19], $0xEC0  }
0x89: {  	[sflag:s19] =	ssyncset.done $0x0  }
0x8a: {  	s30 =	simm.s32 $0x3C80;
	[sflag:s19] =	ssyncadd.s32 $0xFFFFF140  }
0x8b: {  	[hbm4b:s14+s2] =	stream.linear.scatter [tilespmem:s30], [sflag:$0x1], $0xEC0, $0x38;
	[tilespmem:$0x8300] =	vst v63  }
0x8c: {  	_ =	swait.ge [sflag:s19], $0xEC0  }
0x8d: {  	[sflag:s19] =	ssyncset.done $0x0  }
0x8e: {  	s31 =	simm.s32 $0x4B80;
	[sflag:s19] =	ssyncadd.s32 $0xFFFFF140  }
0x8f: {  	[hbm4b:s15+s2] =	stream.linear.scatter [tilespmem:s31], [sflag:$0x1], $0xEC0, $0x38;
	[tilespmem:$0x8300] =	vst v63  }
0x90: {  	s20 =	sadd.s32 $0x1, s20;
	_ =	swait.ge [sflag:s19], $0xEC0  }
0x91: {  	p0 =	sne.s32 s20, s17;
	[sflag:s19] =	ssyncset.done $0x0  }
.Ltmp1:
0x92: {  	[sflag:s19] =	ssyncadd.s32 $0xFFFFF140;
	(pc) =	sbr.rel @p0 .LBB2_1-.Ltmp1, $4  }
0x93: {  	[hbm4b:s16+s2] =	stream.linear.scatter [tilespmem:s0], [sflag:$0x1], $0xEC0, $0x38;
	[tilespmem:$0x8300] =	vst v63  }
0x94: {  	_ =	swait.ge [sflag:s19], $0xEC0  }
0x95: {  	[sflag:s19] =	ssyncset.done $0x0  }
0x96: {  	[sflag:s19] =	ssyncadd.s32 $0xFFFFF140  }
0x97: {  	_ =	sfence.sel $0x180000  }
0x98: {  	[bflag:$0x0] =	sbarrier.arrive $0xFFFF  }
0x99: {  	_ =	strace $0x9000004A  }
0x9a: {  	s0 =	stileid.u32;
	[bflag:$0x2] =	sbarrier.arrive $0xFFFF  }
0x9b: {  	p0 =	sne.s32 s0, $0x0;
	s0 =	rddreg [dreg:$0x5]  }
0x9c: {  	s0 =	sadd.s32 @!p0 $0x100000, s0  }
0x9d: {  	[sflag:s0] =	ssyncadd.tile.s32 @!p0 $0x1;
	_ =	shalt  }
.Lfunc_end2:
_tile_overlayer_lowered:
.L_overlay_start_2:
0x9e: {  	(tag) =	ssettag $0x2  }
0x9f: {  	s0 =	rddreg [dreg:$0x0];
	s2 =	stileid.u32  }
0xa0: {  	s1 =	rddreg [dreg:$0x1];
	p0 =	sne.s32 s2, $0x0  }
0xa1: {  	s3 =	rddreg [dreg:$0x2];
	[bflag:$0x3] =	sbarrier.arrive $0xFFFF;
	s2 =	simm.s32 @!p0 $0x1C01  }
0xa2: {  	[timem:s3], [sflag:s2] =	dma.local @!p0 [hbm:s0], s1  }
0xa3: {  	s0 =	simm.s32 @!p0 $0x1  }
0xa4: {  	_ =	swait.ge @!p0 [sflag:s0], s1  }
0xa5: {  	s1 =	ssub.s32 @!p0 $0x0, s1;
	[sflag:s0] =	ssyncset.done @!p0 $0x0  }
0xa6: {  	[sflag:s0] =	ssyncadd.s32 @!p0 s1  }
0xa7: {  	[bflag:$0x3] =	sbarrier.arrive $0xFFFF  }
0xa8: {  	_ =	shalt  }

// kernel: kernel.7.cloned.1.call-start
scs
__scs_entry_jumppad:
0x0: {  	(pc) =	sbr.rel $0x88, $3  }
0x1: {  	(tag) =	ssettag $0x0;
	lr =	simm.s32 $0x1  }
0x2: {  	[smem:$0x3F9F] =	sst lr;
	_ =	strace $0xD0000000  }
0x3: {  	_ = 	snop  }
0x4: {  	_ = 	snop  }
0x5: {  	_ = 	snop  }
0x6: {  	_ = 	snop  }
0x7: {  	_ = 	snop  }
__scs_overlays_trampoline_lowered:
0x8: {  	[smem:$0x3FAE] =	sst s0  }
0x9: {  	[smem:$0x3FAF] =	sst s1  }
0xa: {  	[smem:$0x3FB0] =	sst s2  }
0xb: {  	[smem:$0x3FB1] =	sst s3  }
0xc: {  	[smem:$0x3FB2] =	sst s4  }
0xd: {  	[smem:$0x3FB3] =	sst s5  }
0xe: {  	[smem:$0x3FB4] =	sst s6  }
0xf: {  	[smem:$0x3FB5] =	sst s7  }
0x10: {  	[smem:$0x3FB6] =	sst s8  }
0x11: {  	[smem:$0x3FB7] =	sst s9;
	s0 =	simm.s32 @!p0 $0x0  }
0x12: {  	s1 =	sld [smem:$0x3F9D];
	s0 =	simm.s32 @p0 $0x1  }
0x13: {  	[smem:$0x3FB8] =	sst s0;
	s0 =	simm.s32 @!p1 $0x0  }
0x14: {  	s2 =	sld [smem:$0x3F9C];
	s0 =	simm.s32 @p1 $0x1  }
0x15: {  	[smem:$0x3FB9] =	sst s0;
	s0 =	simm.s32 @!p2 $0x0  }
0x16: {  	s3 =	sld [smem:$0x3FDB];
	s0 =	simm.s32 @p2 $0x1  }
0x17: {  	s4 =	simm.s32 $0x1BF5;
	[smem:$0x3FBB] =	sst s0  }
0x18: {  	s0 =	sld [smem:$0x3F9E];
	_ =	swait.ge [sflag:s4], $0x0  }
0x19: {  	s7 =	sld [smem:$0x3F9F]  }
0x1a: {  	s8 =	sadd.s32 $0xFFFFE003, lr  }
0x1b: {  	s9 =	sadd.s32 $0xFFFFFEF7, lr;
	s5 =	simm.s32 $0xFFFFFFFF;
	p2 =	slt.u32 s8, $0xFFFFF086  }
0x1c: {  	p1 =	slt.u32 s9, $0xF7A;
	s5 =	simm.s32 @!p2 $0x0  }
0x1d: {  	s5 =	simm.s32 @p1 $0x1;
	p0 =	seq.s32 s7, s2  }
0x1e: {  	s7 =	smul.u32 @!p0 $0xF7A, s2;
	p2 =	seq.s32 @!p0 s5, $0x0  }
0x1f: {  	s9 =	smul.u32 $0xF7A, s1;
	s8 =	simm.s32 @!p0 $0x1BF5;
	p2 =	por !p2, p0  }
0x20: {  	[sflag:s8] =	ssyncset.s32 @!p0 $0xFFFFF086;
	s6 =	sadd.s32 @!p0 s3, s7;
	s7 =	simm.s32 @!p0 $0x108  }
0x21: {  	s3 =	sadd.s32 s3, s9;
	s6 =	sadd.s32 @!p0 $0x88, s6;
	s7 =	simm.s32 @p2 $0x1082  }
0x22: {  	[simem:s7], [sflag:s8] =	dma.local @!p0 [hbm:s6], $0xF7A  }
0x23: {  	s9 =	sor.u32 $0xD0000000, s2;
	s6 =	simm.s32 $0x108;
	_ =	swait.ge @!p0 [sflag:s8], $0x0  }
0x24: {  	s3 =	sadd.s32 $0x88, s3;
	s6 =	simm.s32 @!p1 $0x1082;
	[sflag:s4] =	ssyncset.s32 $0xFFFFF086  }
0x25: {  	[simem:s6], [sflag:s4] =	dma.local [hbm:s3], $0xF7A  }
0x26: {  	[smem:$0x3F9F] =	sst s1;
	(tag) =	ssettag s2;
	_ =	strace s9  }
0x27: {  	s1 =	sld [smem:$0x3FAF]  }
0x28: {  	s2 =	sld [smem:$0x3FB0]  }
0x29: {  	s4 =	sld [smem:$0x3FB2]  }
0x2a: {  	p0 =	seq.s32 s5, $0x0;
	s5 =	sld [smem:$0x3FB3]  }
0x2b: {  	s6 =	sld [smem:$0x3FB4]  }
0x2c: {  	s7 =	sld [smem:$0x3FB5]  }
0x2d: {  	s3 =	simm.s32 $0x108;
	s8 =	sld [smem:$0x3FB6]  }
0x2e: {  	s3 =	simm.s32 @!p0 $0x1082;
	s9 =	sld [smem:$0x3FB7]  }
0x2f: {  	lr =	sadd.s32 s0, s3;
	s0 =	sld [smem:$0x3FAE]  }
0x30: {  	s3 =	sld [smem:$0x3FB1]  }
0x31: {  	[smem:$0x3FBA] =	sst s10  }
0x32: {  	s10 =	sld [smem:$0x3FB8];
	_ =	sdelay $0x3  }
0x33: {  	p0 =	seq.s32 s10, $0x1;
	s10 =	sld [smem:$0x3FBA];
	_ =	sdelay $0x3  }
0x34: {  	[smem:$0x3FBA] =	sst s10  }
0x35: {  	s10 =	sld [smem:$0x3FB9];
	_ =	sdelay $0x3  }
0x36: {  	p1 =	seq.s32 s10, $0x1;
	s10 =	sld [smem:$0x3FBA];
	_ =	sdelay $0x3  }
0x37: {  	[smem:$0x3FBA] =	sst s10  }
0x38: {  	s10 =	sld [smem:$0x3FBB]  }
0x39: {  	_ = 	snop;
	(pc) =	sbr.ind lr, $3  }
0x3a: {  	_ = 	snop  }
0x3b: {  	_ = 	snop  }
0x3c: {  	p2 =	seq.s32 s10, $0x1;
	s10 =	sld [smem:$0x3FBA]  }
0x3d: {  	_ =	shalt  }
0x3e: {  	_ =	shalt  }
0x3f: {  	_ =	shalt  }
0x40: {  	_ =	shalt  }
0x41: {  	_ =	shalt  }
0x42: {  	_ =	shalt  }
0x43: {  	_ =	shalt  }
0x44: {  	_ =	shalt  }
0x45: {  	_ =	shalt  }
0x46: {  	_ =	shalt  }
0x47: {  	_ =	shalt  }
0x48: {  	_ =	shalt  }
0x49: {  	_ =	shalt  }
0x4a: {  	_ =	shalt  }
0x4b: {  	_ =	shalt  }
0x4c: {  	_ =	shalt  }
0x4d: {  	_ =	shalt  }
0x4e: {  	_ =	shalt  }
0x4f: {  	_ =	shalt  }
0x50: {  	_ =	shalt  }
0x51: {  	_ =	shalt  }
0x52: {  	_ =	shalt  }
0x53: {  	_ =	shalt  }
0x54: {  	_ =	shalt  }
0x55: {  	_ =	shalt  }
0x56: {  	_ =	shalt  }
0x57: {  	_ =	shalt  }
0x58: {  	_ =	shalt  }
0x59: {  	_ =	shalt  }
0x5a: {  	_ =	shalt  }
0x5b: {  	_ =	shalt  }
0x5c: {  	_ =	shalt  }
0x5d: {  	_ =	shalt  }
0x5e: {  	_ =	shalt  }
0x5f: {  	_ =	shalt  }
0x60: {  	_ =	shalt  }
0x61: {  	_ =	shalt  }
0x62: {  	_ =	shalt  }
0x63: {  	_ =	shalt  }
0x64: {  	_ =	shalt  }
0x65: {  	_ =	shalt  }
0x66: {  	_ =	shalt  }
0x67: {  	_ =	shalt  }
0x68: {  	_ =	shalt  }
0x69: {  	_ =	shalt  }
0x6a: {  	_ =	shalt  }
0x6b: {  	_ =	shalt  }
0x6c: {  	_ =	shalt  }
0x6d: {  	_ =	shalt  }
0x6e: {  	_ =	shalt  }
0x6f: {  	_ =	shalt  }
0x70: {  	_ =	shalt  }
0x71: {  	_ =	shalt  }
0x72: {  	_ =	shalt  }
0x73: {  	_ =	shalt  }
0x74: {  	_ =	shalt  }
0x75: {  	_ =	shalt  }
0x76: {  	_ =	shalt  }
0x77: {  	_ =	shalt  }
0x78: {  	_ =	shalt  }
0x79: {  	_ =	shalt  }
0x7a: {  	_ =	shalt  }
0x7b: {  	_ =	shalt  }
0x7c: {  	_ =	shalt  }
0x7d: {  	_ =	shalt  }
0x7e: {  	_ =	shalt  }
0x7f: {  	_ =	shalt  }
0x80: {  	_ =	shalt  }
0x81: {  	_ =	shalt  }
0x82: {  	_ =	shalt  }
0x83: {  	_ =	shalt  }
0x84: {  	_ =	shalt  }
0x85: {  	_ =	shalt  }
0x86: {  	_ =	shalt  }
0x87: {  	_ =	shalt  }
.Lfunc_end0:
.L_simem_size_0:
called_computation_lowered:
.L_overlay_start_0:
0x88: {  	s2 =	sld [smem:$0x3FD9]  }
0x89: {  	s3 =	sld [smem:$0x3FFE];
	_ =	sdelay $0x1  }
0x8a: {  	s1 =	srdreg.scid  }
0x8b: {  	s0 =	sand.u32 $0x1, s1  }
0x8c: {  	s14 =	sshll.u32 s0, $0xA;
	s2 =	sadd.s32 s3, s2  }
0x8d: {  	s2 =	sadd.s32 s2, s14  }
0x8e: {  	[smem:$0x3FC6] =	sst s2  }
0x8f: {  	_ = 	snop  }
0x90: {  	s2 =	sld [smem:$0x3FD0];
	_ =	sdelay $0x2  }
0x91: {  	s15 =	simm.s32 $0xA;
	s4 =	simm.s32 $0x10  }
0x92: {  	[smem:s4], [sflag:s15] =	dma.local [hbm:s2], $0x1  }
0x93: {  	_ =	swait.eq [sflag:s15], $0x1  }
0x94: {  	[sflag:s15] =	ssyncset.done $0x0  }
0x95: {  	[sflag:s15] =	ssyncadd.s32 $0xFFFFFFFF  }
0x96: {  	s16 =	sld [smem:$0x11];
	(tm) =	ssettm $0x1  }
0x97: {  	s17 =	sld [smem:$0x3FFB];
	_ =	sdelay $0x3  }
0x98: {  	_ =	strace s17  }
0x99: {  	s3 =	sld [smem:$0x3FFC];
	_ =	sdelay $0x3  }
0x9a: {  	_ =	strace s3  }
0x9b: {  	s3 =	sld [smem:$0x3FFD];
	_ =	sdelay $0x3  }
0x9c: {  	_ =	strace s3  }
0x9d: {  	_ =	strace $0x8FFFFFFF  }
0x9e: {  	s18 =	sld [smem:$0x3FDB];
	_ =	sdelay $0x1  }
0x9f: {  	s19 =	simm.s32 $_scs_section_size  }
0xa0: {  	s5 =	simm.s32 $_size__tile_overlayer_lowered;
	s6 =	simm.s32 $_tile_overlayer_lowered  }
0xa1: {  	s22 =	simm.s32 $0x1BFF;
	s21 =	sshll.u32 s6, $0x1;
	s3 =	sadd.s32 s19, s18  }
0xa2: {  	s7 =	simm.s32 $0x0;
	s20 =	sshll.u32 s5, $0x1;
	s5 =	sadd.s32 s21, s3  }
0xa3: {  	[timem:s7], [sflag:s22] =	dma.local [hbm:s5], s20  }
0xa4: {  	_ =	swait.ge [sflag:s22], s20  }
0xa5: {  	s4 =	ssub.s32 $0x0, s20;
	[sflag:s22] =	ssyncset.done $0x0  }
0xa6: {  	[sflag:s22] =	ssyncadd.s32 s4;
	_ =	sdelay $0x1  }
0xa7: {  	s23 =	simm.s32 $0x1B8B  }
0xa8: {  	_ =	swait.ge [sflag:s23], $0x1  }
0xa9: {  	[sflag:s23] =	ssyncset.done $0x0  }
0xaa: {  	s25 =	simm.s32 $0x1B8E;
	s24 =	sld [smem:$0x3FFE];
	[sflag:s23] =	ssyncadd.s32 $0xFFFFFFFF  }
0xab: {  	s26 =	simm.s32 $execute0_lowered;
	[smem:$0x3FD2] =	sst s25  }
0xac: {  	s5 =	sshll.u32 s26, $0x1;
	_ =	strace $0x80000046;
	[dreg:$0x1] =	wrdreg $0xFFFFFFFF  }
0xad: {  	s28 =	simm.s32 $_size_execute0_lowered;
	s3 =	sadd.s32 s3, s5;
	[dreg:$0x0] =	wrdreg $0x0  }
0xae: {  	s5 =	sshll.u32 s28, $0x1;
	[dreg:$0x2] =	wrdreg s3  }
0xaf: {  	[dreg:$0x3] =	wrdreg s5  }
0xb0: {  	[dreg:$0x4] =	wrdreg $0xC0  }
0xb1: {  	_ =	task [dreg:s7], $0x5FFFF  }
0xb2: {  	[dreg:$0x1] =	wrdreg $0xFFFFFFFF  }
0xb3: {  	[dreg:$0x0] =	wrdreg $0x60  }
0xb4: {  	[dreg:$0x2] =	wrdreg s24  }
0xb5: {  	[dreg:$0x3] =	wrdreg s16  }
0xb6: {  	[dreg:$0x4] =	wrdreg $0x9  }
0xb7: {  	_ =	task.clear_ibuf [dreg:s7], $0x5FFFF;
	_ =	strace $0x90000046  }
0xb8: {  	s29 =	simm.s32 $0x9;
	_ =	strace $0x80000048  }
0xb9: {  	_ =	swait.ge [sflag:s29], $0x1  }
0xba: {  	[sflag:s29] =	ssyncadd.s32 $0xFFFFFFFF  }
0xbb: {  	_ =	strace $0x90000048  }
0xbc: {  	_ =	sfence  }
0xbd: {  	s30 =	sld [smem:$0x0];
	_ =	sdelay $0x2  }
0xbe: {  	s31 =	sshll.u32 s1, $0xD;
	s1 =	sshrl.u32 s1, $0x2  }
0xbf: {  	s3 =	sand.u32 $0x4000, s31;
	s1 =	sadd.s32 s1, s30  }
0xc0: {  	s0 =	sor.u32 s3, s0;
	s1 =	sshll.u32 s1, $0x11  }
0xc1: {  	s0 =	sor.u32 s1, s0  }
0xc2: {  	s0 =	sadd.s32 $0x8F2B, s0  }
0xc3: {  	[sflag:s0] =	ssyncadd.remote.s32 $0x1  }
0xc4: {  	_ =	sfence.sel $0xFFFF  }
0xc5: {  	[dreg:$0x0] =	wrdreg $0xFFFFFFFF;
	(pc) =	sbr.abs _section_cstart, $3  }
0xc6: {  	[dreg:$0x1] =	wrdreg $0xFFFFFFFF  }
0xc7: {  	_ =	task.clear_ibuf [dreg:s7], $0x2FFFF;
	_ =	strace $0x9FFFFFFF  }
0xc8: {  	(tm) =	ssettm $0x7FFFFFFF  }
0xc9: {  	_ =	shalt  }
tec
execute0_lowered:
.L_overlay_start_1:
0x0: {  	(tag) =	ssettag $0x1  }
0x1: {  	s0 =	rddreg [dreg:$0x0]  }
0x2: {  	s1 =	rddreg [dreg:$0x1];
	s2 =	simm.s32 $0x0  }
0x3: {  	s26 =	srdreg.scid;
	s5 =	stileid.u32;
	s11 =	simm.s32 $0x8000  }
0x4: {  	s12 =	simm.s32 $0x4;
	s14 =	simm.s32 $0x1;
	s15 =	simm.s32 $0x4000  }
0x5: {  	s16 =	simm.s32 $0x8100;
	s17 =	simm.s32 $0x8980;
	s18 =	simm.s32 $0xB980  }
0x6: {  	s19 =	simm.s32 $0x2;
	s20 =	simm.s32 $0x80;
	s21 =	simm.s32 $0x3  }
0x7: {  	s22 =	simm.s32 $0x0;
	s23 =	simm.s32 $0x0;
	[smem:$0x7FF] =	sst s2  }
0x8: {  	s2 =	sand.u32 $0x1, s26;
	s3 =	sadd.s32 $0x1C00, s0;
	s5 =	sshll.u32 s5, $0x1  }
0x9: {  	s6 =	sadd.s32 $0x81C00, s0;
	_ =	strace $0x80000047;
	s4 =	ssub.s32 $0x2, s2  }
.Ltmp0:
0xa: {  	[dreg:$0x3] =	wrdreg s6;
	s2 =	sor.u32 s2, s5;
	(pc) =	sbr.rel .LBB2_1-.Ltmp0, $4  }
0xb: {  	s5 =	sadd.s32 $0x81E00, s0;
	s28 =	sshrl.u32 s4, $0x1;
	s30 =	sshll.u32 s2, $0x2  }
0xc: {  	s6 =	sshll.u32 s2, $0x6;
	s31 =	sshll.u32 s2, $0xE;
	s1 =	sadd.s32 s1, s30  }
0xd: {  	s29 =	ssub.s32 s4, s28;
	[dreg:$0x4] =	wrdreg s1;
	s1 =	sadd.s32 s3, s31  }
0xe: {  	v0 =	vimm.s32 $0x1D680;
	v1 =	vlaneseq.u32;
	v2 =	vimm.s32 $0x0;
	s9 =	sor.u32 $0x10, s6;
	s10 =	smax.u32 s29, $0x1;
	[dreg:$0x5] =	wrdreg s1  }
.LBB2_30:
0xf: {  	[sflag:s21] =	ssyncadd.s32 $0xFFFFFF80  }
.LBB2_31:
0x10: {  	s22 =	sadd.s32 $0x1, s22  }
0x11: {  	p0 =	sne.s32 s22, s10  }
.Ltmp1:
0x12: {  	_ = 	snop;
	(pc) =	sbr.rel @!p0 .LBB2_32-.Ltmp1, $1  }
0x13: {  	_ =	sdelay $0x3  }
.LBB2_1:
0x14: {  	s0 =	simm.s32 $0x0;
	s1 =	rddreg [dreg:$0x4]  }
0x15: {  	[tilespmem:s11], [sflag:$0x4] =	stream.linear.gather [hbm4b:s1+s0], $0x20, $0x38;
	[tilespmem:$0xE980] =	vst v63  }
0x16: {  	_ =	swait.ge [sflag:s12], $0x20  }
0x17: {  	[sflag:s12] =	ssyncset.done $0x0  }
0x18: {  	s2 =	simm.s32 $0x8080;
	s31 =	rddreg [dreg:$0x3];
	[sflag:s12] =	ssyncadd.s32 $0xFFFFFFE0  }
0x19: {  	[tilespmem:s2], [sflag:$0x4] =	stream.linear.gather [hbm4b:s31+s0], $0x10, $0x38;
	[tilespmem:$0xE980] =	vst v63  }
0x1a: {  	_ =	swait.ge [sflag:s12], $0x10  }
0x1b: {  	[sflag:s12] =	ssyncset.done $0x0  }
0x1c: {  	s1 =	simm.s32 $0x3C0;
	s0 =	simm.s32 $0x70;
	[sflag:s12] =	ssyncadd.s32 $0xFFFFFFF0  }
.LBB2_2:
0x1d: {  	p0 =	sne.s32 s1, $0xBFC0;
	[tilespmem:s0+$0x8980] =	vst v0  }
0x1e: {  	[tilespmem:s0+$0x8910] =	vst v0  }
0x1f: {  	[tilespmem:s0+$0x8920] =	vst v0  }
.Ltmp2:
0x20: {  	[tilespmem:s0+$0x8930] =	vst v0;
	(pc) =	sbr.rel @p0 .LBB2_2-.Ltmp2, $4  }
0x21: {  	[tilespmem:s0+$0x8940] =	vst v0  }
0x22: {  	[tilespmem:s0+$0x8950] =	vst v0  }
0x23: {  	[tilespmem:s0+$0x8960] =	vst v0  }
0x24: {  	[tilespmem:s0+$0x8970] =	vst v0;
	s0 =	sshra.s32 s1, $0x2;
	s1 =	sadd.s32 $0x200, s1  }
0x25: {  	[tilespmem:s0+$0x8980] =	vst v0  }
0x26: {  	[tilespmem:s0+$0x8910] =	vst v0  }
0x27: {  	[tilespmem:s0+$0x8920] =	vst v0  }
0x28: {  	[tilespmem:s0+$0x8930] =	vst v0  }
.Ltmp3:
0x29: {  	[tilespmem:s0+$0x8940] =	vst v0;
	(pc) =	sbr.rel .LBB2_4-.Ltmp3, $4  }
0x2a: {  	[tilespmem:s0+$0x8950] =	vst v0  }
0x2b: {  	[tilespmem:s0+$0x8960] =	vst v0  }
0x2c: {  	[tilespmem:s0+$0x8970] =	vst v0;
	s31 =	rddreg [dreg:$0x5];
	s24 =	simm.s32 $0x0;
	s25 =	simm.s32 $0x0  }
0x2d: {  	[tilespmem:s23], [sflag:$0x1] =	stream.linear.gather [hbm4b:s31+s23], $0x4000, $0x38;
	[tilespmem:$0xE980] =	vst v63  }
.LBB2_24:
0x2e: {  	s25 =	sadd.s32 $0x1, s25  }
0x2f: {  	p0 =	sne.s32 s25, $0x4  }
.Ltmp4:
0x30: {  	_ = 	snop;
	(pc) =	sbr.rel @!p0 .LBB2_25-.Ltmp4, $1  }
0x31: {  	_ =	sdelay $0x3  }
.LBB2_4:
0x32: {  	s28 =	sshll.u32 s25, $0x4  }
0x33: {  	s29 =	sor.u32 s28, s6  }
.Ltmp5:
0x34: {  	s26 =	sor.u32 $0x8, s29;
	(pc) =	sbr.rel .LBB2_5-.Ltmp5, $4  }
0x35: {  	_ =	swait.ge [sflag:s14], $0x4000;
	s0 =	sshll.u32 s26, $0x8  }
0x36: {  	s2 =	simm.s32 $0x40;
	[sflag:s14] =	ssyncset.done $0x0;
	s0 =	sand.u32 $0x1FFFF800, s0  }
0x37: {  	s31 =	simm.s32 $0x0;
	[sflag:s14] =	ssyncadd.s32 $0xFFFFC000;
	s0 =	sadd.s32 s3, s0  }
0x38: {  	[tilespmem:s15], [sflag:$0x2] =	stream.linear.gather [hbm4b:s0+s23], $0x4000, $0x38;
	[tilespmem:$0xE980] =	vst v63  }
.LBB2_10:
0x39: {  	s13 =	simm.s32 $0x8100;
	s4 =	simm.s32 $0x0;
	s30 =	smov.u32 s24  }
.LBB2_12:
0x3a: {  	v9, _, _ =	vpop @p0 (xrf0)  }
0x3b: {  	(v2sf) =	vpush @p0 v9, $0xF;
	_ =	sdelay $0x9  }
0x3c: {  	s4 =	sadd.s32 @p0 $0x10, s4  }
0x3d: {  	s1 =	smov.u32 @p0 s4  }
0x3e: {  	v57 =	vor.u32 s1, v1  }
0x3f: {  	vm2 =	vlt.s32 v57, v3  }
0x40: {  	v3 =	vsel vm2, $0x1, v2  }
0x41: {  	(xrf0) =	vadd.scan.msk.s32 $0xffff, v3;
	s1 =	spop @p0 (v2sf)  }
0x42: {  	vm3 =	vlt.s32 @p0 v8, $0x1D4C0;
	s1 =	sadd.s32 @p0 s30, s1  }
0x43: {  	v3 =	vnsel @p0 vm3, $0x1D680, v8;
	s24 =	smov.u32 @p0 s1  }
0x44: {  	[tilespmem:v6+s17+$0x0] =	vst.idx.msk @p0 vm0, v3;
	v3 =	vmov s24  }
0x45: {  	[tilespmem:v6+s18+$0x0] =	vst.idx.msk @p0 vm0, v4;
	s1 =	sadd.s32 @p0 $0x10, s13;
	v3 =	vadd.s32 $0xFFFFFFFF, v3  }
0x46: {  	[tilespmem:v5+s11+$0x0] =	vst.idx.msk @p0 vm1, v7;
	s0 =	smov.u32 @p0 s1;
	v3 =	vbroadcast v3, $0x0  }
0x47: {  	v58, _, _ =	vpop (xrf0);
	v4 =	vld [tilespmem:s0+$0x0]  }
0x48: {  	v3 =	vadd.s32 v58, v3  }
0x49: {  	vm14 =	vlt.s32 v3, $0x3000  }
0x4a: {  	vm0 =	vmand vm2, vm14  }
0x4b: {  	v59 =	vsel vm0, $0x1, v2  }
0x4c: {  	v60 =	vshrl.u32 v4, $0x16;
	(xrf0) =	vadd.scan.msk.s32 $0xffff, v59  }
0x4d: {  	v61 =	vand.u32 $0x1F, v60  }
0x4e: {  	(xrf1) =	vunique.msk.u32 vm2, v61;
	_ =	sdelay $0x3  }
0x4f: {  	v62, _, _ =	vpop (xrf0)  }
0x50: {  	(v2sf) =	vpush v62, $0xF;
	_ =	sdelay $0x4  }
0x51: {  	v63 =	vld.idx.msk [tilespmem:v61+s11+$0x0], $0xffff;
	_ =	sdelay $0x3  }
0x52: {  	_, v7, vm1 =	vpop (xrf1)  }
0x53: {  	v6 =	vadd.s32 v63, v7;
	vm1 =	vmand vm2, vm1  }
0x54: {  	v7 =	vadd.s32 $0xFFFFFFFF, v6  }
0x55: {  	vm15 =	vlt.s32 v7, $0x1D4C0  }
0x56: {  	v7 =	vnsel vm15, $0x1D680, v7  }
0x57: {  	[tilespmem:v3+s17+$0x0] =	vst.idx.msk vm0, v7  }
0x58: {  	[tilespmem:v3+s18+$0x0] =	vst.idx.msk vm0, v4;
	s30 =	spop (v2sf)  }
0x59: {  	[tilespmem:v61+s11+$0x0] =	vst.idx.msk vm1, v6;
	s24 =	sadd.s32 s24, s30  }
.LBB2_13:
0x5a: {  	s31 =	sadd.s32 $0x1, s31  }
0x5b: {  	p0 =	sne.s32 s31, $0x8  }
.Ltmp6:
0x5c: {  	_ = 	snop;
	(pc) =	sbr.rel @!p0 .LBB2_14-.Ltmp6, $2  }
0x5d: {  	_ =	sdelay $0x2  }
0x5e: {  	s2 =	sadd.s32 $0x800, s2  }
.LBB2_5:
0x5f: {  	v3 =	vld [tilespmem:s2+$0xFFFFFFC0];
	_ =	sdelay $0x4  }
0x60: {  	vm0 =	vgt.s32 v3, $0xFFFFFFFF  }
0x61: {  	v4 =	vsel vm0, $0x1, v2  }
0x62: {  	v5 =	vld [tilespmem:s2+$0xFFFFFFD0];
	(xrf0) =	vadd.scan.msk.s32 $0xffff, v4;
	_ =	sdelay $0x4  }
0x63: {  	vm1 =	vgt.s32 v5, $0xFFFFFFFF  }
0x64: {  	v6 =	vsel vm1, $0x1, v2;
	v4 =	vimm.s32 $0x0;
	v7, _, _ =	vpop (xrf0)  }
0x65: {  	v8 =	vld [tilespmem:s2+$0xFFFFFFE0];
	(xrf0) =	vadd.scan.msk.s32 $0xffff, v6;
	v7 =	vadd.s32 v7, v4  }
0x66: {  	v6 =	vadd.s32 $0xFFFFFFFF, v7  }
0x67: {  	vm2 =	vlt.s32 v6, $0x810  }
0x68: {  	vm0 =	vmand vm0, vm2  }
0x69: {  	v7 =	vmpcnt.ones.xlane vm0  }
0x6a: {  	vm2 =	vgt.s32 v8, $0xFFFFFFFF  }
0x6b: {  	v9, _, _ =	vpop (xrf0);
	v4 =	vadd.s32 v4, v7;
	v7 =	vsel vm2, $0x1, v2  }
0x6c: {  	v10 =	vld [tilespmem:s2+$0xFFFFFFF0];
	v9 =	vadd.s32 v9, v4;
	(xrf0) =	vadd.scan.msk.s32 $0xffff, v7  }
0x6d: {  	v7 =	vadd.s32 $0xFFFFFFFF, v9  }
0x6e: {  	vm3 =	vlt.s32 v7, $0x810  }
0x6f: {  	vm1 =	vmand vm1, vm3  }
0x70: {  	v53 =	vmpcnt.ones.xlane vm1  }
0x71: {  	vm3 =	vgt.s32 v10, $0xFFFFFFFF  }
0x72: {  	v54 =	vsel vm3, $0x1, v2;
	v4 =	vadd.s32 v4, v53;
	v11, _, _ =	vpop (xrf0)  }
0x73: {  	v12 =	vld [tilespmem:s2+$0x0];
	(xrf0) =	vadd.scan.msk.s32 $0xffff, v54;
	v11 =	vadd.s32 v11, v4  }
0x74: {  	v55 =	vadd.s32 $0xFFFFFFFF, v11  }
0x75: {  	vm4 =	vlt.s32 v55, $0x810  }
0x76: {  	vm2 =	vmand vm2, vm4  }
0x77: {  	v56 =	vmpcnt.ones.xlane vm2  }
0x78: {  	vm5 =	vgt.s32 v12, $0xFFFFFFFF  }
0x79: {  	v57 =	vsel vm5, $0x1, v2;
	v13, _, _ =	vpop (xrf0);
	v4 =	vadd.s32 v4, v56  }
0x7a: {  	(xrf0) =	vadd.scan.msk.s32 $0xffff, v57;
	v13 =	vadd.s32 v13, v4  }
0x7b: {  	v58 =	vadd.s32 $0xFFFFFFFF, v13  }
0x7c: {  	vm15 =	vlt.s32 v58, $0x810  }
0x7d: {  	vm4 =	vmand vm3, vm15  }
0x7e: {  	v59 =	vmpcnt.ones.xlane vm4  }
0x7f: {  	v14 =	vld [tilespmem:s2+$0x10]  }
0x80: {  	v60, _, _ =	vpop (xrf0);
	v4 =	vadd.s32 v4, v59  }
0x81: {  	v13 =	vadd.s32 v60, v4  }
0x82: {  	v13 =	vadd.s32 $0xFFFFFFFF, v13  }
0x83: {  	v3 =	vshll.u32 v3, $0x16;
	vm3 =	vlt.s32 v13, $0x810  }
0x84: {  	s0 =	sadd.s32 s29, s31;
	v5 =	vshll.u32 v5, $0x16;
	vm5 =	vmand vm5, vm3;
	vm3 =	vgt.s32 v14, $0xFFFFFFFF  }
0x85: {  	s1 =	simm.s32 $0x0;
	s0 =	sshll.u32 s0, $0xB;
	v12 =	vshll.u32 v12, $0x16;
	v62 =	vshll.u32 v14, $0x16;
	v15 =	vsel vm3, $0x1, v2  }
0x86: {  	s7 =	simm.s32 $0x10;
	s13 =	simm.s32 $0x20;
	v61 =	vld [tilespmem:s2+$0x20];
	s4 =	sor.u32 s0, s1;
	v3 =	vand.u32 $0x7C00000, v3;
	v5 =	vand.u32 $0x7C00000, v5;
	v8 =	vshll.u32 v8, $0x16;
	(xrf0) =	vadd.scan.msk.s32 $0xffff, v15  }
0x87: {  	s8 =	sor.u32 s0, s7;
	s7 =	sor.u32 s0, s13;
	v12 =	vand.u32 $0x7C00000, v12;
	v3 =	vor.u32 s4, v3;
	v8 =	vand.u32 $0x7C00000, v8  }
0x88: {  	s13 =	simm.s32 $0x40;
	v5 =	vor.u32 s8, v5;
	v3 =	vor.u32 v1, v3;
	v8 =	vor.u32 s7, v8  }
0x89: {  	s8 =	simm.s32 $0x30;
	v5 =	vor.u32 v1, v5;
	s7 =	sor.u32 s0, s13;
	v8 =	vor.u32 v1, v8;
	v10 =	vshll.u32 v10, $0x16  }
0x8a: {  	s4 =	sor.u32 s0, s8;
	[tilespmem:v6+s16+$0x0] =	vst.idx.msk vm0, v3;
	v6 =	vor.u32 s7, v12;
	v10 =	vand.u32 $0x7C00000, v10;
	v16 =	vmpcnt.ones.xlane vm5  }
0x8b: {  	s8 =	simm.s32 $0x50;
	vm0 =	vgt.s32 v61, $0xFFFFFFFF;
	v6 =	vor.u32 v1, v6;
	v10 =	vor.u32 s4, v10  }
0x8c: {  	s4 =	sor.u32 s0, s8;
	v3 =	vor.u32 v1, v10;
	[tilespmem:v7+s16+$0x0] =	vst.idx.msk vm1, v5;
	v5 =	vand.u32 $0x7C00000, v62;
	v7 =	vadd.s32 v4, v16;
	v4, _, _ =	vpop (xrf0)  }
0x8d: {  	[tilespmem:v55+s16+$0x0] =	vst.idx.msk vm2, v8;
	v8 =	vor.u32 s4, v5;
	v5 =	vshll.u32 v61, $0x16;
	v4 =	vadd.s32 v4, v7  }
0x8e: {  	[tilespmem:v58+s16+$0x0] =	vst.idx.msk vm4, v3;
	v3 =	vand.u32 $0x7C00000, v5;
	v5 =	vadd.s32 $0xFFFFFFFF, v4;
	v4 =	vsel vm0, $0x1, v2  }
0x8f: {  	s13 =	simm.s32 $0x60;
	[tilespmem:v13+s16+$0x0] =	vst.idx.msk vm5, v6;
	v6 =	vld [tilespmem:s2+$0x30];
	(xrf0) =	vadd.scan.msk.s32 $0xffff, v4  }
0x90: {  	s4 =	sor.u32 s0, s13  }
0x91: {  	v63 =	vor.u32 s4, v3;
	vm1 =	vlt.s32 v5, $0x810  }
0x92: {  	s30 =	smov.u32 s2;
	s13 =	simm.s32 $0x0;
	v3 =	vor.u32 v1, v8;
	v4 =	vor.u32 v1, v63;
	vm1 =	vmand vm3, vm1  }
.LBB2_6:
0x93: {  	s13 =	sadd.s32 $0x8, s13;
	v8 =	vmpcnt.ones.xlane vm1  }
0x94: {  	s4 =	sadd.s32 $0x70, s1;
	p0 =	slt.u32 s13, $0x78;
	vm2 =	vgt.s32 v6, $0xFFFFFFFF;
	v6 =	vshll.u32 v6, $0x16  }
0x95: {  	s30 =	sadd.s32 $0x80, s30;
	s4 =	sor.u32 s0, s4;
	v7 =	vadd.s32 v7, v8;
	v6 =	vand.u32 $0x7C00000, v6;
	v8 =	vsel vm2, $0x1, v2;
	v9, _, _ =	vpop (xrf0)  }
0x96: {  	v10 =	vld [tilespmem:s30+$0xFFFFFFC0];
	v9 =	vadd.s32 v9, v7;
	v6 =	vor.u32 s4, v6;
	(xrf0) =	vadd.scan.msk.s32 $0xffff, v8  }
0x97: {  	v8 =	vadd.s32 $0xFFFFFFFF, v9;
	v6 =	vor.u32 v1, v6  }
0x98: {  	[tilespmem:v5+s16+$0x0] =	vst.idx.msk vm1, v3;
	vm1 =	vlt.s32 v8, $0x810  }
0x99: {  	vm1 =	vmand vm0, vm1  }
0x9a: {  	v3 =	vmpcnt.ones.xlane vm1  }
0x9b: {  	s1 =	sadd.s32 $0x80, s1;
	vm0 =	vgt.s32 v10, $0xFFFFFFFF;
	v5 =	vshll.u32 v10, $0x16  }
0x9c: {  	s4 =	sor.u32 s0, s1;
	v5 =	vand.u32 $0x7C00000, v5;
	v9 =	vsel vm0, $0x1, v2;
	v3 =	vadd.s32 v7, v3;
	v7, _, _ =	vpop (xrf0)  }
0x9d: {  	v5 =	vor.u32 s4, v5;
	v10 =	vld [tilespmem:s30+$0xFFFFFFD0];
	(xrf0) =	vadd.scan.msk.s32 $0xffff, v9;
	v7 =	vadd.s32 v7, v3  }
0x9e: {  	v5 =	vor.u32 v1, v5;
	v7 =	vadd.s32 $0xFFFFFFFF, v7  }
0x9f: {  	[tilespmem:v8+s16+$0x0] =	vst.idx.msk vm1, v4;
	vm1 =	vlt.s32 v7, $0x810  }
0xa0: {  	vm2 =	vmand vm2, vm1  }
0xa1: {  	v4 =	vmpcnt.ones.xlane vm2  }
0xa2: {  	s4 =	sadd.s32 $0x10, s1;
	vm1 =	vgt.s32 v10, $0xFFFFFFFF;
	v8 =	vshll.u32 v10, $0x16  }
0xa3: {  	s4 =	sor.u32 s0, s4;
	v8 =	vand.u32 $0x7C00000, v8;
	v9 =	vsel vm1, $0x1, v2;
	v10, _, _ =	vpop (xrf0);
	v3 =	vadd.s32 v3, v4  }
0xa4: {  	v4 =	vadd.s32 v10, v3;
	v8 =	vor.u32 s4, v8;
	v10 =	vld [tilespmem:s30+$0xFFFFFFE0];
	(xrf0) =	vadd.scan.msk.s32 $0xffff, v9  }
0xa5: {  	v4 =	vadd.s32 $0xFFFFFFFF, v4;
	v8 =	vor.u32 v1, v8  }
0xa6: {  	vm3 =	vlt.s32 v4, $0x810;
	[tilespmem:v7+s16+$0x0] =	vst.idx.msk vm2, v6  }
0xa7: {  	vm2 =	vmand vm0, vm3  }
0xa8: {  	v6 =	vmpcnt.ones.xlane vm2  }
0xa9: {  	s4 =	sadd.s32 $0x20, s1;
	vm0 =	vgt.s32 v10, $0xFFFFFFFF;
	v7 =	vshll.u32 v10, $0x16  }
0xaa: {  	s4 =	sor.u32 s0, s4;
	v3 =	vadd.s32 v3, v6;
	v6 =	vand.u32 $0x7C00000, v7;
	v7 =	vsel vm0, $0x1, v2;
	v9, _, _ =	vpop (xrf0)  }
0xab: {  	v9 =	vadd.s32 v9, v3;
	v6 =	vor.u32 s4, v6;
	v10 =	vld [tilespmem:s30+$0xFFFFFFF0];
	(xrf0) =	vadd.scan.msk.s32 $0xffff, v7  }
0xac: {  	v7 =	vadd.s32 $0xFFFFFFFF, v9;
	v6 =	vor.u32 v1, v6  }
0xad: {  	[tilespmem:v4+s16+$0x0] =	vst.idx.msk vm2, v5;
	vm2 =	vlt.s32 v7, $0x810  }
0xae: {  	vm2 =	vmand vm1, vm2  }
0xaf: {  	v4 =	vmpcnt.ones.xlane vm2  }
0xb0: {  	s4 =	sadd.s32 $0x30, s1;
	vm1 =	vgt.s32 v10, $0xFFFFFFFF;
	v5 =	vshll.u32 v10, $0x16  }
0xb1: {  	s4 =	sor.u32 s0, s4;
	v3 =	vadd.s32 v3, v4;
	v4 =	vand.u32 $0x7C00000, v5;
	v5 =	vsel vm1, $0x1, v2;
	v9, _, _ =	vpop (xrf0)  }
0xb2: {  	v9 =	vadd.s32 v9, v3;
	v4 =	vor.u32 s4, v4;
	v10 =	vld [tilespmem:s30+$0x0];
	(xrf0) =	vadd.scan.msk.s32 $0xffff, v5  }
0xb3: {  	v5 =	vadd.s32 $0xFFFFFFFF, v9;
	v4 =	vor.u32 v1, v4  }
0xb4: {  	[tilespmem:v7+s16+$0x0] =	vst.idx.msk vm2, v8;
	vm2 =	vlt.s32 v5, $0x810  }
0xb5: {  	vm2 =	vmand vm0, vm2  }
0xb6: {  	v7 =	vmpcnt.ones.xlane vm2  }
0xb7: {  	s4 =	sadd.s32 $0x40, s1;
	vm0 =	vgt.s32 v10, $0xFFFFFFFF;
	v8 =	vshll.u32 v10, $0x16  }
0xb8: {  	s4 =	sor.u32 s0, s4;
	v3 =	vadd.s32 v3, v7;
	v7 =	vand.u32 $0x7C00000, v8;
	v8 =	vsel vm0, $0x1, v2;
	v9, _, _ =	vpop (xrf0)  }
0xb9: {  	v9 =	vadd.s32 v9, v3;
	v7 =	vor.u32 s4, v7;
	v10 =	vld [tilespmem:s30+$0x10];
	(xrf0) =	vadd.scan.msk.s32 $0xffff, v8  }
0xba: {  	v8 =	vadd.s32 $0xFFFFFFFF, v9;
	v9 =	vor.u32 v1, v7  }
0xbb: {  	[tilespmem:v5+s16+$0x0] =	vst.idx.msk vm2, v6;
	vm2 =	vlt.s32 v8, $0x810  }
0xbc: {  	vm2 =	vmand vm1, vm2  }
0xbd: {  	v5 =	vmpcnt.ones.xlane vm2  }
0xbe: {  	s4 =	sadd.s32 $0x50, s1;
	vm1 =	vgt.s32 v10, $0xFFFFFFFF;
	v6 =	vshll.u32 v10, $0x16  }
0xbf: {  	s4 =	sor.u32 s0, s4;
	v5 =	vadd.s32 v3, v5;
	v3 =	vand.u32 $0x7C00000, v6;
	v6 =	vsel vm1, $0x1, v2;
	v7, _, _ =	vpop (xrf0)  }
0xc0: {  	v7 =	vadd.s32 v7, v5;
	v3 =	vor.u32 s4, v3;
	v10 =	vld [tilespmem:s30+$0x20];
	(xrf0) =	vadd.scan.msk.s32 $0xffff, v6  }
0xc1: {  	v11 =	vadd.s32 $0xFFFFFFFF, v7;
	v3 =	vor.u32 v1, v3  }
0xc2: {  	[tilespmem:v8+s16+$0x0] =	vst.idx.msk vm2, v4;
	vm2 =	vlt.s32 v11, $0x810  }
0xc3: {  	vm2 =	vmand vm0, vm2  }
0xc4: {  	v4 =	vmpcnt.ones.xlane vm2  }
0xc5: {  	s4 =	sadd.s32 $0x60, s1;
	vm0 =	vgt.s32 v10, $0xFFFFFFFF;
	v8 =	vshll.u32 v10, $0x16  }
.Ltmp7:
0xc6: {  	s4 =	sor.u32 s0, s4;
	v7 =	vadd.s32 v5, v4;
	v4 =	vand.u32 $0x7C00000, v8;
	v5 =	vsel vm0, $0x1, v2;
	v6, _, _ =	vpop (xrf0);
	(pc) =	sbr.rel @p0 .LBB2_6-.Ltmp7, $4  }
0xc7: {  	v8 =	vadd.s32 v6, v7;
	v4 =	vor.u32 s4, v4;
	v6 =	vld [tilespmem:s30+$0x30];
	(xrf0) =	vadd.scan.msk.s32 $0xffff, v5  }
0xc8: {  	v5 =	vadd.s32 $0xFFFFFFFF, v8;
	v4 =	vor.u32 v1, v4  }
0xc9: {  	[tilespmem:v11+s16+$0x0] =	vst.idx.msk vm2, v9;
	vm2 =	vlt.s32 v5, $0x810  }
0xca: {  	vm1 =	vmand vm1, vm2  }
0xcb: {  	v8 =	vmpcnt.ones.xlane vm1  }
0xcc: {  	vm2 =	vgt.s32 v6, $0xFFFFFFFF  }
0xcd: {  	v7 =	vadd.s32 v7, v8;
	v59 =	vsel vm2, $0x1, v2;
	v9, _, _ =	vpop (xrf0)  }
0xce: {  	v9 =	vadd.s32 v9, v7;
	(xrf0) =	vadd.scan.msk.s32 $0xffff, v59  }
0xcf: {  	v60 =	vadd.s32 $0xFFFFFFFF, v9  }
0xd0: {  	vm3 =	vlt.s32 v60, $0x810  }
0xd1: {  	vm0 =	vmand vm0, vm3  }
0xd2: {  	v61 =	vmpcnt.ones.xlane vm0;
	_ =	sdelay $0x1  }
0xd3: {  	v7 =	vadd.s32 v7, v61;
	v62, _, _ =	vpop (xrf0)  }
0xd4: {  	v9 =	vadd.s32 v62, v7  }
0xd5: {  	v9 =	vadd.s32 $0xFFFFFFFF, v9  }
0xd6: {  	vm15 =	vlt.s32 v9, $0x810  }
0xd7: {  	vm2 =	vmand vm2, vm15  }
0xd8: {  	v10 =	vmpcnt.ones.xlane vm2;
	_ =	sdelay $0x1  }
0xd9: {  	v7 =	vadd.s32 v7, v10  }
0xda: {  	v7 =	vxor.u32 $0x80000000, v7  }
0xdb: {  	(xrf0) =	vmax.scan.msk.u32 $0xffff, v7;
	_ =	sdelay $0x5  }
0xdc: {  	v7, _, _ =	vpop (xrf0)  }
0xdd: {  	(v2sf) =	vpush v7, $0xF;
	_ =	sdelay $0xe  }
0xde: {  	s4 =	spop (v2sf)  }
0xdf: {  	s7 =	sadd.s32 $0x8000000F, s4  }
0xe0: {  	s13 =	sand.u32 $0xF, s7  }
0xe1: {  	s8 =	sshra.s32 s7, $0x1F;
	p1 =	slt.s32 s7, $0x1;
	p0 =	sne.s32 s13, $0x0  }
0xe2: {  	s13 =	sshrl.u32 s8, $0x1C;
	p0 =	por !p1, !p0  }
0xe3: {  	s7 =	sadd.s32 s13, s7;
	s13 =	simm.s32 $0x1;
	p0 =	por !p0, !p0  }
0xe4: {  	s30 =	sshra.s32 s7, $0x4;
	s13 =	simm.s32 @!p0 $0x0  }
0xe5: {  	s7 =	ssub.s32 s30, s13  }
0xe6: {  	p0 =	slt.s32 s7, $0x1  }
.Ltmp8:
0xe7: {  	s1 =	sadd.s32 $0x70, s1;
	v63 =	vshll.u32 v6, $0x16;
	(pc) =	sbr.rel @p0 .LBB2_13-.Ltmp8, $4  }
0xe8: {  	s0 =	sor.u32 s0, s1;
	v6 =	vand.u32 $0x7C00000, v63  }
0xe9: {  	[tilespmem:v5+s16+$0x0] =	vst.idx.msk vm1, v3;
	v6 =	vor.u32 s0, v6  }
0xea: {  	v3 =	vor.u32 v1, v6;
	[tilespmem:v60+s16+$0x0] =	vst.idx.msk vm0, v4  }
0xeb: {  	[tilespmem:v9+s16+$0x0] =	vst.idx.msk vm2, v3  }
0xec: {  	p1 =	sne.s32 s7, $0x1  }
.Ltmp9:
0xed: {  	_ = 	snop;
	(pc) =	sbr.rel @!p1 .LBB2_12-.Ltmp9, $4  }
0xee: {  	_ = 	snop  }
0xef: {  	s4 =	sxor.u32 $0x80000000, s4;
	s0 =	simm.s32 $0x8100  }
0xf0: {  	s1 =	simm.s32 $0x0;
	s7 =	sadd.s32 $0xFFFFFFFF, s7;
	p0 =	por $0x0, $0x0  }
0xf1: {  	s13 =	simm.s32 $0x8100;
	s30 =	smov.u32 s24;
	v3 =	vmov s4;
	s4 =	simm.s32 $0x0  }
0xf2: {  	v4 =	vld [tilespmem:s0+$0x0];
	_ =	sdelay $0x4  }
0xf3: {  	v5 =	vor.u32 s1, v1;
	v6 =	vshrl.u32 v4, $0x16  }
0xf4: {  	vm1 =	vlt.s32 v5, v3;
	v5 =	vand.u32 $0x1F, v6  }
0xf5: {  	v6 =	vsel vm1, $0x1, v2;
	(xrf1) =	vunique.msk.u32 vm1, v5  }
0xf6: {  	(xrf0) =	vadd.scan.msk.s32 $0xffff, v6;
	_ =	sdelay $0x2  }
0xf7: {  	v6 =	vmov s24  }
0xf8: {  	v6 =	vadd.s32 $0xFFFFFFFF, v6  }
0xf9: {  	v6 =	vbroadcast v6, $0x0  }
0xfa: {  	v8, _, _ =	vpop (xrf0)  }
0xfb: {  	v6 =	vadd.s32 v8, v6  }
0xfc: {  	vm0 =	vlt.s32 v6, $0x3000  }
0xfd: {  	vm0 =	vmand vm1, vm0  }
0xfe: {  	v7 =	vld.idx.msk [tilespmem:v5+s11+$0x0], $0xffff;
	v9 =	vsel vm0, $0x1, v2  }
0xff: {  	p1 =	sne.s32 s7, $0x1;
	(xrf0) =	vadd.scan.msk.s32 $0xffff, v9  }
.Ltmp10:
0x100: {  	_ = 	snop;
	(pc) =	sbr.rel @!p1 .LBB2_10-.Ltmp10, $4  }
0x101: {  	_ = 	snop  }
0x102: {  	_, v8, vm2 =	vpop (xrf1)  }
0x103: {  	s7 =	sadd.s32 $0xFFFFFFFF, s7;
	p0 =	por $0x1, $0x1;
	v7 =	vadd.s32 v7, v8;
	vm1 =	vmand vm1, vm2  }
0x104: {  	s13 =	simm.s32 $0x8100;
	s4 =	simm.s32 $0x0;
	s30 =	smov.u32 s24;
	v8 =	vadd.s32 $0xFFFFFFFF, v7  }
.LBB2_11:
0x105: {  	p1 =	sne.s32 s7, $0x1;
	vm2 =	vlt.s32 v8, $0x1D4C0  }
0x106: {  	v8 =	vnsel vm2, $0x1D680, v8  }
0x107: {  	[tilespmem:v6+s17+$0x0] =	vst.idx.msk vm0, v8  }
0x108: {  	[tilespmem:v6+s18+$0x0] =	vst.idx.msk vm0, v4  }
0x109: {  	s13 =	sadd.s32 $0x10, s13;
	[tilespmem:v5+s11+$0x0] =	vst.idx.msk vm1, v7;
	v5, _, _ =	vpop (xrf0)  }
0x10a: {  	v4 =	vld [tilespmem:s13+$0x0];
	(v2sf) =	vpush v5, $0xF;
	_ =	sdelay $0x6  }
0x10b: {  	s4 =	sadd.s32 $0x10, s4  }
0x10c: {  	v5 =	vor.u32 s4, v1;
	v6 =	vshrl.u32 v4, $0x16  }
0x10d: {  	vm1 =	vlt.s32 v5, v3;
	v5 =	vand.u32 $0x1F, v6  }
0x10e: {  	(xrf1) =	vunique.msk.u32 vm1, v5;
	_ =	sdelay $0x2  }
0x10f: {  	v6 =	vsel vm1, $0x1, v2  }
0x110: {  	(xrf0) =	vadd.scan.msk.s32 $0xffff, v6  }
0x111: {  	s8 =	spop (v2sf)  }
0x112: {  	s30 =	sadd.s32 s30, s8  }
0x113: {  	v6 =	vmov s30  }
0x114: {  	v6 =	vadd.s32 $0xFFFFFFFF, v6  }
0x115: {  	v7 =	vld.idx.msk [tilespmem:v5+s11+$0x0], $0xffff;
	v6 =	vbroadcast v6, $0x0  }
0x116: {  	v8, _, _ =	vpop (xrf0)  }
0x117: {  	v6 =	vadd.s32 v8, v6  }
.Ltmp11:
0x118: {  	vm0 =	vlt.s32 v6, $0x3000;
	(pc) =	sbr.rel @p1 .LBB2_11-.Ltmp11, $4  }
0x119: {  	vm0 =	vmand vm1, vm0  }
0x11a: {  	v8 =	vsel vm0, $0x1, v2;
	_, v9, vm2 =	vpop (xrf1)  }
0x11b: {  	v7 =	vadd.s32 v7, v9;
	vm1 =	vmand vm1, vm2;
	(xrf0) =	vadd.scan.msk.s32 $0xffff, v8  }
0x11c: {  	s7 =	sadd.s32 $0xFFFFFFFF, s7;
	v8 =	vadd.s32 $0xFFFFFFFF, v7  }
.Ltmp12:
0x11d: {  	_ = 	snop;
	(pc) =	sbr.rel .LBB2_12-.Ltmp12, $1  }
0x11e: {  	_ =	sdelay $0x3  }
.LBB2_14:
0x11f: {  	p0 =	seq.s32 s25, $0x3  }
0x120: {  	s0 =	sadd.s32 @!p0 s28, s9  }
0x121: {  	s0 =	sshll.u32 @!p0 s0, $0x8  }
0x122: {  	s0 =	sand.u32 @!p0 $0x1FFFF000, s0  }
.Ltmp13:
0x123: {  	s1 =	simm.s32 @!p0 $0x0;
	s0 =	sadd.s32 @!p0 s3, s0;
	(pc) =	sbr.rel .LBB2_15-.Ltmp13, $4  }
0x124: {  	[tilespmem:s1], [sflag:$0x1] =	stream.linear.gather @!p0 [hbm4b:s0+s1], $0x4000, $0x38;
	[tilespmem:$0xE980] =	vst v63  }
0x125: {  	_ =	swait.ge [sflag:s19], $0x4000  }
0x126: {  	s29 =	simm.s32 $0x4040;
	[sflag:s19] =	ssyncset.done $0x0  }
0x127: {  	s30 =	simm.s32 $0x0;
	s28 =	simm.s32 $0x0;
	[sflag:s19] =	ssyncadd.s32 $0xFFFFC000  }
.LBB2_20:
0x128: {  	s2 =	simm.s32 $0x8100;
	s4 =	simm.s32 $0x0;
	s13 =	smov.u32 s24  }
.LBB2_22:
0x129: {  	v9, _, _ =	vpop @p0 (xrf0)  }
0x12a: {  	(v2sf) =	vpush @p0 v9, $0xF;
	_ =	sdelay $0x9  }
0x12b: {  	s4 =	sadd.s32 @p0 $0x10, s4  }
0x12c: {  	s1 =	smov.u32 @p0 s4  }
0x12d: {  	v57 =	vor.u32 s1, v1  }
0x12e: {  	vm2 =	vlt.s32 v57, v3  }
0x12f: {  	v3 =	vsel vm2, $0x1, v2  }
0x130: {  	(xrf0) =	vadd.scan.msk.s32 $0xffff, v3;
	s1 =	spop @p0 (v2sf)  }
0x131: {  	vm3 =	vlt.s32 @p0 v8, $0x1D4C0;
	s1 =	sadd.s32 @p0 s13, s1  }
0x132: {  	v3 =	vnsel @p0 vm3, $0x1D680, v8;
	s24 =	smov.u32 @p0 s1  }
0x133: {  	[tilespmem:v6+s17+$0x0] =	vst.idx.msk @p0 vm0, v3;
	v3 =	vmov s24  }
0x134: {  	[tilespmem:v6+s18+$0x0] =	vst.idx.msk @p0 vm0, v4;
	s1 =	sadd.s32 @p0 $0x10, s2;
	v3 =	vadd.s32 $0xFFFFFFFF, v3  }
0x135: {  	[tilespmem:v5+s11+$0x0] =	vst.idx.msk @p0 vm1, v7;
	s0 =	smov.u32 @p0 s1;
	v3 =	vbroadcast v3, $0x0  }
0x136: {  	v58, _, _ =	vpop (xrf0);
	v4 =	vld [tilespmem:s0+$0x0]  }
0x137: {  	v3 =	vadd.s32 v58, v3  }
0x138: {  	vm14 =	vlt.s32 v3, $0x3000  }
0x139: {  	vm0 =	vmand vm2, vm14  }
0x13a: {  	v59 =	vsel vm0, $0x1, v2  }
0x13b: {  	v60 =	vshrl.u32 v4, $0x16;
	(xrf0) =	vadd.scan.msk.s32 $0xffff, v59  }
0x13c: {  	v61 =	vand.u32 $0x1F, v60  }
0x13d: {  	(xrf1) =	vunique.msk.u32 vm2, v61;
	_ =	sdelay $0x3  }
0x13e: {  	v62, _, _ =	vpop (xrf0)  }
0x13f: {  	(v2sf) =	vpush v62, $0xF;
	_ =	sdelay $0x4  }
0x140: {  	v63 =	vld.idx.msk [tilespmem:v61+s11+$0x0], $0xffff;
	_ =	sdelay $0x3  }
0x141: {  	_, v7, vm1 =	vpop (xrf1)  }
0x142: {  	v6 =	vadd.s32 v63, v7;
	vm1 =	vmand vm2, vm1  }
0x143: {  	v7 =	vadd.s32 $0xFFFFFFFF, v6  }
0x144: {  	vm15 =	vlt.s32 v7, $0x1D4C0  }
0x145: {  	v7 =	vnsel vm15, $0x1D680, v7  }
0x146: {  	[tilespmem:v3+s17+$0x0] =	vst.idx.msk vm0, v7  }
0x147: {  	[tilespmem:v3+s18+$0x0] =	vst.idx.msk vm0, v4;
	s31 =	spop (v2sf)  }
0x148: {  	[tilespmem:v61+s11+$0x0] =	vst.idx.msk vm1, v6;
	s24 =	sadd.s32 s24, s31  }
.LBB2_23:
0x149: {  	s30 =	sadd.s32 $0x1, s30  }
0x14a: {  	p0 =	sne.s32 s30, $0x8  }
.Ltmp14:
0x14b: {  	_ = 	snop;
	(pc) =	sbr.rel @!p0 .LBB2_24-.Ltmp14, $2  }
0x14c: {  	_ =	sdelay $0x2  }
0x14d: {  	s29 =	sadd.s32 $0x800, s29  }
.LBB2_15:
0x14e: {  	v3 =	vld [tilespmem:s29+$0xFFFFFFC0];
	_ =	sdelay $0x4  }
0x14f: {  	vm0 =	vgt.s32 v3, $0xFFFFFFFF  }
0x150: {  	v4 =	vsel vm0, $0x1, v2  }
0x151: {  	v5 =	vld [tilespmem:s29+$0xFFFFFFD0];
	(xrf0) =	vadd.scan.msk.s32 $0xffff, v4;
	_ =	sdelay $0x4  }
0x152: {  	vm1 =	vgt.s32 v5, $0xFFFFFFFF  }
0x153: {  	v6 =	vsel vm1, $0x1, v2;
	v4 =	vimm.s32 $0x0;
	v7, _, _ =	vpop (xrf0)  }
0x154: {  	v8 =	vld [tilespmem:s29+$0xFFFFFFE0];
	(xrf0) =	vadd.scan.msk.s32 $0xffff, v6;
	v7 =	vadd.s32 v7, v4  }
0x155: {  	v6 =	vadd.s32 $0xFFFFFFFF, v7  }
0x156: {  	vm2 =	vlt.s32 v6, $0x810  }
0x157: {  	vm0 =	vmand vm0, vm2  }
0x158: {  	v7 =	vmpcnt.ones.xlane vm0  }
0x159: {  	vm2 =	vgt.s32 v8, $0xFFFFFFFF  }
0x15a: {  	v9, _, _ =	vpop (xrf0);
	v4 =	vadd.s32 v4, v7;
	v7 =	vsel vm2, $0x1, v2  }
0x15b: {  	v10 =	vld [tilespmem:s29+$0xFFFFFFF0];
	v9 =	vadd.s32 v9, v4;
	(xrf0) =	vadd.scan.msk.s32 $0xffff, v7  }
0x15c: {  	v7 =	vadd.s32 $0xFFFFFFFF, v9  }
0x15d: {  	vm3 =	vlt.s32 v7, $0x810  }
0x15e: {  	vm1 =	vmand vm1, vm3  }
0x15f: {  	v53 =	vmpcnt.ones.xlane vm1  }
0x160: {  	vm3 =	vgt.s32 v10, $0xFFFFFFFF  }
0x161: {  	v54 =	vsel vm3, $0x1, v2;
	v4 =	vadd.s32 v4, v53;
	v11, _, _ =	vpop (xrf0)  }
0x162: {  	v12 =	vld [tilespmem:s29+$0x0];
	(xrf0) =	vadd.scan.msk.s32 $0xffff, v54;
	v11 =	vadd.s32 v11, v4  }
0x163: {  	v55 =	vadd.s32 $0xFFFFFFFF, v11  }
0x164: {  	vm4 =	vlt.s32 v55, $0x810  }
0x165: {  	vm2 =	vmand vm2, vm4  }
0x166: {  	v56 =	vmpcnt.ones.xlane vm2  }
0x167: {  	vm5 =	vgt.s32 v12, $0xFFFFFFFF  }
0x168: {  	v57 =	vsel vm5, $0x1, v2;
	v13, _, _ =	vpop (xrf0);
	v4 =	vadd.s32 v4, v56  }
0x169: {  	(xrf0) =	vadd.scan.msk.s32 $0xffff, v57;
	v13 =	vadd.s32 v13, v4  }
0x16a: {  	v58 =	vadd.s32 $0xFFFFFFFF, v13  }
0x16b: {  	vm15 =	vlt.s32 v58, $0x810  }
0x16c: {  	vm4 =	vmand vm3, vm15  }
0x16d: {  	v59 =	vmpcnt.ones.xlane vm4  }
0x16e: {  	v14 =	vld [tilespmem:s29+$0x10]  }
0x16f: {  	v60, _, _ =	vpop (xrf0);
	v4 =	vadd.s32 v4, v59  }
0x170: {  	v13 =	vadd.s32 v60, v4  }
0x171: {  	v13 =	vadd.s32 $0xFFFFFFFF, v13  }
0x172: {  	v3 =	vshll.u32 v3, $0x16;
	vm3 =	vlt.s32 v13, $0x810  }
0x173: {  	s0 =	sadd.s32 s26, s30;
	v5 =	vshll.u32 v5, $0x16;
	vm5 =	vmand vm5, vm3;
	vm3 =	vgt.s32 v14, $0xFFFFFFFF  }
0x174: {  	s0 =	sshll.u32 s0, $0xB;
	v12 =	vshll.u32 v12, $0x16;
	v62 =	vshll.u32 v14, $0x16;
	v15 =	vsel vm3, $0x1, v2  }
0x175: {  	s2 =	simm.s32 $0x10;
	s8 =	simm.s32 $0x20;
	v61 =	vld [tilespmem:s29+$0x20];
	s1 =	sor.u32 s0, s28;
	v3 =	vand.u32 $0x7C00000, v3;
	v5 =	vand.u32 $0x7C00000, v5;
	v8 =	vshll.u32 v8, $0x16;
	(xrf0) =	vadd.scan.msk.s32 $0xffff, v15  }
0x176: {  	s7 =	sor.u32 s0, s2;
	s13 =	sor.u32 s0, s8;
	v12 =	vand.u32 $0x7C00000, v12;
	v3 =	vor.u32 s1, v3;
	v8 =	vand.u32 $0x7C00000, v8  }
0x177: {  	s4 =	simm.s32 $0x40;
	v5 =	vor.u32 s7, v5;
	v3 =	vor.u32 v1, v3;
	v8 =	vor.u32 s13, v8  }
0x178: {  	s2 =	simm.s32 $0x30;
	s7 =	sor.u32 s0, s4;
	v5 =	vor.u32 v1, v5;
	v8 =	vor.u32 v1, v8;
	v10 =	vshll.u32 v10, $0x16  }
0x179: {  	s1 =	sor.u32 s0, s2;
	[tilespmem:v6+s16+$0x0] =	vst.idx.msk vm0, v3;
	v6 =	vor.u32 s7, v12;
	v10 =	vand.u32 $0x7C00000, v10;
	v16 =	vmpcnt.ones.xlane vm5  }
0x17a: {  	s8 =	simm.s32 $0x50;
	vm0 =	vgt.s32 v61, $0xFFFFFFFF;
	v6 =	vor.u32 v1, v6;
	v10 =	vor.u32 s1, v10  }
0x17b: {  	s1 =	sor.u32 s0, s8;
	v3 =	vor.u32 v1, v10;
	[tilespmem:v7+s16+$0x0] =	vst.idx.msk vm1, v5;
	v5 =	vand.u32 $0x7C00000, v62;
	v7 =	vadd.s32 v4, v16;
	v4, _, _ =	vpop (xrf0)  }
0x17c: {  	[tilespmem:v55+s16+$0x0] =	vst.idx.msk vm2, v8;
	v8 =	vor.u32 s1, v5;
	v5 =	vshll.u32 v61, $0x16;
	v4 =	vadd.s32 v4, v7  }
0x17d: {  	[tilespmem:v58+s16+$0x0] =	vst.idx.msk vm4, v3;
	v3 =	vand.u32 $0x7C00000, v5;
	v5 =	vadd.s32 $0xFFFFFFFF, v4;
	v4 =	vsel vm0, $0x1, v2  }
0x17e: {  	s13 =	simm.s32 $0x60;
	[tilespmem:v13+s16+$0x0] =	vst.idx.msk vm5, v6;
	v6 =	vld [tilespmem:s29+$0x30];
	(xrf0) =	vadd.scan.msk.s32 $0xffff, v4  }
0x17f: {  	s1 =	sor.u32 s0, s13  }
0x180: {  	v63 =	vor.u32 s1, v3;
	vm1 =	vlt.s32 v5, $0x810  }
0x181: {  	s31 =	simm.s32 $0x0;
	s2 =	smov.u32 s29;
	v3 =	vor.u32 v1, v8;
	s1 =	simm.s32 $0x0;
	v4 =	vor.u32 v1, v63;
	vm1 =	vmand vm3, vm1  }
.LBB2_16:
0x182: {  	s31 =	sadd.s32 $0x8, s31;
	v8 =	vmpcnt.ones.xlane vm1  }
0x183: {  	s4 =	sadd.s32 $0x70, s1;
	p0 =	slt.u32 s31, $0x78;
	vm2 =	vgt.s32 v6, $0xFFFFFFFF;
	v6 =	vshll.u32 v6, $0x16  }
0x184: {  	s2 =	sadd.s32 $0x80, s2;
	s4 =	sor.u32 s0, s4;
	v7 =	vadd.s32 v7, v8;
	v6 =	vand.u32 $0x7C00000, v6;
	v8 =	vsel vm2, $0x1, v2;
	v9, _, _ =	vpop (xrf0)  }
0x185: {  	v10 =	vld [tilespmem:s2+$0xFFFFFFC0];
	v9 =	vadd.s32 v9, v7;
	v6 =	vor.u32 s4, v6;
	(xrf0) =	vadd.scan.msk.s32 $0xffff, v8  }
0x186: {  	v8 =	vadd.s32 $0xFFFFFFFF, v9;
	v6 =	vor.u32 v1, v6  }
0x187: {  	[tilespmem:v5+s16+$0x0] =	vst.idx.msk vm1, v3;
	vm1 =	vlt.s32 v8, $0x810  }
0x188: {  	vm1 =	vmand vm0, vm1  }
0x189: {  	v3 =	vmpcnt.ones.xlane vm1  }
0x18a: {  	s1 =	sadd.s32 $0x80, s1;
	vm0 =	vgt.s32 v10, $0xFFFFFFFF;
	v5 =	vshll.u32 v10, $0x16  }
0x18b: {  	s4 =	sor.u32 s0, s1;
	v5 =	vand.u32 $0x7C00000, v5;
	v9 =	vsel vm0, $0x1, v2;
	v3 =	vadd.s32 v7, v3;
	v7, _, _ =	vpop (xrf0)  }
0x18c: {  	v5 =	vor.u32 s4, v5;
	v10 =	vld [tilespmem:s2+$0xFFFFFFD0];
	(xrf0) =	vadd.scan.msk.s32 $0xffff, v9;
	v7 =	vadd.s32 v7, v3  }
0x18d: {  	v5 =	vor.u32 v1, v5;
	v7 =	vadd.s32 $0xFFFFFFFF, v7  }
0x18e: {  	[tilespmem:v8+s16+$0x0] =	vst.idx.msk vm1, v4;
	vm1 =	vlt.s32 v7, $0x810  }
0x18f: {  	vm2 =	vmand vm2, vm1  }
0x190: {  	v4 =	vmpcnt.ones.xlane vm2  }
0x191: {  	s4 =	sadd.s32 $0x10, s1;
	vm1 =	vgt.s32 v10, $0xFFFFFFFF;
	v8 =	vshll.u32 v10, $0x16  }
0x192: {  	s4 =	sor.u32 s0, s4;
	v8 =	vand.u32 $0x7C00000, v8;
	v9 =	vsel vm1, $0x1, v2;
	v10, _, _ =	vpop (xrf0);
	v3 =	vadd.s32 v3, v4  }
0x193: {  	v4 =	vadd.s32 v10, v3;
	v8 =	vor.u32 s4, v8;
	v10 =	vld [tilespmem:s2+$0xFFFFFFE0];
	(xrf0) =	vadd.scan.msk.s32 $0xffff, v9  }
0x194: {  	v4 =	vadd.s32 $0xFFFFFFFF, v4;
	v8 =	vor.u32 v1, v8  }
0x195: {  	vm3 =	vlt.s32 v4, $0x810;
	[tilespmem:v7+s16+$0x0] =	vst.idx.msk vm2, v6  }
0x196: {  	vm2 =	vmand vm0, vm3  }
0x197: {  	v6 =	vmpcnt.ones.xlane vm2  }
0x198: {  	s4 =	sadd.s32 $0x20, s1;
	vm0 =	vgt.s32 v10, $0xFFFFFFFF;
	v7 =	vshll.u32 v10, $0x16  }
0x199: {  	s4 =	sor.u32 s0, s4;
	v3 =	vadd.s32 v3, v6;
	v6 =	vand.u32 $0x7C00000, v7;
	v7 =	vsel vm0, $0x1, v2;
	v9, _, _ =	vpop (xrf0)  }
0x19a: {  	v9 =	vadd.s32 v9, v3;
	v6 =	vor.u32 s4, v6;
	v10 =	vld [tilespmem:s2+$0xFFFFFFF0];
	(xrf0) =	vadd.scan.msk.s32 $0xffff, v7  }
0x19b: {  	v7 =	vadd.s32 $0xFFFFFFFF, v9;
	v6 =	vor.u32 v1, v6  }
0x19c: {  	[tilespmem:v4+s16+$0x0] =	vst.idx.msk vm2, v5;
	vm2 =	vlt.s32 v7, $0x810  }
0x19d: {  	vm2 =	vmand vm1, vm2  }
0x19e: {  	v4 =	vmpcnt.ones.xlane vm2  }
0x19f: {  	s4 =	sadd.s32 $0x30, s1;
	vm1 =	vgt.s32 v10, $0xFFFFFFFF;
	v5 =	vshll.u32 v10, $0x16  }
0x1a0: {  	s4 =	sor.u32 s0, s4;
	v3 =	vadd.s32 v3, v4;
	v4 =	vand.u32 $0x7C00000, v5;
	v5 =	vsel vm1, $0x1, v2;
	v9, _, _ =	vpop (xrf0)  }
0x1a1: {  	v9 =	vadd.s32 v9, v3;
	v4 =	vor.u32 s4, v4;
	v10 =	vld [tilespmem:s2+$0x0];
	(xrf0) =	vadd.scan.msk.s32 $0xffff, v5  }
0x1a2: {  	v5 =	vadd.s32 $0xFFFFFFFF, v9;
	v4 =	vor.u32 v1, v4  }
0x1a3: {  	[tilespmem:v7+s16+$0x0] =	vst.idx.msk vm2, v8;
	vm2 =	vlt.s32 v5, $0x810  }
0x1a4: {  	vm2 =	vmand vm0, vm2  }
0x1a5: {  	v7 =	vmpcnt.ones.xlane vm2  }
0x1a6: {  	s4 =	sadd.s32 $0x40, s1;
	vm0 =	vgt.s32 v10, $0xFFFFFFFF;
	v8 =	vshll.u32 v10, $0x16  }
0x1a7: {  	s4 =	sor.u32 s0, s4;
	v3 =	vadd.s32 v3, v7;
	v7 =	vand.u32 $0x7C00000, v8;
	v8 =	vsel vm0, $0x1, v2;
	v9, _, _ =	vpop (xrf0)  }
0x1a8: {  	v9 =	vadd.s32 v9, v3;
	v7 =	vor.u32 s4, v7;
	v10 =	vld [tilespmem:s2+$0x10];
	(xrf0) =	vadd.scan.msk.s32 $0xffff, v8  }
0x1a9: {  	v8 =	vadd.s32 $0xFFFFFFFF, v9;
	v9 =	vor.u32 v1, v7  }
0x1aa: {  	[tilespmem:v5+s16+$0x0] =	vst.idx.msk vm2, v6;
	vm2 =	vlt.s32 v8, $0x810  }
0x1ab: {  	vm2 =	vmand vm1, vm2  }
0x1ac: {  	v5 =	vmpcnt.ones.xlane vm2  }
0x1ad: {  	s4 =	sadd.s32 $0x50, s1;
	vm1 =	vgt.s32 v10, $0xFFFFFFFF;
	v6 =	vshll.u32 v10, $0x16  }
0x1ae: {  	s4 =	sor.u32 s0, s4;
	v5 =	vadd.s32 v3, v5;
	v3 =	vand.u32 $0x7C00000, v6;
	v6 =	vsel vm1, $0x1, v2;
	v7, _, _ =	vpop (xrf0)  }
0x1af: {  	v7 =	vadd.s32 v7, v5;
	v3 =	vor.u32 s4, v3;
	v10 =	vld [tilespmem:s2+$0x20];
	(xrf0) =	vadd.scan.msk.s32 $0xffff, v6  }
0x1b0: {  	v11 =	vadd.s32 $0xFFFFFFFF, v7;
	v3 =	vor.u32 v1, v3  }
0x1b1: {  	[tilespmem:v8+s16+$0x0] =	vst.idx.msk vm2, v4;
	vm2 =	vlt.s32 v11, $0x810  }
0x1b2: {  	vm2 =	vmand vm0, vm2  }
0x1b3: {  	v4 =	vmpcnt.ones.xlane vm2  }
0x1b4: {  	s4 =	sadd.s32 $0x60, s1;
	vm0 =	vgt.s32 v10, $0xFFFFFFFF;
	v8 =	vshll.u32 v10, $0x16  }
.Ltmp15:
0x1b5: {  	s4 =	sor.u32 s0, s4;
	v7 =	vadd.s32 v5, v4;
	v4 =	vand.u32 $0x7C00000, v8;
	v5 =	vsel vm0, $0x1, v2;
	v6, _, _ =	vpop (xrf0);
	(pc) =	sbr.rel @p0 .LBB2_16-.Ltmp15, $4  }
0x1b6: {  	v8 =	vadd.s32 v6, v7;
	v4 =	vor.u32 s4, v4;
	v6 =	vld [tilespmem:s2+$0x30];
	(xrf0) =	vadd.scan.msk.s32 $0xffff, v5  }
0x1b7: {  	v5 =	vadd.s32 $0xFFFFFFFF, v8;
	v4 =	vor.u32 v1, v4  }
0x1b8: {  	[tilespmem:v11+s16+$0x0] =	vst.idx.msk vm2, v9;
	vm2 =	vlt.s32 v5, $0x810  }
0x1b9: {  	vm1 =	vmand vm1, vm2  }
0x1ba: {  	v8 =	vmpcnt.ones.xlane vm1  }
0x1bb: {  	vm2 =	vgt.s32 v6, $0xFFFFFFFF  }
0x1bc: {  	v7 =	vadd.s32 v7, v8;
	v59 =	vsel vm2, $0x1, v2;
	v9, _, _ =	vpop (xrf0)  }
0x1bd: {  	v9 =	vadd.s32 v9, v7;
	(xrf0) =	vadd.scan.msk.s32 $0xffff, v59  }
0x1be: {  	v60 =	vadd.s32 $0xFFFFFFFF, v9  }
0x1bf: {  	vm3 =	vlt.s32 v60, $0x810  }
0x1c0: {  	vm0 =	vmand vm0, vm3  }
0x1c1: {  	v61 =	vmpcnt.ones.xlane vm0;
	_ =	sdelay $0x1  }
0x1c2: {  	v7 =	vadd.s32 v7, v61;
	v62, _, _ =	vpop (xrf0)  }
0x1c3: {  	v9 =	vadd.s32 v62, v7  }
0x1c4: {  	v9 =	vadd.s32 $0xFFFFFFFF, v9  }
0x1c5: {  	vm15 =	vlt.s32 v9, $0x810  }
0x1c6: {  	vm2 =	vmand vm2, vm15  }
0x1c7: {  	v10 =	vmpcnt.ones.xlane vm2;
	_ =	sdelay $0x1  }
0x1c8: {  	v7 =	vadd.s32 v7, v10  }
0x1c9: {  	v7 =	vxor.u32 $0x80000000, v7  }
0x1ca: {  	(xrf0) =	vmax.scan.msk.u32 $0xffff, v7;
	_ =	sdelay $0x5  }
0x1cb: {  	v7, _, _ =	vpop (xrf0)  }
0x1cc: {  	(v2sf) =	vpush v7, $0xF;
	_ =	sdelay $0xe  }
0x1cd: {  	s2 =	spop (v2sf)  }
0x1ce: {  	s4 =	sadd.s32 $0x8000000F, s2  }
0x1cf: {  	s7 =	sand.u32 $0xF, s4  }
0x1d0: {  	s13 =	sshra.s32 s4, $0x1F;
	p1 =	slt.s32 s4, $0x1;
	p0 =	sne.s32 s7, $0x0  }
0x1d1: {  	s7 =	sshrl.u32 s13, $0x1C;
	p0 =	por !p1, !p0  }
0x1d2: {  	s4 =	sadd.s32 s7, s4;
	s7 =	simm.s32 $0x1;
	p0 =	por !p0, !p0  }
0x1d3: {  	s31 =	sshra.s32 s4, $0x4;
	s7 =	simm.s32 @!p0 $0x0  }
0x1d4: {  	s4 =	ssub.s32 s31, s7  }
0x1d5: {  	p0 =	slt.s32 s4, $0x1  }
.Ltmp16:
0x1d6: {  	s1 =	sadd.s32 $0x70, s1;
	v63 =	vshll.u32 v6, $0x16;
	(pc) =	sbr.rel @p0 .LBB2_23-.Ltmp16, $4  }
0x1d7: {  	s0 =	sor.u32 s0, s1;
	v6 =	vand.u32 $0x7C00000, v63  }
0x1d8: {  	[tilespmem:v5+s16+$0x0] =	vst.idx.msk vm1, v3;
	v6 =	vor.u32 s0, v6  }
0x1d9: {  	v3 =	vor.u32 v1, v6;
	[tilespmem:v60+s16+$0x0] =	vst.idx.msk vm0, v4  }
0x1da: {  	[tilespmem:v9+s16+$0x0] =	vst.idx.msk vm2, v3  }
0x1db: {  	p1 =	sne.s32 s4, $0x1  }
.Ltmp17:
0x1dc: {  	_ = 	snop;
	(pc) =	sbr.rel @!p1 .LBB2_22-.Ltmp17, $4  }
0x1dd: {  	_ = 	snop  }
0x1de: {  	s2 =	sxor.u32 $0x80000000, s2;
	s0 =	simm.s32 $0x8100  }
0x1df: {  	s1 =	simm.s32 $0x0;
	s7 =	sadd.s32 $0xFFFFFFFF, s4;
	p0 =	por $0x0, $0x0  }
0x1e0: {  	s4 =	simm.s32 $0x0;
	s13 =	smov.u32 s24;
	v3 =	vmov s2;
	s2 =	simm.s32 $0x8100  }
0x1e1: {  	v4 =	vld [tilespmem:s0+$0x0];
	_ =	sdelay $0x4  }
0x1e2: {  	v5 =	vor.u32 s1, v1;
	v6 =	vshrl.u32 v4, $0x16  }
0x1e3: {  	vm1 =	vlt.s32 v5, v3;
	v5 =	vand.u32 $0x1F, v6  }
0x1e4: {  	v6 =	vsel vm1, $0x1, v2;
	(xrf1) =	vunique.msk.u32 vm1, v5  }
0x1e5: {  	(xrf0) =	vadd.scan.msk.s32 $0xffff, v6;
	_ =	sdelay $0x2  }
0x1e6: {  	v6 =	vmov s24  }
0x1e7: {  	v6 =	vadd.s32 $0xFFFFFFFF, v6  }
0x1e8: {  	v6 =	vbroadcast v6, $0x0  }
0x1e9: {  	v8, _, _ =	vpop (xrf0)  }
0x1ea: {  	v6 =	vadd.s32 v8, v6  }
0x1eb: {  	vm0 =	vlt.s32 v6, $0x3000  }
0x1ec: {  	vm0 =	vmand vm1, vm0  }
0x1ed: {  	v7 =	vld.idx.msk [tilespmem:v5+s11+$0x0], $0xffff;
	v9 =	vsel vm0, $0x1, v2  }
0x1ee: {  	p1 =	sne.s32 s7, $0x1;
	(xrf0) =	vadd.scan.msk.s32 $0xffff, v9  }
.Ltmp18:
0x1ef: {  	_ = 	snop;
	(pc) =	sbr.rel @!p1 .LBB2_20-.Ltmp18, $4  }
0x1f0: {  	_ = 	snop  }
0x1f1: {  	_, v8, vm2 =	vpop (xrf1)  }
0x1f2: {  	s7 =	sadd.s32 $0xFFFFFFFF, s7;
	p0 =	por $0x1, $0x1;
	v7 =	vadd.s32 v7, v8;
	vm1 =	vmand vm1, vm2  }
0x1f3: {  	s2 =	simm.s32 $0x8100;
	s4 =	simm.s32 $0x0;
	s13 =	smov.u32 s24;
	v8 =	vadd.s32 $0xFFFFFFFF, v7  }
.LBB2_21:
0x1f4: {  	p1 =	sne.s32 s7, $0x1;
	vm2 =	vlt.s32 v8, $0x1D4C0  }
0x1f5: {  	v8 =	vnsel vm2, $0x1D680, v8  }
0x1f6: {  	[tilespmem:v6+s17+$0x0] =	vst.idx.msk vm0, v8  }
0x1f7: {  	[tilespmem:v6+s18+$0x0] =	vst.idx.msk vm0, v4  }
0x1f8: {  	s2 =	sadd.s32 $0x10, s2;
	[tilespmem:v5+s11+$0x0] =	vst.idx.msk vm1, v7;
	v5, _, _ =	vpop (xrf0)  }
0x1f9: {  	v4 =	vld [tilespmem:s2+$0x0];
	(v2sf) =	vpush v5, $0xF;
	_ =	sdelay $0x6  }
0x1fa: {  	s4 =	sadd.s32 $0x10, s4  }
0x1fb: {  	v5 =	vor.u32 s4, v1;
	v6 =	vshrl.u32 v4, $0x16  }
0x1fc: {  	vm1 =	vlt.s32 v5, v3;
	v5 =	vand.u32 $0x1F, v6  }
0x1fd: {  	(xrf1) =	vunique.msk.u32 vm1, v5;
	_ =	sdelay $0x2  }
0x1fe: {  	v6 =	vsel vm1, $0x1, v2  }
0x1ff: {  	(xrf0) =	vadd.scan.msk.s32 $0xffff, v6  }
0x200: {  	s8 =	spop (v2sf)  }
0x201: {  	s13 =	sadd.s32 s13, s8  }
0x202: {  	v6 =	vmov s13  }
0x203: {  	v6 =	vadd.s32 $0xFFFFFFFF, v6  }
0x204: {  	v7 =	vld.idx.msk [tilespmem:v5+s11+$0x0], $0xffff;
	v6 =	vbroadcast v6, $0x0  }
0x205: {  	v8, _, _ =	vpop (xrf0)  }
0x206: {  	v6 =	vadd.s32 v8, v6  }
.Ltmp19:
0x207: {  	vm0 =	vlt.s32 v6, $0x3000;
	(pc) =	sbr.rel @p1 .LBB2_21-.Ltmp19, $4  }
0x208: {  	vm0 =	vmand vm1, vm0  }
0x209: {  	v8 =	vsel vm0, $0x1, v2;
	_, v9, vm2 =	vpop (xrf1)  }
0x20a: {  	v7 =	vadd.s32 v7, v9;
	vm1 =	vmand vm1, vm2;
	(xrf0) =	vadd.scan.msk.s32 $0xffff, v8  }
0x20b: {  	s7 =	sadd.s32 $0xFFFFFFFF, s7;
	v8 =	vadd.s32 $0xFFFFFFFF, v7  }
.Ltmp20:
0x20c: {  	_ = 	snop;
	(pc) =	sbr.rel .LBB2_22-.Ltmp20, $1  }
0x20d: {  	_ =	sdelay $0x3  }
.LBB2_25:
0x20e: {  	s0 =	sadd.s32 $0x7F, s24  }
0x20f: {  	s0 =	sshrl.u32 s0, $0x7  }
0x210: {  	p0 =	seq.s32 s0, $0x0  }
.Ltmp21:
0x211: {  	_ = 	snop;
	(pc) =	sbr.rel @p0 .LBB2_31-.Ltmp21, $1  }
0x212: {  	_ =	sdelay $0x3  }
0x213: {  	p0 =	sne.s32 s0, $0x1  }
.Ltmp22:
0x214: {  	_ = 	snop;
	(pc) =	sbr.rel @!p0 .LBB2_28-.Ltmp22, $3  }
0x215: {  	_ =	sdelay $0x1  }
0x216: {  	s1 =	simm.s32 $0xB980;
	s2 =	simm.s32 $0x8980;
	s4 =	sadd.s32 $0xFFFFFFFF, s0  }
0x217: {  	[hbm4b:s5+s20] =	stream.indirect.scatter [tilespmem:s1], [sflag:$0x3], $0x1, s2, s20, $0xb8;
	[tilespmem:$0xE980] =	vst v63  }
.LBB2_27:
0x218: {  	p1 =	sne.s32 s4, $0x1  }
.Ltmp23:
0x219: {  	_ = 	snop;
	(pc) =	sbr.rel @p1 .LBB2_27-.Ltmp23, $4  }
0x21a: {  	_ = 	snop  }
0x21b: {  	s1 =	sadd.s32 $0x80, s1;
	s2 =	sadd.s32 $0x80, s2  }
0x21c: {  	s4 =	sadd.s32 $0xFFFFFFFF, s4  }
0x21d: {  	[hbm4b:s5+s20] =	stream.indirect.scatter [tilespmem:s1], [sflag:$0x3], $0x1, s2, s20, $0xb8;
	[tilespmem:$0xE980] =	vst v63  }
.LBB2_28:
.Ltmp24:
0x21e: {  	(pc) =	sbr.rel @!p0 .LBB2_30-.Ltmp24, $3  }
0x21f: {  	_ =	sdelay $0x1  }
0x220: {  	_ =	swait.ge [sflag:s21], $0x80  }
0x221: {  	s0 =	sadd.s32 $0xFFFFFFFF, s0;
	[sflag:s21] =	ssyncset.done $0x0  }
.LBB2_29:
0x222: {  	p0 =	sne.s32 s0, $0x1;
	s0 =	sadd.s32 $0xFFFFFFFF, s0;
	[sflag:s21] =	ssyncadd.s32 $0xFFFFFF80  }
.Ltmp25:
0x223: {  	(pc) =	sbr.rel @p0 .LBB2_29-.Ltmp25, $3  }
0x224: {  	_ =	sdelay $0x1  }
0x225: {  	_ =	swait.ge [sflag:s21], $0x80  }
0x226: {  	[sflag:s21] =	ssyncset.done $0x0  }
.Ltmp26:
0x227: {  	_ = 	snop;
	(pc) =	sbr.rel .LBB2_30-.Ltmp26, $1  }
0x228: {  	_ =	sdelay $0x3  }
.LBB2_32:
0x229: {  	_ =	sfence.sel $0x180000  }
0x22a: {  	[bflag:$0x0] =	sbarrier.arrive $0xFFFF  }
0x22b: {  	_ =	strace $0x90000047  }
0x22c: {  	s0 =	stileid.u32;
	[bflag:$0x2] =	sbarrier.arrive $0xFFFF  }
0x22d: {  	p0 =	sne.s32 s0, $0x0;
	s0 =	rddreg [dreg:$0x2]  }
0x22e: {  	s0 =	sadd.s32 @!p0 $0x100000, s0  }
0x22f: {  	[sflag:s0] =	ssyncadd.tile.s32 @!p0 $0x1;
	_ =	shalt  }
.Lfunc_end2:
_tile_overlayer_lowered:
.L_overlay_start_2:
0x230: {  	(tag) =	ssettag $0x2  }
0x231: {  	s0 =	rddreg [dreg:$0x0];
	s2 =	stileid.u32  }
0x232: {  	s1 =	rddreg [dreg:$0x1];
	p0 =	sne.s32 s2, $0x0  }
0x233: {  	s3 =	rddreg [dreg:$0x2];
	[bflag:$0x3] =	sbarrier.arrive $0xFFFF;
	s2 =	simm.s32 @!p0 $0x1C04  }
0x234: {  	[timem:s3], [sflag:s2] =	dma.local @!p0 [hbm:s0], s1  }
0x235: {  	s0 =	simm.s32 @!p0 $0x4  }
0x236: {  	_ =	swait.ge @!p0 [sflag:s0], s1  }
0x237: {  	s1 =	ssub.s32 @!p0 $0x0, s1;
	[sflag:s0] =	ssyncset.done @!p0 $0x0  }
0x238: {  	[sflag:s0] =	ssyncadd.s32 @!p0 s1  }
0x239: {  	[bflag:$0x3] =	sbarrier.arrive $0xFFFF  }
0x23a: {  	_ =	shalt  }

</sc_bundles>
